<compile_context>
chip_gen: v7x
topology: tpu7x:2x2x1
jax: 0.10.2.dev20260603
libtpu: 0.0.44.dev20260713+nightly
codegen_flags: <defaults>
</compile_context>

<pallas_src>
import functools

import jax
import jax.numpy as jnp
from jax import lax
from jax.experimental import pallas as pl
from jax.experimental.pallas import tpu as pltpu
from jax.experimental.pallas import tpu_sc as plsc

_N = 10000
_E = 320000
_H = 128
_NC = 2
_NS = 16
_NW = _NC * _NS
_EW = _E // _NW
_CH = 128
_EWM = 9984
_NCHUNK = _EWM // _CH
_NDBL = _NCHUNK // 2
_XBASE = _NW * _EWM
_RT = 624
_REM0 = _NS * _RT
_REM = _N - _REM0

_BLK = 1000
_NBLK = _N // _BLK

_f32 = jnp.float32



def _sc_body(with_deg, *refs):
    if with_deg:
        (h, src, dst, zrows, zdeg, part, degpart,
         acc, dacc, idx0, idx1, didx0, didx1, didx2, didx3, rows0, rows1,
         ones_v, degv,
         isem0, isem1, dsem0, dsem1, dsem2, dsem3,
         gsem0, gsem1, ssem0, ssem1) = refs
    else:
        (h, src, dst, zrows, part,
         acc, idx0, idx1, didx0, didx1, didx2, didx3, rows0, rows1,
         isem0, isem1, dsem0, dsem1, dsem2, dsem3,
         gsem0, gsem1, ssem0, ssem1) = refs
    idx = (idx0, idx1)
    didx = (didx0, didx1, didx2, didx3)
    rows = (rows0, rows1)
    isem = (isem0, isem1)
    dsem = (dsem0, dsem1, dsem2, dsem3)
    gsem = (gsem0, gsem1)
    ssem = (ssem0, ssem1)

    c = lax.axis_index("c")
    s = lax.axis_index("s")
    wid = s * _NC + c

    pltpu.sync_copy(zrows.at[pl.ds(s * _RT, _RT)], acc.at[pl.ds(s * _RT, _RT)])

    @pl.when(s == 0)
    def _():
        pltpu.sync_copy(zrows.at[pl.ds(_REM0, _REM)],
                        acc.at[pl.ds(_REM0, _REM)])
    if with_deg:
        @pl.when(s == 0)
        def _():
            pltpu.sync_copy(zdeg, degv)
            pltpu.sync_copy(degv, dacc)
        for k in range(_CH // 16):
            ones_v[pl.ds(k * 16, 16)] = jnp.ones((16,), _f32)
    plsc.subcore_barrier()

    base = wid * _EWM

    def load_idx(i, b, d):
        off = base + i * _CH
        pltpu.async_copy(src.at[pl.ds(off, _CH)], idx[b], isem[b])
        pltpu.async_copy(dst.at[pl.ds(off, _CH)], didx[d], dsem[d])

    def wait_idx(b):
        pltpu.make_async_copy(src.at[pl.ds(0, _CH)], idx[b], isem[b]).wait()

    def wait_didx(d):
        pltpu.make_async_copy(dst.at[pl.ds(0, _CH)], didx[d], dsem[d]).wait()

    def start_gather(b):
        pltpu.async_copy(h.at[idx[b]], rows[b], gsem[b])

    def wait_gather(b):
        pltpu.make_async_copy(h.at[idx[b]], rows[b], gsem[b]).wait()

    def start_scatter(b, d):
        pltpu.async_copy(rows[b], acc.at[didx[d]], ssem[b], add=True)

    def wait_scatter(b, d):
        pltpu.make_async_copy(rows[b], acc.at[didx[d]], ssem[b]).wait()

    load_idx(0, 0, 0)
    load_idx(1, 1, 1)
    wait_idx(0)
    start_gather(0)

    def dbl(j, carry):
        for b in (0, 1):
            i = 2 * j + b

            @pl.when(i + 1 < _NCHUNK)
            def _():
                wait_idx(1 - b)

                @pl.when(i >= 1)
                def _():
                    wait_scatter(1 - b, 0)

                start_gather(1 - b)

            wait_gather(b)
            for par in (0, 1):
                dd = 2 * par + b

                @pl.when(j % 2 == par)
                def _():
                    wait_didx(dd)
                    start_scatter(b, dd)
                    if with_deg:
                        pltpu.sync_copy(ones_v, dacc.at[didx[dd]], add=True)

                    @pl.when(i + 2 < _NCHUNK)
                    def _():
                        load_idx(i + 2, b, (dd + 2) % 4)
        return carry

    lax.fori_loop(0, _NDBL, dbl, 0)
    wait_scatter(0, 0)
    wait_scatter(1, 1)

    @pl.when(wid < 4)
    def _():
        off = _XBASE + wid * _CH
        pltpu.sync_copy(src.at[pl.ds(off, _CH)], idx0)
        pltpu.async_copy(h.at[idx0], rows0, gsem0).wait()
        pltpu.sync_copy(dst.at[pl.ds(off, _CH)], didx0)
        pltpu.sync_copy(rows0, acc.at[didx0], add=True)
        if with_deg:
            pltpu.sync_copy(ones_v, dacc.at[didx0], add=True)

    plsc.subcore_barrier()

    pltpu.sync_copy(acc.at[pl.ds(s * _RT, _RT)],
                    part.at[pl.ds(c * _N + s * _RT, _RT)])

    @pl.when(s == 0)
    def _():
        pltpu.sync_copy(acc.at[pl.ds(_REM0, _REM)],
                        part.at[pl.ds(c * _N + _REM0, _REM)])
    if with_deg:
        @pl.when(s == 0)
        def _():
            pltpu.sync_copy(dacc, degv)
            pltpu.sync_copy(degv, degpart.at[pl.ds(c * _N, _N)])


def _make_sc(with_deg):
    mesh = plsc.VectorSubcoreMesh(core_axis_name="c", subcore_axis_name="s")
    out_type = [jax.ShapeDtypeStruct((2 * _N, _H), _f32)]
    scratch = [
        pltpu.VMEM_SHARED((_N, _H), _f32),
    ]
    if with_deg:
        out_type.append(jax.ShapeDtypeStruct((2 * _N,), _f32))
        scratch.append(pltpu.VMEM_SHARED((_N,), _f32))
    scratch += [
        pltpu.VMEM((_CH,), jnp.int32),
        pltpu.VMEM((_CH,), jnp.int32),
        pltpu.VMEM((_CH,), jnp.int32),
        pltpu.VMEM((_CH,), jnp.int32),
        pltpu.VMEM((_CH,), jnp.int32),
        pltpu.VMEM((_CH,), jnp.int32),
        pltpu.VMEM((_CH, _H), _f32),
        pltpu.VMEM((_CH, _H), _f32),
    ]
    if with_deg:
        scratch.append(pltpu.VMEM((_CH,), _f32))
        scratch.append(pltpu.VMEM((_N,), _f32))
    scratch += [pltpu.SemaphoreType.DMA] * 10
    return pl.kernel(
        functools.partial(_sc_body, with_deg),
        out_type=out_type,
        mesh=mesh,
        scratch_types=scratch,
    )



def _embed_self_body(h_ref, wet_ref, be_ref, wl_ref, b_ref, h0_ref, s_ref):
    h0 = (
        jnp.dot(h_ref[...], wet_ref[...], preferred_element_type=_f32)
        + be_ref[...]
    )
    h0_ref[...] = h0
    s_ref[...] = (
        jnp.dot(h0, wl_ref[...], preferred_element_type=_f32) + b_ref[...]
    )


def _self_body(h_ref, wl_ref, b_ref, s_ref):
    s_ref[...] = (
        jnp.dot(h_ref[...], wl_ref[...], preferred_element_type=_f32)
        + b_ref[...]
    )


def _combine_body(first, last, *refs):
    if first:
        (h_ref, s_ref, p0_ref, p1_ref, d0_ref, d1_ref,
         wet_ref, be_ref, wr_ref, o_ref, inv_ref) = refs
        dsum = d0_ref[...] + d1_ref[...]
        inv = 1.0 / jnp.maximum(dsum, 1.0)
        mask = jnp.where(dsum > 0.0, 1.0, 0.0)
        rawagg = (p0_ref[...] + p1_ref[...]) * inv
        agg = (
            jnp.dot(rawagg, wet_ref[...], preferred_element_type=_f32)
            + be_ref[...] * mask
        )
    elif last:
        (h_ref, s_ref, p0_ref, p1_ref, inv_in_ref, wr_ref,
         pp_ref, pn_ref, fc_ref, o_ref, cs_ref, y_ref) = refs
        agg = (p0_ref[...] + p1_ref[...]) * inv_in_ref[...]
    else:
        (h_ref, s_ref, p0_ref, p1_ref, inv_in_ref, wr_ref, o_ref) = refs
        agg = (p0_ref[...] + p1_ref[...]) * inv_in_ref[...]
    bundle = s_ref[...] + jnp.dot(agg, wr_ref[...],
                                  preferred_element_type=_f32)
    nrm = jnp.maximum(
        jnp.sqrt(jnp.sum(bundle * bundle, axis=1, keepdims=True)), 1e-12)
    out = h_ref[...] + jnp.maximum(bundle / nrm, 0.0)
    o_ref[...] = out
    if first:
        inv_ref[...] = inv
    if last:
        i = pl.program_id(0)
        colsum = jnp.sum(out, axis=0, keepdims=True)

        @pl.when(i == 0)
        def _():
            cs_ref[...] = colsum

        @pl.when(i > 0)
        def _():
            cs_ref[...] += colsum

        @pl.when(i == _NBLK - 1)
        def _():
            hg = cs_ref[...] * (1.0 / _N)
            dp = jnp.sum((hg - pp_ref[...]) ** 2, axis=1, keepdims=True)
            dn = jnp.sum((hg - pn_ref[...]) ** 2, axis=1, keepdims=True)
            d = jnp.concatenate([dp, dn], axis=0)
            ss = jnp.log((d + 1.0) / (d + 1e-12))
            yv = jnp.sum(ss * fc_ref[...])
            y_ref[...] = jnp.reshape(jax.nn.sigmoid(yv), (1, 1))


def _row_spec(off=0):
    return pl.BlockSpec((_BLK, _H), lambda i: (i + off, 0))


def _full_spec(shape):
    return pl.BlockSpec(shape, lambda i: tuple(0 for _ in shape))


def _embed_self_call(h, wet, be, wl, b):
    return pl.pallas_call(
        _embed_self_body,
        grid=(_NBLK,),
        in_specs=[_row_spec(), _full_spec((_H, _H)), _full_spec((1, _H)),
                  _full_spec((_H, _H)), _full_spec((1, _H))],
        out_specs=[_row_spec(), _row_spec()],
        out_shape=[jax.ShapeDtypeStruct((_N, _H), _f32),
                   jax.ShapeDtypeStruct((_N, _H), _f32)],
    )(h, wet, be, wl, b)


def _self_call(h, wl, b):
    return pl.pallas_call(
        _self_body,
        grid=(_NBLK,),
        in_specs=[_row_spec(), _full_spec((_H, _H)), _full_spec((1, _H))],
        out_specs=_row_spec(),
        out_shape=jax.ShapeDtypeStruct((_N, _H), _f32),
    )(h, wl, b)


def _combine_call(first, last, h, s, part, *rest):
    col_spec = pl.BlockSpec((_BLK, 1), lambda i: (i, 0))
    col2_spec1 = pl.BlockSpec((_BLK, 1), lambda i: (i + _NBLK, 0))
    in_specs = [
        _row_spec(),
        _row_spec(),
        _row_spec(),
        _row_spec(_NBLK),
    ]
    args = [h, s, part, part]
    if first:
        deg2, wet, be, wr = rest
        in_specs += [col_spec, col2_spec1,
                     _full_spec((_H, _H)), _full_spec((1, _H)),
                     _full_spec((_H, _H))]
        args += [deg2, deg2, wet, be, wr]
    elif last:
        inv, wr, pp, pn, fc = rest
        in_specs += [col_spec, _full_spec((_H, _H)),
                     _full_spec((4, _H)), _full_spec((4, _H)),
                     _full_spec((8, 1))]
        args += [inv, wr, pp, pn, fc]
    else:
        inv, wr = rest
        in_specs += [col_spec, _full_spec((_H, _H))]
        args += [inv, wr]
    out_specs = [_row_spec()]
    out_shape = [jax.ShapeDtypeStruct((_N, _H), _f32)]
    if first:
        out_specs.append(pl.BlockSpec((_BLK, 1), lambda i: (i, 0)))
        out_shape.append(jax.ShapeDtypeStruct((_N, 1), _f32))
    if last:
        out_specs.append(pl.BlockSpec((1, _H), lambda i: (0, 0)))
        out_shape.append(jax.ShapeDtypeStruct((1, _H), _f32))
        out_specs.append(pl.BlockSpec((1, 1), lambda i: (0, 0)))
        out_shape.append(jax.ShapeDtypeStruct((1, 1), _f32))
    return pl.pallas_call(
        functools.partial(_combine_body, first, last),
        grid=(_NBLK,),
        in_specs=in_specs,
        out_specs=out_specs,
        out_shape=out_shape,
    )(*args)


_sc_seg_deg = _make_sc(True)
_sc_seg = _make_sc(False)


def kernel(h, edge_index, e, W_embed, b_embed, W0, b0, W1, b1, W2, b2,
           p_pos, p_neg, FC_w):
    src = edge_index[0]
    dst = edge_index[1]
    zrows = jnp.zeros((_N, _H), _f32)
    zdeg = jnp.zeros((_N,), _f32)

    part1, degpart = _sc_seg_deg(h, src, dst, zrows, zdeg)
    h0, s1 = _embed_self_call(h, W_embed.T, b_embed.reshape(1, _H),
                              W0[:, :_H].T, b0.reshape(1, _H))
    h1, inv = _combine_call(True, False, h0, s1, part1,
                            degpart.reshape(2 * _N, 1),
                            W_embed.T, b_embed.reshape(1, _H),
                            W0[:, _H:].T)

    part2, = _sc_seg(h1, src, dst, zrows)
    s2 = _self_call(h1, W1[:, :_H].T, b1.reshape(1, _H))
    h2, = _combine_call(False, False, h1, s2, part2, inv, W1[:, _H:].T)

    part3, = _sc_seg(h2, src, dst, zrows)
    s3 = _self_call(h2, W2[:, :_H].T, b2.reshape(1, _H))
    _h3, _cs, y = _combine_call(False, True, h2, s3, part3, inv,
                                W2[:, _H:].T, p_pos, p_neg,
                                FC_w.reshape(8, 1))
    return y.reshape(())

# --- scband reference (transcript-rebuilt; emitter-appended) ---
"""Pipeline reference for scband-tes-gnng-net-3556232921301 (READ-ONLY COPY).

The authoritative reference and input builder live on the scoring server;
editing this copy changes nothing except your own understanding.
"""

import jax, jax.numpy as jnp
import numpy as np

N = 10000
E = 320000
IN_DIM = 128
HID = 128
NPROT = 4
N_LAYERS = 3


def setup_inputs(seed: int = 0):
    key = jax.random.key(seed)
    ks = jax.random.split(key, 20)
    inp = {}
    inp["h"] = jax.random.normal(ks[0], (N, IN_DIM), dtype=jnp.float32)
    inp["edge_index"] = jax.random.randint(ks[1], (2, E), 0, N, dtype=jnp.int32)
    inp["e"] = jax.random.normal(ks[2], (E, 4), dtype=jnp.float32)
    s = 1.0 / np.sqrt(IN_DIM)
    inp["W_embed"] = jax.random.uniform(ks[3], (HID, IN_DIM), minval=-s, maxval=s, dtype=jnp.float32)
    inp["b_embed"] = jax.random.uniform(ks[4], (HID,), minval=-s, maxval=s, dtype=jnp.float32)
    s2 = 1.0 / np.sqrt(2 * HID)
    for i in range(N_LAYERS):
        inp["W%d" % i] = jax.random.uniform(ks[5 + 2 * i], (HID, 2 * HID), minval=-s2, maxval=s2, dtype=jnp.float32)
        inp["b%d" % i] = jax.random.uniform(ks[6 + 2 * i], (HID,), minval=-s2, maxval=s2, dtype=jnp.float32)
    inp["p_pos"] = jax.random.uniform(ks[11], (NPROT, HID), dtype=jnp.float32)
    inp["p_neg"] = jax.random.uniform(ks[12], (NPROT, HID), dtype=jnp.float32)
    s3 = 1.0 / np.sqrt(2 * NPROT)
    inp["FC_w"] = jax.random.uniform(ks[13], (1, 2 * NPROT), minval=-s3, maxval=s3, dtype=jnp.float32)
    return inp


def _forward(h, e, W_embed, b_embed, W0, b0, W1, b1, W2, b2, p_pos, p_neg, FC_w, edge_index):
    # embedding_h
    src = edge_index[0]
    dst = edge_index[1]
    n = h.shape[0]
    h = h @ W_embed.T + b_embed
    # in-degree for mean aggregation (dgl mean gives 0 for isolated nodes)
    deg = jax.ops.segment_sum(jnp.ones((src.shape[0],), jnp.float32), dst, num_segments=n)
    deg = jnp.maximum(deg, 1.0)[:, None]
    # GraphSage layers: mean aggregator + NodeApply (concat -> linear -> l2 normalize -> relu), residual
    for W, b in ((W0, b0), (W1, b1), (W2, b2)):
        h_in = h
        agg = jax.ops.segment_sum(h[src], dst, num_segments=n) / deg
        bundle = jnp.concatenate([h, agg], axis=1) @ W.T + b
        nrm = jnp.maximum(jnp.linalg.norm(bundle, axis=1, keepdims=True), 1e-12)
        bundle = bundle / nrm
        h = h_in + jax.nn.relu(bundle)
    # graph readout (single graph => mean over all nodes)
    hg = jnp.mean(h, axis=0, keepdims=True)
    # prototype similarities
    sims = []
    for prot in range(NPROT):
        d = jnp.sum((hg - p_pos[prot]) ** 2, axis=1, keepdims=True)
        sims.append(jnp.log((d + 1.0) / (d + 1e-12)))
    for prot in range(NPROT):
        d = jnp.sum((hg - p_neg[prot]) ** 2, axis=1, keepdims=True)
        sims.append(jnp.log((d + 1.0) / (d + 1e-12)))
    ss = jnp.concatenate(sims, axis=1)
    y = ss @ FC_w.T
    return jnp.squeeze(jax.nn.sigmoid(y))


def reference(h, edge_index, e, W_embed, b_embed, W0, b0, W1, b1, W2, b2, p_pos, p_neg, FC_w):
    return _forward(h, e, W_embed, b_embed, W0, b0, W1, b1, W2, b2, p_pos, p_neg, FC_w, edge_index)

if __name__ == "__main__":
    import jax
    _d = setup_inputs()
    print(jax.jit(kernel)(*tuple(_d.values())))

</pallas_src>

<mosaic_0001>
#map = affine_map<(d0, d1) -> (0, 0)>
#map1 = affine_map<(d0, d1) -> (0)>
module attributes {stable_mosaic.version = 14 : i64} {
  func.func @_sc_body(%arg0: i32, %arg1: i32, %arg2: memref<10000x128xf32, #tpu.memory_space<hbm>>, %arg3: memref<320000xi32, #tpu.memory_space<hbm>>, %arg4: memref<320000xi32, #tpu.memory_space<hbm>>, %arg5: memref<10000x128xf32, #tpu.memory_space<hbm>>, %arg6: memref<10000xf32, #tpu.memory_space<hbm>>, %arg7: memref<20000x128xf32, #tpu.memory_space<hbm>>, %arg8: memref<20000xf32, #tpu.memory_space<hbm>>, %arg9: memref<10000x128xf32, #tpu.memory_space<vmem_shared>>, %arg10: memref<10000xf32, #tpu.memory_space<vmem_shared>>, %arg11: memref<128xi32, #tpu.memory_space<vmem>>, %arg12: memref<128xi32, #tpu.memory_space<vmem>>, %arg13: memref<128xi32, #tpu.memory_space<vmem>>, %arg14: memref<128xi32, #tpu.memory_space<vmem>>, %arg15: memref<128xi32, #tpu.memory_space<vmem>>, %arg16: memref<128xi32, #tpu.memory_space<vmem>>, %arg17: memref<128x128xf32, #tpu.memory_space<vmem>>, %arg18: memref<128x128xf32, #tpu.memory_space<vmem>>, %arg19: memref<128xf32, #tpu.memory_space<vmem>>, %arg20: memref<10000xf32, #tpu.memory_space<vmem>>, %arg21: memref<!tpu.dma_semaphore, #tpu.memory_space<semaphore_mem>>, %arg22: memref<!tpu.dma_semaphore, #tpu.memory_space<semaphore_mem>>, %arg23: memref<!tpu.dma_semaphore, #tpu.memory_space<semaphore_mem>>, %arg24: memref<!tpu.dma_semaphore, #tpu.memory_space<semaphore_mem>>, %arg25: memref<!tpu.dma_semaphore, #tpu.memory_space<semaphore_mem>>, %arg26: memref<!tpu.dma_semaphore, #tpu.memory_space<semaphore_mem>>, %arg27: memref<!tpu.dma_semaphore, #tpu.memory_space<semaphore_mem>>, %arg28: memref<!tpu.dma_semaphore, #tpu.memory_space<semaphore_mem>>, %arg29: memref<!tpu.dma_semaphore, #tpu.memory_space<semaphore_mem>>, %arg30: memref<!tpu.dma_semaphore, #tpu.memory_space<semaphore_mem>>) attributes {dimension_semantics = [#tpu.dimension_semantics<core_parallel>, #tpu.dimension_semantics<subcore_parallel>], iteration_bounds = array<i64: 2, 16>, scalar_prefetch = 0 : i64, scratch_operands = 22 : i64, tpu.core_type = #tpu.core_type<sc_vector_subcore>, window_params = [{transform_indices = #map}, {transform_indices = #map1}, {transform_indices = #map1}, {transform_indices = #map}, {transform_indices = #map1}, {transform_indices = #map}, {transform_indices = #map1}]} {
    %mul3A = arith.constant 2 : i32
    %mul3A_0 = arith.muli %arg1, %mul3A : i32
    %add3A = arith.addi %mul3A_0, %arg0 : i32
    %mul3A_1 = arith.constant 624 : i32
    %mul3A_2 = arith.muli %arg1, %mul3A_1 : i32
    %mul3A_3 = arith.constant 624 : i32
    %mul3A_4 = arith.muli %arg1, %mul3A_3 : i32
    "tpu.region"() ({
      %run_scoped3A = tpu.sem_alloc : memref<!tpu.dma_semaphore, #tpu.memory_space<semaphore_mem>>
      %dma_start3A_110 = arith.constant 0 : i32
      %dma_start3A_111 = tpu.memref_slice %arg9[%mul3A_4, %dma_start3A_110] : memref<10000x128xf32, #tpu.memory_space<vmem_shared>> -> memref<624x128xf32, #tpu.memory_space<vmem_shared>>
      %dma_start3A_112 = arith.constant 0 : i32
      %dma_start3A_113 = tpu.memref_slice %arg5[%mul3A_2, %dma_start3A_112] : memref<10000x128xf32, #tpu.memory_space<hbm>> -> memref<624x128xf32, #tpu.memory_space<hbm>>
      tpu.enqueue_dma source(%dma_start3A_113 : memref<624x128xf32, #tpu.memory_space<hbm>>) target(%dma_start3A_111 : memref<624x128xf32, #tpu.memory_space<vmem_shared>>) target_semaphore(%run_scoped3A : memref<!tpu.dma_semaphore, #tpu.memory_space<semaphore_mem>>)
      %dma_wait3A_114 = arith.constant 0 : i32
      %dma_wait3A_115 = tpu.memref_slice %arg9[%mul3A_4, %dma_wait3A_114] : memref<10000x128xf32, #tpu.memory_space<vmem_shared>> -> memref<624x128xf32, #tpu.memory_space<vmem_shared>>
      %dma_wait3A_116 = arith.constant 0 : i32
      %dma_wait3A_117 = tpu.memref_slice %arg5[%mul3A_2, %dma_wait3A_116] : memref<10000x128xf32, #tpu.memory_space<hbm>> -> memref<624x128xf32, #tpu.memory_space<hbm>>
      tpu.wait_dma2 semaphore(%run_scoped3A : memref<!tpu.dma_semaphore, #tpu.memory_space<semaphore_mem>>) src(%dma_wait3A_117 : memref<624x128xf32, #tpu.memory_space<hbm>>) dst(%dma_wait3A_115 : memref<624x128xf32, #tpu.memory_space<vmem_shared>>)
      tpu.yield
    }) : () -> ()
    %eq3A = arith.constant 0 : i32
    %eq3A_5 = arith.cmpi eq, %arg1, %eq3A : i32
    %convert_element_type3A = arith.extui %eq3A_5 : i1 to i32
    %cond3A = arith.constant 0 : i32
    %cond3A_6 = arith.cmpi ne, %convert_element_type3A, %cond3A : i32
    scf.if %cond3A_6 {
      "tpu.region"() ({
        %run_scoped3A = tpu.sem_alloc : memref<!tpu.dma_semaphore, #tpu.memory_space<semaphore_mem>>
        %dma_start3A_110 = arith.constant 9984 : i32
        %dma_start3A_111 = arith.constant 0 : i32
        %dma_start3A_112 = tpu.memref_slice %arg9[%dma_start3A_110, %dma_start3A_111] : memref<10000x128xf32, #tpu.memory_space<vmem_shared>> -> memref<16x128xf32, #tpu.memory_space<vmem_shared>>
        %dma_start3A_113 = arith.constant 9984 : i32
        %dma_start3A_114 = arith.constant 0 : i32
        %dma_start3A_115 = tpu.memref_slice %arg5[%dma_start3A_113, %dma_start3A_114] : memref<10000x128xf32, #tpu.memory_space<hbm>> -> memref<16x128xf32, #tpu.memory_space<hbm>>
        tpu.enqueue_dma source(%dma_start3A_115 : memref<16x128xf32, #tpu.memory_space<hbm>>) target(%dma_start3A_112 : memref<16x128xf32, #tpu.memory_space<vmem_shared>>) target_semaphore(%run_scoped3A : memref<!tpu.dma_semaphore, #tpu.memory_space<semaphore_mem>>)
        %dma_wait3A_116 = arith.constant 9984 : i32
        %dma_wait3A_117 = arith.constant 0 : i32
        %dma_wait3A_118 = tpu.memref_slice %arg9[%dma_wait3A_116, %dma_wait3A_117] : memref<10000x128xf32, #tpu.memory_space<vmem_shared>> -> memref<16x128xf32, #tpu.memory_space<vmem_shared>>
        %dma_wait3A_119 = arith.constant 9984 : i32
        %dma_wait3A_120 = arith.constant 0 : i32
        %dma_wait3A_121 = tpu.memref_slice %arg5[%dma_wait3A_119, %dma_wait3A_120] : memref<10000x128xf32, #tpu.memory_space<hbm>> -> memref<16x128xf32, #tpu.memory_space<hbm>>
        tpu.wait_dma2 semaphore(%run_scoped3A : memref<!tpu.dma_semaphore, #tpu.memory_space<semaphore_mem>>) src(%dma_wait3A_121 : memref<16x128xf32, #tpu.memory_space<hbm>>) dst(%dma_wait3A_118 : memref<16x128xf32, #tpu.memory_space<vmem_shared>>)
        tpu.yield
      }) : () -> ()
    } else {
    }
    %eq3A_7 = arith.constant 0 : i32
    %eq3A_8 = arith.cmpi eq, %arg1, %eq3A_7 : i32
    %convert_element_type3A_9 = arith.extui %eq3A_8 : i1 to i32
    %cond3A_10 = arith.constant 0 : i32
    %cond3A_11 = arith.cmpi ne, %convert_element_type3A_9, %cond3A_10 : i32
    scf.if %cond3A_11 {
      "tpu.region"() ({
        %run_scoped3A = tpu.sem_alloc : memref<!tpu.dma_semaphore, #tpu.memory_space<semaphore_mem>>
        tpu.enqueue_dma source(%arg6 : memref<10000xf32, #tpu.memory_space<hbm>>) target(%arg20 : memref<10000xf32, #tpu.memory_space<vmem>>) target_semaphore(%run_scoped3A : memref<!tpu.dma_semaphore, #tpu.memory_space<semaphore_mem>>)
        tpu.wait_dma2 semaphore(%run_scoped3A : memref<!tpu.dma_semaphore, #tpu.memory_space<semaphore_mem>>) src(%arg6 : memref<10000xf32, #tpu.memory_space<hbm>>) dst(%arg20 : memref<10000xf32, #tpu.memory_space<vmem>>)
        tpu.yield
      }) : () -> ()
      "tpu.region"() ({
        %run_scoped3A = tpu.sem_alloc : memref<!tpu.dma_semaphore, #tpu.memory_space<semaphore_mem>>
        tpu.enqueue_dma source(%arg20 : memref<10000xf32, #tpu.memory_space<vmem>>) target(%arg10 : memref<10000xf32, #tpu.memory_space<vmem_shared>>) target_semaphore(%run_scoped3A : memref<!tpu.dma_semaphore, #tpu.memory_space<semaphore_mem>>)
        tpu.wait_dma2 semaphore(%run_scoped3A : memref<!tpu.dma_semaphore, #tpu.memory_space<semaphore_mem>>) src(%arg20 : memref<10000xf32, #tpu.memory_space<vmem>>) dst(%arg10 : memref<10000xf32, #tpu.memory_space<vmem_shared>>)
        tpu.yield
      }) : () -> ()
    } else {
    }
    %broadcast_in_dim3A = arith.constant 1.000000e+00 : f32
    %broadcast_in_dim3A_12 = vector.broadcast %broadcast_in_dim3A : f32 to vector<16xf32>
    %swap3A = arith.constant 0 : index
    %swap3A_13 = tpu.vector_load %arg19[%swap3A] {strides = array<i32>} : memref<128xf32, #tpu.memory_space<vmem>>, vector<16xf32>,
    %swap3A_14 = vector.shape_cast %swap3A_13 : vector<16xf32> to vector<16xf32>
    %swap3A_15 = vector.shape_cast %broadcast_in_dim3A_12 : vector<16xf32> to vector<16xf32>
    tpu.vector_store %arg19[%swap3A], %swap3A_15 {strides = array<i32>} : memref<128xf32, #tpu.memory_space<vmem>>, vector<16xf32>,
    %broadcast_in_dim3A_16 = arith.constant 1.000000e+00 : f32
    %broadcast_in_dim3A_17 = vector.broadcast %broadcast_in_dim3A_16 : f32 to vector<16xf32>
    %swap3A_18 = arith.constant 16 : index
    %swap3A_19 = tpu.vector_load %arg19[%swap3A_18] {strides = array<i32>} : memref<128xf32, #tpu.memory_space<vmem>>, vector<16xf32>,
    %swap3A_20 = vector.shape_cast %swap3A_19 : vector<16xf32> to vector<16xf32>
    %swap3A_21 = vector.shape_cast %broadcast_in_dim3A_17 : vector<16xf32> to vector<16xf32>
    tpu.vector_store %arg19[%swap3A_18], %swap3A_21 {strides = array<i32>} : memref<128xf32, #tpu.memory_space<vmem>>, vector<16xf32>,
    %broadcast_in_dim3A_22 = arith.constant 1.000000e+00 : f32
    %broadcast_in_dim3A_23 = vector.broadcast %broadcast_in_dim3A_22 : f32 to vector<16xf32>
    %swap3A_24 = arith.constant 32 : index
    %swap3A_25 = tpu.vector_load %arg19[%swap3A_24] {strides = array<i32>} : memref<128xf32, #tpu.memory_space<vmem>>, vector<16xf32>,
    %swap3A_26 = vector.shape_cast %swap3A_25 : vector<16xf32> to vector<16xf32>
    %swap3A_27 = vector.shape_cast %broadcast_in_dim3A_23 : vector<16xf32> to vector<16xf32>
    tpu.vector_store %arg19[%swap3A_24], %swap3A_27 {strides = array<i32>} : memref<128xf32, #tpu.memory_space<vmem>>, vector<16xf32>,
    %broadcast_in_dim3A_28 = arith.constant 1.000000e+00 : f32
    %broadcast_in_dim3A_29 = vector.broadcast %broadcast_in_dim3A_28 : f32 to vector<16xf32>
    %swap3A_30 = arith.constant 48 : index
    %swap3A_31 = tpu.vector_load %arg19[%swap3A_30] {strides = array<i32>} : memref<128xf32, #tpu.memory_space<vmem>>, vector<16xf32>,
    %swap3A_32 = vector.shape_cast %swap3A_31 : vector<16xf32> to vector<16xf32>
    %swap3A_33 = vector.shape_cast %broadcast_in_dim3A_29 : vector<16xf32> to vector<16xf32>
    tpu.vector_store %arg19[%swap3A_30], %swap3A_33 {strides = array<i32>} : memref<128xf32, #tpu.memory_space<vmem>>, vector<16xf32>,
    %broadcast_in_dim3A_34 = arith.constant 1.000000e+00 : f32
    %broadcast_in_dim3A_35 = vector.broadcast %broadcast_in_dim3A_34 : f32 to vector<16xf32>
    %swap3A_36 = arith.constant 64 : index
    %swap3A_37 = tpu.vector_load %arg19[%swap3A_36] {strides = array<i32>} : memref<128xf32, #tpu.memory_space<vmem>>, vector<16xf32>,
    %swap3A_38 = vector.shape_cast %swap3A_37 : vector<16xf32> to vector<16xf32>
    %swap3A_39 = vector.shape_cast %broadcast_in_dim3A_35 : vector<16xf32> to vector<16xf32>
    tpu.vector_store %arg19[%swap3A_36], %swap3A_39 {strides = array<i32>} : memref<128xf32, #tpu.memory_space<vmem>>, vector<16xf32>,
    %broadcast_in_dim3A_40 = arith.constant 1.000000e+00 : f32
    %broadcast_in_dim3A_41 = vector.broadcast %broadcast_in_dim3A_40 : f32 to vector<16xf32>
    %swap3A_42 = arith.constant 80 : index
    %swap3A_43 = tpu.vector_load %arg19[%swap3A_42] {strides = array<i32>} : memref<128xf32, #tpu.memory_space<vmem>>, vector<16xf32>,
    %swap3A_44 = vector.shape_cast %swap3A_43 : vector<16xf32> to vector<16xf32>
    %swap3A_45 = vector.shape_cast %broadcast_in_dim3A_41 : vector<16xf32> to vector<16xf32>
    tpu.vector_store %arg19[%swap3A_42], %swap3A_45 {strides = array<i32>} : memref<128xf32, #tpu.memory_space<vmem>>, vector<16xf32>,
    %broadcast_in_dim3A_46 = arith.constant 1.000000e+00 : f32
    %broadcast_in_dim3A_47 = vector.broadcast %broadcast_in_dim3A_46 : f32 to vector<16xf32>
    %swap3A_48 = arith.constant 96 : index
    %swap3A_49 = tpu.vector_load %arg19[%swap3A_48] {strides = array<i32>} : memref<128xf32, #tpu.memory_space<vmem>>, vector<16xf32>,
    %swap3A_50 = vector.shape_cast %swap3A_49 : vector<16xf32> to vector<16xf32>
    %swap3A_51 = vector.shape_cast %broadcast_in_dim3A_47 : vector<16xf32> to vector<16xf32>
    tpu.vector_store %arg19[%swap3A_48], %swap3A_51 {strides = array<i32>} : memref<128xf32, #tpu.memory_space<vmem>>, vector<16xf32>,
    %broadcast_in_dim3A_52 = arith.constant 1.000000e+00 : f32
    %broadcast_in_dim3A_53 = vector.broadcast %broadcast_in_dim3A_52 : f32 to vector<16xf32>
    %swap3A_54 = arith.constant 112 : index
    %swap3A_55 = tpu.vector_load %arg19[%swap3A_54] {strides = array<i32>} : memref<128xf32, #tpu.memory_space<vmem>>, vector<16xf32>,
    %swap3A_56 = vector.shape_cast %swap3A_55 : vector<16xf32> to vector<16xf32>
    %swap3A_57 = vector.shape_cast %broadcast_in_dim3A_53 : vector<16xf32> to vector<16xf32>
    tpu.vector_store %arg19[%swap3A_54], %swap3A_57 {strides = array<i32>} : memref<128xf32, #tpu.memory_space<vmem>>, vector<16xf32>,
    %barrier3A = arith.constant 0 : index
    tpu.barrier barrier_id(%barrier3A)
    %mul3A_58 = arith.constant 9984 : i32
    %mul3A_59 = arith.muli %add3A, %mul3A_58 : i32
    %add3A_60 = arith.constant 0 : i32
    %add3A_61 = arith.addi %mul3A_59, %add3A_60 : i32
    %dma_start3A = tpu.memref_slice %arg3[%add3A_61] : memref<320000xi32, #tpu.memory_space<hbm>> -> memref<128xi32, #tpu.memory_space<hbm>>
    %dma_start3A_62 = tpu.memref_slice %arg3[%add3A_61] : memref<320000xi32, #tpu.memory_space<hbm>> -> memref<128xi32, #tpu.memory_space<hbm>>
    tpu.enqueue_dma source(%dma_start3A_62 : memref<128xi32, #tpu.memory_space<hbm>>) target(%arg11 : memref<128xi32, #tpu.memory_space<vmem>>) target_semaphore(%arg21 : memref<!tpu.dma_semaphore, #tpu.memory_space<semaphore_mem>>)
    %dma_start3A_63 = tpu.memref_slice %arg4[%add3A_61] : memref<320000xi32, #tpu.memory_space<hbm>> -> memref<128xi32, #tpu.memory_space<hbm>>
    %dma_start3A_64 = tpu.memref_slice %arg4[%add3A_61] : memref<320000xi32, #tpu.memory_space<hbm>> -> memref<128xi32, #tpu.memory_space<hbm>>
    tpu.enqueue_dma source(%dma_start3A_64 : memref<128xi32, #tpu.memory_space<hbm>>) target(%arg13 : memref<128xi32, #tpu.memory_space<vmem>>) target_semaphore(%arg23 : memref<!tpu.dma_semaphore, #tpu.memory_space<semaphore_mem>>)
    %add3A_65 = arith.constant 128 : i32
    %add3A_66 = arith.addi %mul3A_59, %add3A_65 : i32
    %dma_start3A_67 = tpu.memref_slice %arg3[%add3A_66] : memref<320000xi32, #tpu.memory_space<hbm>> -> memref<128xi32, #tpu.memory_space<hbm>>
    %dma_start3A_68 = tpu.memref_slice %arg3[%add3A_66] : memref<320000xi32, #tpu.memory_space<hbm>> -> memref<128xi32, #tpu.memory_space<hbm>>
    tpu.enqueue_dma source(%dma_start3A_68 : memref<128xi32, #tpu.memory_space<hbm>>) target(%arg12 : memref<128xi32, #tpu.memory_space<vmem>>) target_semaphore(%arg22 : memref<!tpu.dma_semaphore, #tpu.memory_space<semaphore_mem>>)
    %dma_start3A_69 = tpu.memref_slice %arg4[%add3A_66] : memref<320000xi32, #tpu.memory_space<hbm>> -> memref<128xi32, #tpu.memory_space<hbm>>
    %dma_start3A_70 = tpu.memref_slice %arg4[%add3A_66] : memref<320000xi32, #tpu.memory_space<hbm>> -> memref<128xi32, #tpu.memory_space<hbm>>
    tpu.enqueue_dma source(%dma_start3A_70 : memref<128xi32, #tpu.memory_space<hbm>>) target(%arg14 : memref<128xi32, #tpu.memory_space<vmem>>) target_semaphore(%arg24 : memref<!tpu.dma_semaphore, #tpu.memory_space<semaphore_mem>>)
    %dma_wait3A = arith.constant 0 : i32
    %dma_wait3A_71 = tpu.memref_slice %arg3[%dma_wait3A] : memref<320000xi32, #tpu.memory_space<hbm>> -> memref<128xi32, #tpu.memory_space<hbm>>
    %dma_wait3A_72 = arith.constant 0 : i32
    %dma_wait3A_73 = tpu.memref_slice %arg3[%dma_wait3A_72] : memref<320000xi32, #tpu.memory_space<hbm>> -> memref<128xi32, #tpu.memory_space<hbm>>
    tpu.wait_dma2 semaphore(%arg21 : memref<!tpu.dma_semaphore, #tpu.memory_space<semaphore_mem>>) src(%dma_wait3A_73 : memref<128xi32, #tpu.memory_space<hbm>>) dst(%arg11 : memref<128xi32, #tpu.memory_space<vmem>>)
    %dma_start3A_74 = arith.constant 0 : i32
    %dma_start3A_75 = arith.constant 0 : i32
    %dma_start3A_76 = tpu.memref_slice %arg2[%dma_start3A_74, %dma_start3A_75] : memref<10000x128xf32, #tpu.memory_space<hbm>> -> memref<10000x128xf32, #tpu.memory_space<hbm>>
    tpu.enqueue_indirect_dma source(%dma_start3A_76 : memref<10000x128xf32, #tpu.memory_space<hbm>>) target(%arg17 : memref<128x128xf32, #tpu.memory_space<vmem>>) offsets(%arg11 : memref<128xi32, #tpu.memory_space<vmem>>) semaphore(%arg27 : memref<!tpu.dma_semaphore, #tpu.memory_space<semaphore_mem>>)
    %scan3A = arith.constant 0 : i32
    %scan3A_77 = arith.constant 0 : i32
    %scan3A_78 = arith.constant 39 : i32
    %scan3A_79 = arith.addi %scan3A_77, %scan3A_78 : i32
    %scan3A_80 = arith.constant 1 : i32
    scf.for %scan3A_110 = %scan3A_77 to %scan3A_79 step %scan3A_80  : i32 {
      %mul3A_111 = arith.constant 2 : i32
      %mul3A_112 = arith.muli %mul3A_111, %scan3A_110 : i32
      %add3A_113 = arith.constant 0 : i32
      %add3A_114 = arith.addi %mul3A_112, %add3A_113 : i32
      %add3A_115 = arith.constant 1 : i32
      %add3A_116 = arith.addi %add3A_114, %add3A_115 : i32
      %lt3A_117 = arith.constant 78 : i32
      %lt3A_118 = arith.cmpi slt, %add3A_116, %lt3A_117 : i32
      %convert_element_type3A_119 = arith.extui %lt3A_118 : i1 to i32
      %cond3A_120 = arith.constant 0 : i32
      %cond3A_121 = arith.cmpi ne, %convert_element_type3A_119, %cond3A_120 : i32
      scf.if %cond3A_121 {
        %dma_wait3A_218 = arith.constant 0 : i32
        %dma_wait3A_219 = tpu.memref_slice %arg3[%dma_wait3A_218] : memref<320000xi32, #tpu.memory_space<hbm>> -> memref<128xi32, #tpu.memory_space<hbm>>
        %dma_wait3A_220 = arith.constant 0 : i32
        %dma_wait3A_221 = tpu.memref_slice %arg3[%dma_wait3A_220] : memref<320000xi32, #tpu.memory_space<hbm>> -> memref<128xi32, #tpu.memory_space<hbm>>
        tpu.wait_dma2 semaphore(%arg22 : memref<!tpu.dma_semaphore, #tpu.memory_space<semaphore_mem>>) src(%dma_wait3A_221 : memref<128xi32, #tpu.memory_space<hbm>>) dst(%arg12 : memref<128xi32, #tpu.memory_space<vmem>>)
        %ge3A = arith.constant 1 : i32
        %ge3A_222 = arith.cmpi sge, %add3A_114, %ge3A : i32
        %convert_element_type3A_223 = arith.extui %ge3A_222 : i1 to i32
        %cond3A_224 = arith.constant 0 : i32
        %cond3A_225 = arith.cmpi ne, %convert_element_type3A_223, %cond3A_224 : i32
        scf.if %cond3A_225 {
          %dma_wait3A_229 = arith.constant 0 : i32
          %dma_wait3A_230 = arith.constant 0 : i32
          %dma_wait3A_231 = tpu.memref_slice %arg9[%dma_wait3A_229, %dma_wait3A_230] : memref<10000x128xf32, #tpu.memory_space<vmem_shared>> -> memref<10000x128xf32, #tpu.memory_space<vmem_shared>>
          tpu.wait_indirect_dma semaphore(%arg30 : memref<!tpu.dma_semaphore, #tpu.memory_space<semaphore_mem>>) src(%arg18 : memref<128x128xf32, #tpu.memory_space<vmem>>) dst(%dma_wait3A_231 : memref<10000x128xf32, #tpu.memory_space<vmem_shared>>)
        } else {
        }
        %dma_start3A_226 = arith.constant 0 : i32
        %dma_start3A_227 = arith.constant 0 : i32
        %dma_start3A_228 = tpu.memref_slice %arg2[%dma_start3A_226, %dma_start3A_227] : memref<10000x128xf32, #tpu.memory_space<hbm>> -> memref<10000x128xf32, #tpu.memory_space<hbm>>
        tpu.enqueue_indirect_dma source(%dma_start3A_228 : memref<10000x128xf32, #tpu.memory_space<hbm>>) target(%arg18 : memref<128x128xf32, #tpu.memory_space<vmem>>) offsets(%arg12 : memref<128xi32, #tpu.memory_space<vmem>>) semaphore(%arg28 : memref<!tpu.dma_semaphore, #tpu.memory_space<semaphore_mem>>)
      } else {
      }
      %dma_wait3A_122 = arith.constant 0 : i32
      %dma_wait3A_123 = arith.constant 0 : i32
      %dma_wait3A_124 = tpu.memref_slice %arg2[%dma_wait3A_122, %dma_wait3A_123] : memref<10000x128xf32, #tpu.memory_space<hbm>> -> memref<10000x128xf32, #tpu.memory_space<hbm>>
      tpu.wait_indirect_dma semaphore(%arg27 : memref<!tpu.dma_semaphore, #tpu.memory_space<semaphore_mem>>) src(%dma_wait3A_124 : memref<10000x128xf32, #tpu.memory_space<hbm>>) dst(%arg17 : memref<128x128xf32, #tpu.memory_space<vmem>>)
      %jit3A = arith.constant 2 : i32
      %eq3A_125 = arith.constant 0 : i32
      %eq3A_126 = arith.cmpi eq, %jit3A, %eq3A_125 : i32
      %jit3A_127 = arith.constant 1 : i32
      %select_n3A = arith.select %eq3A_126, %jit3A_127, %jit3A : i32
      %rem3A = arith.remsi %scan3A_110, %select_n3A : i32
      %ne3A = arith.constant 0 : i32
      %ne3A_128 = arith.cmpi ne, %rem3A, %ne3A : i32
      %lt3A_129 = arith.constant 0 : i32
      %lt3A_130 = arith.cmpi slt, %rem3A, %lt3A_129 : i32
      %lt3A_131 = arith.constant 0 : i32
      %lt3A_132 = arith.cmpi slt, %select_n3A, %lt3A_131 : i32
      %ne3A_133 = arith.xori %lt3A_130, %lt3A_132 : i1
      %and3A = arith.andi %ne3A_133, %ne3A_128 : i1
      %add3A_134 = arith.addi %rem3A, %select_n3A : i32
      %select_n3A_135 = arith.select %and3A, %add3A_134, %rem3A : i32
      %eq3A_136 = arith.constant 0 : i32
      %eq3A_137 = arith.cmpi eq, %select_n3A_135, %eq3A_136 : i32
      %convert_element_type3A_138 = arith.extui %eq3A_137 : i1 to i32
      %cond3A_139 = arith.constant 0 : i32
      %cond3A_140 = arith.cmpi ne, %convert_element_type3A_138, %cond3A_139 : i32
      scf.if %cond3A_140 {
        %dma_wait3A_218 = arith.constant 0 : i32
        %dma_wait3A_219 = tpu.memref_slice %arg4[%dma_wait3A_218] : memref<320000xi32, #tpu.memory_space<hbm>> -> memref<128xi32, #tpu.memory_space<hbm>>
        %dma_wait3A_220 = arith.constant 0 : i32
        %dma_wait3A_221 = tpu.memref_slice %arg4[%dma_wait3A_220] : memref<320000xi32, #tpu.memory_space<hbm>> -> memref<128xi32, #tpu.memory_space<hbm>>
        tpu.wait_dma2 semaphore(%arg23 : memref<!tpu.dma_semaphore, #tpu.memory_space<semaphore_mem>>) src(%dma_wait3A_221 : memref<128xi32, #tpu.memory_space<hbm>>) dst(%arg13 : memref<128xi32, #tpu.memory_space<vmem>>)
        %dma_start3A_222 = arith.constant 0 : i32
        %dma_start3A_223 = arith.constant 0 : i32
        %dma_start3A_224 = tpu.memref_slice %arg9[%dma_start3A_222, %dma_start3A_223] : memref<10000x128xf32, #tpu.memory_space<vmem_shared>> -> memref<10000x128xf32, #tpu.memory_space<vmem_shared>>
        tpu.enqueue_indirect_dma source(%arg17 : memref<128x128xf32, #tpu.memory_space<vmem>>) target(%dma_start3A_224 : memref<10000x128xf32, #tpu.memory_space<vmem_shared>>) offsets(%arg13 : memref<128xi32, #tpu.memory_space<vmem>>) semaphore(%arg29 : memref<!tpu.dma_semaphore, #tpu.memory_space<semaphore_mem>>) {add = true}
        "tpu.region"() ({
          %run_scoped3A = tpu.sem_alloc : memref<!tpu.dma_semaphore, #tpu.memory_space<semaphore_mem>>
          %dma_start3A_232 = arith.constant 0 : i32
          %dma_start3A_233 = tpu.memref_slice %arg10[%dma_start3A_232] : memref<10000xf32, #tpu.memory_space<vmem_shared>> -> memref<10000xf32, #tpu.memory_space<vmem_shared>>
          tpu.enqueue_indirect_dma source(%arg19 : memref<128xf32, #tpu.memory_space<vmem>>) target(%dma_start3A_233 : memref<10000xf32, #tpu.memory_space<vmem_shared>>) offsets(%arg13 : memref<128xi32, #tpu.memory_space<vmem>>) semaphore(%run_scoped3A : memref<!tpu.dma_semaphore, #tpu.memory_space<semaphore_mem>>) {add = true}
          %dma_wait3A_234 = arith.constant 0 : i32
          %dma_wait3A_235 = tpu.memref_slice %arg10[%dma_wait3A_234] : memref<10000xf32, #tpu.memory_space<vmem_shared>> -> memref<10000xf32, #tpu.memory_space<vmem_shared>>
          tpu.wait_indirect_dma semaphore(%run_scoped3A : memref<!tpu.dma_semaphore, #tpu.memory_space<semaphore_mem>>) src(%arg19 : memref<128xf32, #tpu.memory_space<vmem>>) dst(%dma_wait3A_235 : memref<10000xf32, #tpu.memory_space<vmem_shared>>)
          tpu.yield
        }) : () -> ()
        %add3A_225 = arith.constant 2 : i32
        %add3A_226 = arith.addi %add3A_114, %add3A_225 : i32
        %lt3A_227 = arith.constant 78 : i32
        %lt3A_228 = arith.cmpi slt, %add3A_226, %lt3A_227 : i32
        %convert_element_type3A_229 = arith.extui %lt3A_228 : i1 to i32
        %cond3A_230 = arith.constant 0 : i32
        %cond3A_231 = arith.cmpi ne, %convert_element_type3A_229, %cond3A_230 : i32
        scf.if %cond3A_231 {
          %add3A_232 = arith.constant 2 : i32
          %add3A_233 = arith.addi %add3A_114, %add3A_232 : i32
          %mul3A_234 = arith.constant 128 : i32
          %mul3A_235 = arith.muli %add3A_233, %mul3A_234 : i32
          %add3A_236 = arith.addi %mul3A_59, %mul3A_235 : i32
          %dma_start3A_237 = tpu.memref_slice %arg3[%add3A_236] : memref<320000xi32, #tpu.memory_space<hbm>> -> memref<128xi32, #tpu.memory_space<hbm>>
          %dma_start3A_238 = tpu.memref_slice %arg3[%add3A_236] : memref<320000xi32, #tpu.memory_space<hbm>> -> memref<128xi32, #tpu.memory_space<hbm>>
          tpu.enqueue_dma source(%dma_start3A_238 : memref<128xi32, #tpu.memory_space<hbm>>) target(%arg11 : memref<128xi32, #tpu.memory_space<vmem>>) target_semaphore(%arg21 : memref<!tpu.dma_semaphore, #tpu.memory_space<semaphore_mem>>)
          %dma_start3A_239 = tpu.memref_slice %arg4[%add3A_236] : memref<320000xi32, #tpu.memory_space<hbm>> -> memref<128xi32, #tpu.memory_space<hbm>>
          %dma_start3A_240 = tpu.memref_slice %arg4[%add3A_236] : memref<320000xi32, #tpu.memory_space<hbm>> -> memref<128xi32, #tpu.memory_space<hbm>>
          tpu.enqueue_dma source(%dma_start3A_240 : memref<128xi32, #tpu.memory_space<hbm>>) target(%arg15 : memref<128xi32, #tpu.memory_space<vmem>>) target_semaphore(%arg25 : memref<!tpu.dma_semaphore, #tpu.memory_space<semaphore_mem>>)
        } else {
        }
      } else {
      }
      %jit3A_141 = arith.constant 2 : i32
      %eq3A_142 = arith.constant 0 : i32
      %eq3A_143 = arith.cmpi eq, %jit3A_141, %eq3A_142 : i32
      %jit3A_144 = arith.constant 1 : i32
      %select_n3A_145 = arith.select %eq3A_143, %jit3A_144, %jit3A_141 : i32
      %rem3A_146 = arith.remsi %scan3A_110, %select_n3A_145 : i32
      %ne3A_147 = arith.constant 0 : i32
      %ne3A_148 = arith.cmpi ne, %rem3A_146, %ne3A_147 : i32
      %lt3A_149 = arith.constant 0 : i32
      %lt3A_150 = arith.cmpi slt, %rem3A_146, %lt3A_149 : i32
      %lt3A_151 = arith.constant 0 : i32
      %lt3A_152 = arith.cmpi slt, %select_n3A_145, %lt3A_151 : i32
      %ne3A_153 = arith.xori %lt3A_150, %lt3A_152 : i1
      %and3A_154 = arith.andi %ne3A_153, %ne3A_148 : i1
      %add3A_155 = arith.addi %rem3A_146, %select_n3A_145 : i32
      %select_n3A_156 = arith.select %and3A_154, %add3A_155, %rem3A_146 : i32
      %eq3A_157 = arith.constant 1 : i32
      %eq3A_158 = arith.cmpi eq, %select_n3A_156, %eq3A_157 : i32
      %convert_element_type3A_159 = arith.extui %eq3A_158 : i1 to i32
      %cond3A_160 = arith.constant 0 : i32
      %cond3A_161 = arith.cmpi ne, %convert_element_type3A_159, %cond3A_160 : i32
      scf.if %cond3A_161 {
        %dma_wait3A_218 = arith.constant 0 : i32
        %dma_wait3A_219 = tpu.memref_slice %arg4[%dma_wait3A_218] : memref<320000xi32, #tpu.memory_space<hbm>> -> memref<128xi32, #tpu.memory_space<hbm>>
        %dma_wait3A_220 = arith.constant 0 : i32
        %dma_wait3A_221 = tpu.memref_slice %arg4[%dma_wait3A_220] : memref<320000xi32, #tpu.memory_space<hbm>> -> memref<128xi32, #tpu.memory_space<hbm>>
        tpu.wait_dma2 semaphore(%arg25 : memref<!tpu.dma_semaphore, #tpu.memory_space<semaphore_mem>>) src(%dma_wait3A_221 : memref<128xi32, #tpu.memory_space<hbm>>) dst(%arg15 : memref<128xi32, #tpu.memory_space<vmem>>)
        %dma_start3A_222 = arith.constant 0 : i32
        %dma_start3A_223 = arith.constant 0 : i32
        %dma_start3A_224 = tpu.memref_slice %arg9[%dma_start3A_222, %dma_start3A_223] : memref<10000x128xf32, #tpu.memory_space<vmem_shared>> -> memref<10000x128xf32, #tpu.memory_space<vmem_shared>>
        tpu.enqueue_indirect_dma source(%arg17 : memref<128x128xf32, #tpu.memory_space<vmem>>) target(%dma_start3A_224 : memref<10000x128xf32, #tpu.memory_space<vmem_shared>>) offsets(%arg15 : memref<128xi32, #tpu.memory_space<vmem>>) semaphore(%arg29 : memref<!tpu.dma_semaphore, #tpu.memory_space<semaphore_mem>>) {add = true}
        "tpu.region"() ({
          %run_scoped3A = tpu.sem_alloc : memref<!tpu.dma_semaphore, #tpu.memory_space<semaphore_mem>>
          %dma_start3A_232 = arith.constant 0 : i32
          %dma_start3A_233 = tpu.memref_slice %arg10[%dma_start3A_232] : memref<10000xf32, #tpu.memory_space<vmem_shared>> -> memref<10000xf32, #tpu.memory_space<vmem_shared>>
          tpu.enqueue_indirect_dma source(%arg19 : memref<128xf32, #tpu.memory_space<vmem>>) target(%dma_start3A_233 : memref<10000xf32, #tpu.memory_space<vmem_shared>>) offsets(%arg15 : memref<128xi32, #tpu.memory_space<vmem>>) semaphore(%run_scoped3A : memref<!tpu.dma_semaphore, #tpu.memory_space<semaphore_mem>>) {add = true}
          %dma_wait3A_234 = arith.constant 0 : i32
          %dma_wait3A_235 = tpu.memref_slice %arg10[%dma_wait3A_234] : memref<10000xf32, #tpu.memory_space<vmem_shared>> -> memref<10000xf32, #tpu.memory_space<vmem_shared>>
          tpu.wait_indirect_dma semaphore(%run_scoped3A : memref<!tpu.dma_semaphore, #tpu.memory_space<semaphore_mem>>) src(%arg19 : memref<128xf32, #tpu.memory_space<vmem>>) dst(%dma_wait3A_235 : memref<10000xf32, #tpu.memory_space<vmem_shared>>)
          tpu.yield
        }) : () -> ()
        %add3A_225 = arith.constant 2 : i32
        %add3A_226 = arith.addi %add3A_114, %add3A_225 : i32
        %lt3A_227 = arith.constant 78 : i32
        %lt3A_228 = arith.cmpi slt, %add3A_226, %lt3A_227 : i32
        %convert_element_type3A_229 = arith.extui %lt3A_228 : i1 to i32
        %cond3A_230 = arith.constant 0 : i32
        %cond3A_231 = arith.cmpi ne, %convert_element_type3A_229, %cond3A_230 : i32
        scf.if %cond3A_231 {
          %add3A_232 = arith.constant 2 : i32
          %add3A_233 = arith.addi %add3A_114, %add3A_232 : i32
          %mul3A_234 = arith.constant 128 : i32
          %mul3A_235 = arith.muli %add3A_233, %mul3A_234 : i32
          %add3A_236 = arith.addi %mul3A_59, %mul3A_235 : i32
          %dma_start3A_237 = tpu.memref_slice %arg3[%add3A_236] : memref<320000xi32, #tpu.memory_space<hbm>> -> memref<128xi32, #tpu.memory_space<hbm>>
          %dma_start3A_238 = tpu.memref_slice %arg3[%add3A_236] : memref<320000xi32, #tpu.memory_space<hbm>> -> memref<128xi32, #tpu.memory_space<hbm>>
          tpu.enqueue_dma source(%dma_start3A_238 : memref<128xi32, #tpu.memory_space<hbm>>) target(%arg11 : memref<128xi32, #tpu.memory_space<vmem>>) target_semaphore(%arg21 : memref<!tpu.dma_semaphore, #tpu.memory_space<semaphore_mem>>)
          %dma_start3A_239 = tpu.memref_slice %arg4[%add3A_236] : memref<320000xi32, #tpu.memory_space<hbm>> -> memref<128xi32, #tpu.memory_space<hbm>>
          %dma_start3A_240 = tpu.memref_slice %arg4[%add3A_236] : memref<320000xi32, #tpu.memory_space<hbm>> -> memref<128xi32, #tpu.memory_space<hbm>>
          tpu.enqueue_dma source(%dma_start3A_240 : memref<128xi32, #tpu.memory_space<hbm>>) target(%arg13 : memref<128xi32, #tpu.memory_space<vmem>>) target_semaphore(%arg23 : memref<!tpu.dma_semaphore, #tpu.memory_space<semaphore_mem>>)
        } else {
        }
      } else {
      }
      %mul3A_162 = arith.constant 2 : i32
      %mul3A_163 = arith.muli %mul3A_162, %scan3A_110 : i32
      %add3A_164 = arith.constant 1 : i32
      %add3A_165 = arith.addi %mul3A_163, %add3A_164 : i32
      %add3A_166 = arith.constant 1 : i32
      %add3A_167 = arith.addi %add3A_165, %add3A_166 : i32
      %lt3A_168 = arith.constant 78 : i32
      %lt3A_169 = arith.cmpi slt, %add3A_167, %lt3A_168 : i32
      %convert_element_type3A_170 = arith.extui %lt3A_169 : i1 to i32
      %cond3A_171 = arith.constant 0 : i32
      %cond3A_172 = arith.cmpi ne, %convert_element_type3A_170, %cond3A_171 : i32
      scf.if %cond3A_172 {
        %dma_wait3A_218 = arith.constant 0 : i32
        %dma_wait3A_219 = tpu.memref_slice %arg3[%dma_wait3A_218] : memref<320000xi32, #tpu.memory_space<hbm>> -> memref<128xi32, #tpu.memory_space<hbm>>
        %dma_wait3A_220 = arith.constant 0 : i32
        %dma_wait3A_221 = tpu.memref_slice %arg3[%dma_wait3A_220] : memref<320000xi32, #tpu.memory_space<hbm>> -> memref<128xi32, #tpu.memory_space<hbm>>
        tpu.wait_dma2 semaphore(%arg21 : memref<!tpu.dma_semaphore, #tpu.memory_space<semaphore_mem>>) src(%dma_wait3A_221 : memref<128xi32, #tpu.memory_space<hbm>>) dst(%arg11 : memref<128xi32, #tpu.memory_space<vmem>>)
        %ge3A = arith.constant 1 : i32
        %ge3A_222 = arith.cmpi sge, %add3A_165, %ge3A : i32
        %convert_element_type3A_223 = arith.extui %ge3A_222 : i1 to i32
        %cond3A_224 = arith.constant 0 : i32
        %cond3A_225 = arith.cmpi ne, %convert_element_type3A_223, %cond3A_224 : i32
        scf.if %cond3A_225 {
          %dma_wait3A_229 = arith.constant 0 : i32
          %dma_wait3A_230 = arith.constant 0 : i32
          %dma_wait3A_231 = tpu.memref_slice %arg9[%dma_wait3A_229, %dma_wait3A_230] : memref<10000x128xf32, #tpu.memory_space<vmem_shared>> -> memref<10000x128xf32, #tpu.memory_space<vmem_shared>>
          tpu.wait_indirect_dma semaphore(%arg29 : memref<!tpu.dma_semaphore, #tpu.memory_space<semaphore_mem>>) src(%arg17 : memref<128x128xf32, #tpu.memory_space<vmem>>) dst(%dma_wait3A_231 : memref<10000x128xf32, #tpu.memory_space<vmem_shared>>)
        } else {
        }
        %dma_start3A_226 = arith.constant 0 : i32
        %dma_start3A_227 = arith.constant 0 : i32
        %dma_start3A_228 = tpu.memref_slice %arg2[%dma_start3A_226, %dma_start3A_227] : memref<10000x128xf32, #tpu.memory_space<hbm>> -> memref<10000x128xf32, #tpu.memory_space<hbm>>
        tpu.enqueue_indirect_dma source(%dma_start3A_228 : memref<10000x128xf32, #tpu.memory_space<hbm>>) target(%arg17 : memref<128x128xf32, #tpu.memory_space<vmem>>) offsets(%arg11 : memref<128xi32, #tpu.memory_space<vmem>>) semaphore(%arg27 : memref<!tpu.dma_semaphore, #tpu.memory_space<semaphore_mem>>)
      } else {
      }
      %dma_wait3A_173 = arith.constant 0 : i32
      %dma_wait3A_174 = arith.constant 0 : i32
      %dma_wait3A_175 = tpu.memref_slice %arg2[%dma_wait3A_173, %dma_wait3A_174] : memref<10000x128xf32, #tpu.memory_space<hbm>> -> memref<10000x128xf32, #tpu.memory_space<hbm>>
      tpu.wait_indirect_dma semaphore(%arg28 : memref<!tpu.dma_semaphore, #tpu.memory_space<semaphore_mem>>) src(%dma_wait3A_175 : memref<10000x128xf32, #tpu.memory_space<hbm>>) dst(%arg18 : memref<128x128xf32, #tpu.memory_space<vmem>>)
      %jit3A_176 = arith.constant 2 : i32
      %eq3A_177 = arith.constant 0 : i32
      %eq3A_178 = arith.cmpi eq, %jit3A_176, %eq3A_177 : i32
      %jit3A_179 = arith.constant 1 : i32
      %select_n3A_180 = arith.select %eq3A_178, %jit3A_179, %jit3A_176 : i32
      %rem3A_181 = arith.remsi %scan3A_110, %select_n3A_180 : i32
      %ne3A_182 = arith.constant 0 : i32
      %ne3A_183 = arith.cmpi ne, %rem3A_181, %ne3A_182 : i32
      %lt3A_184 = arith.constant 0 : i32
      %lt3A_185 = arith.cmpi slt, %rem3A_181, %lt3A_184 : i32
      %lt3A_186 = arith.constant 0 : i32
      %lt3A_187 = arith.cmpi slt, %select_n3A_180, %lt3A_186 : i32
      %ne3A_188 = arith.xori %lt3A_185, %lt3A_187 : i1
      %and3A_189 = arith.andi %ne3A_188, %ne3A_183 : i1
      %add3A_190 = arith.addi %rem3A_181, %select_n3A_180 : i32
      %select_n3A_191 = arith.select %and3A_189, %add3A_190, %rem3A_181 : i32
      %eq3A_192 = arith.constant 0 : i32
      %eq3A_193 = arith.cmpi eq, %select_n3A_191, %eq3A_192 : i32
      %convert_element_type3A_194 = arith.extui %eq3A_193 : i1 to i32
      %cond3A_195 = arith.constant 0 : i32
      %cond3A_196 = arith.cmpi ne, %convert_element_type3A_194, %cond3A_195 : i32
      scf.if %cond3A_196 {
        %dma_wait3A_218 = arith.constant 0 : i32
        %dma_wait3A_219 = tpu.memref_slice %arg4[%dma_wait3A_218] : memref<320000xi32, #tpu.memory_space<hbm>> -> memref<128xi32, #tpu.memory_space<hbm>>
        %dma_wait3A_220 = arith.constant 0 : i32
        %dma_wait3A_221 = tpu.memref_slice %arg4[%dma_wait3A_220] : memref<320000xi32, #tpu.memory_space<hbm>> -> memref<128xi32, #tpu.memory_space<hbm>>
        tpu.wait_dma2 semaphore(%arg24 : memref<!tpu.dma_semaphore, #tpu.memory_space<semaphore_mem>>) src(%dma_wait3A_221 : memref<128xi32, #tpu.memory_space<hbm>>) dst(%arg14 : memref<128xi32, #tpu.memory_space<vmem>>)
        %dma_start3A_222 = arith.constant 0 : i32
        %dma_start3A_223 = arith.constant 0 : i32
        %dma_start3A_224 = tpu.memref_slice %arg9[%dma_start3A_222, %dma_start3A_223] : memref<10000x128xf32, #tpu.memory_space<vmem_shared>> -> memref<10000x128xf32, #tpu.memory_space<vmem_shared>>
        tpu.enqueue_indirect_dma source(%arg18 : memref<128x128xf32, #tpu.memory_space<vmem>>) target(%dma_start3A_224 : memref<10000x128xf32, #tpu.memory_space<vmem_shared>>) offsets(%arg14 : memref<128xi32, #tpu.memory_space<vmem>>) semaphore(%arg30 : memref<!tpu.dma_semaphore, #tpu.memory_space<semaphore_mem>>) {add = true}
        "tpu.region"() ({
          %run_scoped3A = tpu.sem_alloc : memref<!tpu.dma_semaphore, #tpu.memory_space<semaphore_mem>>
          %dma_start3A_232 = arith.constant 0 : i32
          %dma_start3A_233 = tpu.memref_slice %arg10[%dma_start3A_232] : memref<10000xf32, #tpu.memory_space<vmem_shared>> -> memref<10000xf32, #tpu.memory_space<vmem_shared>>
          tpu.enqueue_indirect_dma source(%arg19 : memref<128xf32, #tpu.memory_space<vmem>>) target(%dma_start3A_233 : memref<10000xf32, #tpu.memory_space<vmem_shared>>) offsets(%arg14 : memref<128xi32, #tpu.memory_space<vmem>>) semaphore(%run_scoped3A : memref<!tpu.dma_semaphore, #tpu.memory_space<semaphore_mem>>) {add = true}
          %dma_wait3A_234 = arith.constant 0 : i32
          %dma_wait3A_235 = tpu.memref_slice %arg10[%dma_wait3A_234] : memref<10000xf32, #tpu.memory_space<vmem_shared>> -> memref<10000xf32, #tpu.memory_space<vmem_shared>>
          tpu.wait_indirect_dma semaphore(%run_scoped3A : memref<!tpu.dma_semaphore, #tpu.memory_space<semaphore_mem>>) src(%arg19 : memref<128xf32, #tpu.memory_space<vmem>>) dst(%dma_wait3A_235 : memref<10000xf32, #tpu.memory_space<vmem_shared>>)
          tpu.yield
        }) : () -> ()
        %add3A_225 = arith.constant 2 : i32
        %add3A_226 = arith.addi %add3A_165, %add3A_225 : i32
        %lt3A_227 = arith.constant 78 : i32
        %lt3A_228 = arith.cmpi slt, %add3A_226, %lt3A_227 : i32
        %convert_element_type3A_229 = arith.extui %lt3A_228 : i1 to i32
        %cond3A_230 = arith.constant 0 : i32
        %cond3A_231 = arith.cmpi ne, %convert_element_type3A_229, %cond3A_230 : i32
        scf.if %cond3A_231 {
          %add3A_232 = arith.constant 2 : i32
          %add3A_233 = arith.addi %add3A_165, %add3A_232 : i32
          %mul3A_234 = arith.constant 128 : i32
          %mul3A_235 = arith.muli %add3A_233, %mul3A_234 : i32
          %add3A_236 = arith.addi %mul3A_59, %mul3A_235 : i32
          %dma_start3A_237 = tpu.memref_slice %arg3[%add3A_236] : memref<320000xi32, #tpu.memory_space<hbm>> -> memref<128xi32, #tpu.memory_space<hbm>>
          %dma_start3A_238 = tpu.memref_slice %arg3[%add3A_236] : memref<320000xi32, #tpu.memory_space<hbm>> -> memref<128xi32, #tpu.memory_space<hbm>>
          tpu.enqueue_dma source(%dma_start3A_238 : memref<128xi32, #tpu.memory_space<hbm>>) target(%arg12 : memref<128xi32, #tpu.memory_space<vmem>>) target_semaphore(%arg22 : memref<!tpu.dma_semaphore, #tpu.memory_space<semaphore_mem>>)
          %dma_start3A_239 = tpu.memref_slice %arg4[%add3A_236] : memref<320000xi32, #tpu.memory_space<hbm>> -> memref<128xi32, #tpu.memory_space<hbm>>
          %dma_start3A_240 = tpu.memref_slice %arg4[%add3A_236] : memref<320000xi32, #tpu.memory_space<hbm>> -> memref<128xi32, #tpu.memory_space<hbm>>
          tpu.enqueue_dma source(%dma_start3A_240 : memref<128xi32, #tpu.memory_space<hbm>>) target(%arg16 : memref<128xi32, #tpu.memory_space<vmem>>) target_semaphore(%arg26 : memref<!tpu.dma_semaphore, #tpu.memory_space<semaphore_mem>>)
        } else {
        }
      } else {
      }
      %jit3A_197 = arith.constant 2 : i32
      %eq3A_198 = arith.constant 0 : i32
      %eq3A_199 = arith.cmpi eq, %jit3A_197, %eq3A_198 : i32
      %jit3A_200 = arith.constant 1 : i32
      %select_n3A_201 = arith.select %eq3A_199, %jit3A_200, %jit3A_197 : i32
      %rem3A_202 = arith.remsi %scan3A_110, %select_n3A_201 : i32
      %ne3A_203 = arith.constant 0 : i32
      %ne3A_204 = arith.cmpi ne, %rem3A_202, %ne3A_203 : i32
      %lt3A_205 = arith.constant 0 : i32
      %lt3A_206 = arith.cmpi slt, %rem3A_202, %lt3A_205 : i32
      %lt3A_207 = arith.constant 0 : i32
      %lt3A_208 = arith.cmpi slt, %select_n3A_201, %lt3A_207 : i32
      %ne3A_209 = arith.xori %lt3A_206, %lt3A_208 : i1
      %and3A_210 = arith.andi %ne3A_209, %ne3A_204 : i1
      %add3A_211 = arith.addi %rem3A_202, %select_n3A_201 : i32
      %select_n3A_212 = arith.select %and3A_210, %add3A_211, %rem3A_202 : i32
      %eq3A_213 = arith.constant 1 : i32
      %eq3A_214 = arith.cmpi eq, %select_n3A_212, %eq3A_213 : i32
      %convert_element_type3A_215 = arith.extui %eq3A_214 : i1 to i32
      %cond3A_216 = arith.constant 0 : i32
      %cond3A_217 = arith.cmpi ne, %convert_element_type3A_215, %cond3A_216 : i32
      scf.if %cond3A_217 {
        %dma_wait3A_218 = arith.constant 0 : i32
        %dma_wait3A_219 = tpu.memref_slice %arg4[%dma_wait3A_218] : memref<320000xi32, #tpu.memory_space<hbm>> -> memref<128xi32, #tpu.memory_space<hbm>>
        %dma_wait3A_220 = arith.constant 0 : i32
        %dma_wait3A_221 = tpu.memref_slice %arg4[%dma_wait3A_220] : memref<320000xi32, #tpu.memory_space<hbm>> -> memref<128xi32, #tpu.memory_space<hbm>>
        tpu.wait_dma2 semaphore(%arg26 : memref<!tpu.dma_semaphore, #tpu.memory_space<semaphore_mem>>) src(%dma_wait3A_221 : memref<128xi32, #tpu.memory_space<hbm>>) dst(%arg16 : memref<128xi32, #tpu.memory_space<vmem>>)
        %dma_start3A_222 = arith.constant 0 : i32
        %dma_start3A_223 = arith.constant 0 : i32
        %dma_start3A_224 = tpu.memref_slice %arg9[%dma_start3A_222, %dma_start3A_223] : memref<10000x128xf32, #tpu.memory_space<vmem_shared>> -> memref<10000x128xf32, #tpu.memory_space<vmem_shared>>
        tpu.enqueue_indirect_dma source(%arg18 : memref<128x128xf32, #tpu.memory_space<vmem>>) target(%dma_start3A_224 : memref<10000x128xf32, #tpu.memory_space<vmem_shared>>) offsets(%arg16 : memref<128xi32, #tpu.memory_space<vmem>>) semaphore(%arg30 : memref<!tpu.dma_semaphore, #tpu.memory_space<semaphore_mem>>) {add = true}
        "tpu.region"() ({
          %run_scoped3A = tpu.sem_alloc : memref<!tpu.dma_semaphore, #tpu.memory_space<semaphore_mem>>
          %dma_start3A_232 = arith.constant 0 : i32
          %dma_start3A_233 = tpu.memref_slice %arg10[%dma_start3A_232] : memref<10000xf32, #tpu.memory_space<vmem_shared>> -> memref<10000xf32, #tpu.memory_space<vmem_shared>>
          tpu.enqueue_indirect_dma source(%arg19 : memref<128xf32, #tpu.memory_space<vmem>>) target(%dma_start3A_233 : memref<10000xf32, #tpu.memory_space<vmem_shared>>) offsets(%arg16 : memref<128xi32, #tpu.memory_space<vmem>>) semaphore(%run_scoped3A : memref<!tpu.dma_semaphore, #tpu.memory_space<semaphore_mem>>) {add = true}
          %dma_wait3A_234 = arith.constant 0 : i32
          %dma_wait3A_235 = tpu.memref_slice %arg10[%dma_wait3A_234] : memref<10000xf32, #tpu.memory_space<vmem_shared>> -> memref<10000xf32, #tpu.memory_space<vmem_shared>>
          tpu.wait_indirect_dma semaphore(%run_scoped3A : memref<!tpu.dma_semaphore, #tpu.memory_space<semaphore_mem>>) src(%arg19 : memref<128xf32, #tpu.memory_space<vmem>>) dst(%dma_wait3A_235 : memref<10000xf32, #tpu.memory_space<vmem_shared>>)
          tpu.yield
        }) : () -> ()
        %add3A_225 = arith.constant 2 : i32
        %add3A_226 = arith.addi %add3A_165, %add3A_225 : i32
        %lt3A_227 = arith.constant 78 : i32
        %lt3A_228 = arith.cmpi slt, %add3A_226, %lt3A_227 : i32
        %convert_element_type3A_229 = arith.extui %lt3A_228 : i1 to i32
        %cond3A_230 = arith.constant 0 : i32
        %cond3A_231 = arith.cmpi ne, %convert_element_type3A_229, %cond3A_230 : i32
        scf.if %cond3A_231 {
          %add3A_232 = arith.constant 2 : i32
          %add3A_233 = arith.addi %add3A_165, %add3A_232 : i32
          %mul3A_234 = arith.constant 128 : i32
          %mul3A_235 = arith.muli %add3A_233, %mul3A_234 : i32
          %add3A_236 = arith.addi %mul3A_59, %mul3A_235 : i32
          %dma_start3A_237 = tpu.memref_slice %arg3[%add3A_236] : memref<320000xi32, #tpu.memory_space<hbm>> -> memref<128xi32, #tpu.memory_space<hbm>>
          %dma_start3A_238 = tpu.memref_slice %arg3[%add3A_236] : memref<320000xi32, #tpu.memory_space<hbm>> -> memref<128xi32, #tpu.memory_space<hbm>>
          tpu.enqueue_dma source(%dma_start3A_238 : memref<128xi32, #tpu.memory_space<hbm>>) target(%arg12 : memref<128xi32, #tpu.memory_space<vmem>>) target_semaphore(%arg22 : memref<!tpu.dma_semaphore, #tpu.memory_space<semaphore_mem>>)
          %dma_start3A_239 = tpu.memref_slice %arg4[%add3A_236] : memref<320000xi32, #tpu.memory_space<hbm>> -> memref<128xi32, #tpu.memory_space<hbm>>
          %dma_start3A_240 = tpu.memref_slice %arg4[%add3A_236] : memref<320000xi32, #tpu.memory_space<hbm>> -> memref<128xi32, #tpu.memory_space<hbm>>
          tpu.enqueue_dma source(%dma_start3A_240 : memref<128xi32, #tpu.memory_space<hbm>>) target(%arg14 : memref<128xi32, #tpu.memory_space<vmem>>) target_semaphore(%arg24 : memref<!tpu.dma_semaphore, #tpu.memory_space<semaphore_mem>>)
        } else {
        }
      } else {
      }
    }
    %scan3A_81 = arith.constant 39 : i32
    %dma_wait3A_82 = arith.constant 0 : i32
    %dma_wait3A_83 = arith.constant 0 : i32
    %dma_wait3A_84 = tpu.memref_slice %arg9[%dma_wait3A_82, %dma_wait3A_83] : memref<10000x128xf32, #tpu.memory_space<vmem_shared>> -> memref<10000x128xf32, #tpu.memory_space<vmem_shared>>
    tpu.wait_indirect_dma semaphore(%arg29 : memref<!tpu.dma_semaphore, #tpu.memory_space<semaphore_mem>>) src(%arg17 : memref<128x128xf32, #tpu.memory_space<vmem>>) dst(%dma_wait3A_84 : memref<10000x128xf32, #tpu.memory_space<vmem_shared>>)
    %dma_wait3A_85 = arith.constant 0 : i32
    %dma_wait3A_86 = arith.constant 0 : i32
    %dma_wait3A_87 = tpu.memref_slice %arg9[%dma_wait3A_85, %dma_wait3A_86] : memref<10000x128xf32, #tpu.memory_space<vmem_shared>> -> memref<10000x128xf32, #tpu.memory_space<vmem_shared>>
    tpu.wait_indirect_dma semaphore(%arg30 : memref<!tpu.dma_semaphore, #tpu.memory_space<semaphore_mem>>) src(%arg18 : memref<128x128xf32, #tpu.memory_space<vmem>>) dst(%dma_wait3A_87 : memref<10000x128xf32, #tpu.memory_space<vmem_shared>>)
    %lt3A = arith.constant 4 : i32
    %lt3A_88 = arith.cmpi slt, %add3A, %lt3A : i32
    %convert_element_type3A_89 = arith.extui %lt3A_88 : i1 to i32
    %cond3A_90 = arith.constant 0 : i32
    %cond3A_91 = arith.cmpi ne, %convert_element_type3A_89, %cond3A_90 : i32
    scf.if %cond3A_91 {
      %mul3A_110 = arith.constant 128 : i32
      %mul3A_111 = arith.muli %add3A, %mul3A_110 : i32
      %add3A_112 = arith.constant 319488 : i32
      %add3A_113 = arith.addi %add3A_112, %mul3A_111 : i32
      "tpu.region"() ({
        %run_scoped3A = tpu.sem_alloc : memref<!tpu.dma_semaphore, #tpu.memory_space<semaphore_mem>>
        %dma_start3A_120 = tpu.memref_slice %arg3[%add3A_113] : memref<320000xi32, #tpu.memory_space<hbm>> -> memref<128xi32, #tpu.memory_space<hbm>>
        %dma_start3A_121 = tpu.memref_slice %arg3[%add3A_113] : memref<320000xi32, #tpu.memory_space<hbm>> -> memref<128xi32, #tpu.memory_space<hbm>>
        tpu.enqueue_dma source(%dma_start3A_121 : memref<128xi32, #tpu.memory_space<hbm>>) target(%arg11 : memref<128xi32, #tpu.memory_space<vmem>>) target_semaphore(%run_scoped3A : memref<!tpu.dma_semaphore, #tpu.memory_space<semaphore_mem>>)
        %dma_wait3A_122 = tpu.memref_slice %arg3[%add3A_113] : memref<320000xi32, #tpu.memory_space<hbm>> -> memref<128xi32, #tpu.memory_space<hbm>>
        %dma_wait3A_123 = tpu.memref_slice %arg3[%add3A_113] : memref<320000xi32, #tpu.memory_space<hbm>> -> memref<128xi32, #tpu.memory_space<hbm>>
        tpu.wait_dma2 semaphore(%run_scoped3A : memref<!tpu.dma_semaphore, #tpu.memory_space<semaphore_mem>>) src(%dma_wait3A_123 : memref<128xi32, #tpu.memory_space<hbm>>) dst(%arg11 : memref<128xi32, #tpu.memory_space<vmem>>)
        tpu.yield
      }) : () -> ()
      %dma_start3A_114 = arith.constant 0 : i32
      %dma_start3A_115 = arith.constant 0 : i32
      %dma_start3A_116 = tpu.memref_slice %arg2[%dma_start3A_114, %dma_start3A_115] : memref<10000x128xf32, #tpu.memory_space<hbm>> -> memref<10000x128xf32, #tpu.memory_space<hbm>>
      tpu.enqueue_indirect_dma source(%dma_start3A_116 : memref<10000x128xf32, #tpu.memory_space<hbm>>) target(%arg17 : memref<128x128xf32, #tpu.memory_space<vmem>>) offsets(%arg11 : memref<128xi32, #tpu.memory_space<vmem>>) semaphore(%arg27 : memref<!tpu.dma_semaphore, #tpu.memory_space<semaphore_mem>>)
      %dma_wait3A_117 = arith.constant 0 : i32
      %dma_wait3A_118 = arith.constant 0 : i32
      %dma_wait3A_119 = tpu.memref_slice %arg2[%dma_wait3A_117, %dma_wait3A_118] : memref<10000x128xf32, #tpu.memory_space<hbm>> -> memref<10000x128xf32, #tpu.memory_space<hbm>>
      tpu.wait_indirect_dma semaphore(%arg27 : memref<!tpu.dma_semaphore, #tpu.memory_space<semaphore_mem>>) src(%dma_wait3A_119 : memref<10000x128xf32, #tpu.memory_space<hbm>>) dst(%arg17 : memref<128x128xf32, #tpu.memory_space<vmem>>)
      "tpu.region"() ({
        %run_scoped3A = tpu.sem_alloc : memref<!tpu.dma_semaphore, #tpu.memory_space<semaphore_mem>>
        %dma_start3A_120 = tpu.memref_slice %arg4[%add3A_113] : memref<320000xi32, #tpu.memory_space<hbm>> -> memref<128xi32, #tpu.memory_space<hbm>>
        %dma_start3A_121 = tpu.memref_slice %arg4[%add3A_113] : memref<320000xi32, #tpu.memory_space<hbm>> -> memref<128xi32, #tpu.memory_space<hbm>>
        tpu.enqueue_dma source(%dma_start3A_121 : memref<128xi32, #tpu.memory_space<hbm>>) target(%arg13 : memref<128xi32, #tpu.memory_space<vmem>>) target_semaphore(%run_scoped3A : memref<!tpu.dma_semaphore, #tpu.memory_space<semaphore_mem>>)
        %dma_wait3A_122 = tpu.memref_slice %arg4[%add3A_113] : memref<320000xi32, #tpu.memory_space<hbm>> -> memref<128xi32, #tpu.memory_space<hbm>>
        %dma_wait3A_123 = tpu.memref_slice %arg4[%add3A_113] : memref<320000xi32, #tpu.memory_space<hbm>> -> memref<128xi32, #tpu.memory_space<hbm>>
        tpu.wait_dma2 semaphore(%run_scoped3A : memref<!tpu.dma_semaphore, #tpu.memory_space<semaphore_mem>>) src(%dma_wait3A_123 : memref<128xi32, #tpu.memory_space<hbm>>) dst(%arg13 : memref<128xi32, #tpu.memory_space<vmem>>)
        tpu.yield
      }) : () -> ()
      "tpu.region"() ({
        %run_scoped3A = tpu.sem_alloc : memref<!tpu.dma_semaphore, #tpu.memory_space<semaphore_mem>>
        %dma_start3A_120 = arith.constant 0 : i32
        %dma_start3A_121 = arith.constant 0 : i32
        %dma_start3A_122 = tpu.memref_slice %arg9[%dma_start3A_120, %dma_start3A_121] : memref<10000x128xf32, #tpu.memory_space<vmem_shared>> -> memref<10000x128xf32, #tpu.memory_space<vmem_shared>>
        tpu.enqueue_indirect_dma source(%arg17 : memref<128x128xf32, #tpu.memory_space<vmem>>) target(%dma_start3A_122 : memref<10000x128xf32, #tpu.memory_space<vmem_shared>>) offsets(%arg13 : memref<128xi32, #tpu.memory_space<vmem>>) semaphore(%run_scoped3A : memref<!tpu.dma_semaphore, #tpu.memory_space<semaphore_mem>>) {add = true}
        %dma_wait3A_123 = arith.constant 0 : i32
        %dma_wait3A_124 = arith.constant 0 : i32
        %dma_wait3A_125 = tpu.memref_slice %arg9[%dma_wait3A_123, %dma_wait3A_124] : memref<10000x128xf32, #tpu.memory_space<vmem_shared>> -> memref<10000x128xf32, #tpu.memory_space<vmem_shared>>
        tpu.wait_indirect_dma semaphore(%run_scoped3A : memref<!tpu.dma_semaphore, #tpu.memory_space<semaphore_mem>>) src(%arg17 : memref<128x128xf32, #tpu.memory_space<vmem>>) dst(%dma_wait3A_125 : memref<10000x128xf32, #tpu.memory_space<vmem_shared>>)
        tpu.yield
      }) : () -> ()
      "tpu.region"() ({
        %run_scoped3A = tpu.sem_alloc : memref<!tpu.dma_semaphore, #tpu.memory_space<semaphore_mem>>
        %dma_start3A_120 = arith.constant 0 : i32
        %dma_start3A_121 = tpu.memref_slice %arg10[%dma_start3A_120] : memref<10000xf32, #tpu.memory_space<vmem_shared>> -> memref<10000xf32, #tpu.memory_space<vmem_shared>>
        tpu.enqueue_indirect_dma source(%arg19 : memref<128xf32, #tpu.memory_space<vmem>>) target(%dma_start3A_121 : memref<10000xf32, #tpu.memory_space<vmem_shared>>) offsets(%arg13 : memref<128xi32, #tpu.memory_space<vmem>>) semaphore(%run_scoped3A : memref<!tpu.dma_semaphore, #tpu.memory_space<semaphore_mem>>) {add = true}
        %dma_wait3A_122 = arith.constant 0 : i32
        %dma_wait3A_123 = tpu.memref_slice %arg10[%dma_wait3A_122] : memref<10000xf32, #tpu.memory_space<vmem_shared>> -> memref<10000xf32, #tpu.memory_space<vmem_shared>>
        tpu.wait_indirect_dma semaphore(%run_scoped3A : memref<!tpu.dma_semaphore, #tpu.memory_space<semaphore_mem>>) src(%arg19 : memref<128xf32, #tpu.memory_space<vmem>>) dst(%dma_wait3A_123 : memref<10000xf32, #tpu.memory_space<vmem_shared>>)
        tpu.yield
      }) : () -> ()
    } else {
    }
    %barrier3A_92 = arith.constant 0 : index
    tpu.barrier barrier_id(%barrier3A_92)
    %mul3A_93 = arith.constant 624 : i32
    %mul3A_94 = arith.muli %arg1, %mul3A_93 : i32
    %mul3A_95 = arith.constant 10000 : i32
    %mul3A_96 = arith.muli %arg0, %mul3A_95 : i32
    %mul3A_97 = arith.constant 624 : i32
    %mul3A_98 = arith.muli %arg1, %mul3A_97 : i32
    %add3A_99 = arith.addi %mul3A_96, %mul3A_98 : i32
    "tpu.region"() ({
      %run_scoped3A = tpu.sem_alloc : memref<!tpu.dma_semaphore, #tpu.memory_space<semaphore_mem>>
      %dma_start3A_110 = arith.constant 0 : i32
      %dma_start3A_111 = tpu.memref_slice %arg7[%add3A_99, %dma_start3A_110] : memref<20000x128xf32, #tpu.memory_space<hbm>> -> memref<624x128xf32, #tpu.memory_space<hbm>>
      %dma_start3A_112 = arith.constant 0 : i32
      %dma_start3A_113 = tpu.memref_slice %arg9[%mul3A_94, %dma_start3A_112] : memref<10000x128xf32, #tpu.memory_space<vmem_shared>> -> memref<624x128xf32, #tpu.memory_space<vmem_shared>>
      tpu.enqueue_dma source(%dma_start3A_113 : memref<624x128xf32, #tpu.memory_space<vmem_shared>>) target(%dma_start3A_111 : memref<624x128xf32, #tpu.memory_space<hbm>>) target_semaphore(%run_scoped3A : memref<!tpu.dma_semaphore, #tpu.memory_space<semaphore_mem>>)
      %dma_wait3A_114 = arith.constant 0 : i32
      %dma_wait3A_115 = tpu.memref_slice %arg7[%add3A_99, %dma_wait3A_114] : memref<20000x128xf32, #tpu.memory_space<hbm>> -> memref<624x128xf32, #tpu.memory_space<hbm>>
      %dma_wait3A_116 = arith.constant 0 : i32
      %dma_wait3A_117 = tpu.memref_slice %arg9[%mul3A_94, %dma_wait3A_116] : memref<10000x128xf32, #tpu.memory_space<vmem_shared>> -> memref<624x128xf32, #tpu.memory_space<vmem_shared>>
      tpu.wait_dma2 semaphore(%run_scoped3A : memref<!tpu.dma_semaphore, #tpu.memory_space<semaphore_mem>>) src(%dma_wait3A_117 : memref<624x128xf32, #tpu.memory_space<vmem_shared>>) dst(%dma_wait3A_115 : memref<624x128xf32, #tpu.memory_space<hbm>>)
      tpu.yield
    }) : () -> ()
    %eq3A_100 = arith.constant 0 : i32
    %eq3A_101 = arith.cmpi eq, %arg1, %eq3A_100 : i32
    %convert_element_type3A_102 = arith.extui %eq3A_101 : i1 to i32
    %cond3A_103 = arith.constant 0 : i32
    %cond3A_104 = arith.cmpi ne, %convert_element_type3A_102, %cond3A_103 : i32
    scf.if %cond3A_104 {
      %mul3A_110 = arith.constant 10000 : i32
      %mul3A_111 = arith.muli %arg0, %mul3A_110 : i32
      %add3A_112 = arith.constant 9984 : i32
      %add3A_113 = arith.addi %mul3A_111, %add3A_112 : i32
      "tpu.region"() ({
        %run_scoped3A = tpu.sem_alloc : memref<!tpu.dma_semaphore, #tpu.memory_space<semaphore_mem>>
        %dma_start3A_114 = arith.constant 0 : i32
        %dma_start3A_115 = tpu.memref_slice %arg7[%add3A_113, %dma_start3A_114] : memref<20000x128xf32, #tpu.memory_space<hbm>> -> memref<16x128xf32, #tpu.memory_space<hbm>>
        %dma_start3A_116 = arith.constant 9984 : i32
        %dma_start3A_117 = arith.constant 0 : i32
        %dma_start3A_118 = tpu.memref_slice %arg9[%dma_start3A_116, %dma_start3A_117] : memref<10000x128xf32, #tpu.memory_space<vmem_shared>> -> memref<16x128xf32, #tpu.memory_space<vmem_shared>>
        tpu.enqueue_dma source(%dma_start3A_118 : memref<16x128xf32, #tpu.memory_space<vmem_shared>>) target(%dma_start3A_115 : memref<16x128xf32, #tpu.memory_space<hbm>>) target_semaphore(%run_scoped3A : memref<!tpu.dma_semaphore, #tpu.memory_space<semaphore_mem>>)
        %dma_wait3A_119 = arith.constant 0 : i32
        %dma_wait3A_120 = tpu.memref_slice %arg7[%add3A_113, %dma_wait3A_119] : memref<20000x128xf32, #tpu.memory_space<hbm>> -> memref<16x128xf32, #tpu.memory_space<hbm>>
        %dma_wait3A_121 = arith.constant 9984 : i32
        %dma_wait3A_122 = arith.constant 0 : i32
        %dma_wait3A_123 = tpu.memref_slice %arg9[%dma_wait3A_121, %dma_wait3A_122] : memref<10000x128xf32, #tpu.memory_space<vmem_shared>> -> memref<16x128xf32, #tpu.memory_space<vmem_shared>>
        tpu.wait_dma2 semaphore(%run_scoped3A : memref<!tpu.dma_semaphore, #tpu.memory_space<semaphore_mem>>) src(%dma_wait3A_123 : memref<16x128xf32, #tpu.memory_space<vmem_shared>>) dst(%dma_wait3A_120 : memref<16x128xf32, #tpu.memory_space<hbm>>)
        tpu.yield
      }) : () -> ()
    } else {
    }
    %eq3A_105 = arith.constant 0 : i32
    %eq3A_106 = arith.cmpi eq, %arg1, %eq3A_105 : i32
    %convert_element_type3A_107 = arith.extui %eq3A_106 : i1 to i32
    %cond3A_108 = arith.constant 0 : i32
    %cond3A_109 = arith.cmpi ne, %convert_element_type3A_107, %cond3A_108 : i32
    scf.if %cond3A_109 {
      "tpu.region"() ({
        %run_scoped3A = tpu.sem_alloc : memref<!tpu.dma_semaphore, #tpu.memory_space<semaphore_mem>>
        tpu.enqueue_dma source(%arg10 : memref<10000xf32, #tpu.memory_space<vmem_shared>>) target(%arg20 : memref<10000xf32, #tpu.memory_space<vmem>>) target_semaphore(%run_scoped3A : memref<!tpu.dma_semaphore, #tpu.memory_space<semaphore_mem>>)
        tpu.wait_dma2 semaphore(%run_scoped3A : memref<!tpu.dma_semaphore, #tpu.memory_space<semaphore_mem>>) src(%arg10 : memref<10000xf32, #tpu.memory_space<vmem_shared>>) dst(%arg20 : memref<10000xf32, #tpu.memory_space<vmem>>)
        tpu.yield
      }) : () -> ()
      %mul3A_110 = arith.constant 10000 : i32
      %mul3A_111 = arith.muli %arg0, %mul3A_110 : i32
      "tpu.region"() ({
        %run_scoped3A = tpu.sem_alloc : memref<!tpu.dma_semaphore, #tpu.memory_space<semaphore_mem>>
        %dma_start3A_112 = tpu.memref_slice %arg8[%mul3A_111] : memref<20000xf32, #tpu.memory_space<hbm>> -> memref<10000xf32, #tpu.memory_space<hbm>>
        %dma_start3A_113 = tpu.memref_slice %arg8[%mul3A_111] : memref<20000xf32, #tpu.memory_space<hbm>> -> memref<10000xf32, #tpu.memory_space<hbm>>
        tpu.enqueue_dma source(%arg20 : memref<10000xf32, #tpu.memory_space<vmem>>) target(%dma_start3A_113 : memref<10000xf32, #tpu.memory_space<hbm>>) target_semaphore(%run_scoped3A : memref<!tpu.dma_semaphore, #tpu.memory_space<semaphore_mem>>)
        %dma_wait3A_114 = tpu.memref_slice %arg8[%mul3A_111] : memref<20000xf32, #tpu.memory_space<hbm>> -> memref<10000xf32, #tpu.memory_space<hbm>>
        %dma_wait3A_115 = tpu.memref_slice %arg8[%mul3A_111] : memref<20000xf32, #tpu.memory_space<hbm>> -> memref<10000xf32, #tpu.memory_space<hbm>>
        tpu.wait_dma2 semaphore(%run_scoped3A : memref<!tpu.dma_semaphore, #tpu.memory_space<semaphore_mem>>) src(%arg20 : memref<10000xf32, #tpu.memory_space<vmem>>) dst(%dma_wait3A_115 : memref<10000xf32, #tpu.memory_space<hbm>>)
        tpu.yield
      }) : () -> ()
    } else {
    }
    return
  }
}

#map = affine_map<(d0, d1) -> (0, 0)>
#map1 = affine_map<(d0, d1) -> (0)>
module attributes {stable_mosaic.version = 14 : i64} {
  func.func @_sc_body(%arg0: i32, %arg1: i32, %arg2: memref<10000x128xf32, #tpu.memory_space<hbm>>, %arg3: memref<320000xi32, #tpu.memory_space<hbm>>, %arg4: memref<320000xi32, #tpu.memory_space<hbm>>, %arg5: memref<10000x128xf32, #tpu.memory_space<hbm>>, %arg6: memref<20000x128xf32, #tpu.memory_space<hbm>>, %arg7: memref<10000x128xf32, #tpu.memory_space<vmem_shared>>, %arg8: memref<128xi32, #tpu.memory_space<vmem>>, %arg9: memref<128xi32, #tpu.memory_space<vmem>>, %arg10: memref<128xi32, #tpu.memory_space<vmem>>, %arg11: memref<128xi32, #tpu.memory_space<vmem>>, %arg12: memref<128xi32, #tpu.memory_space<vmem>>, %arg13: memref<128xi32, #tpu.memory_space<vmem>>, %arg14: memref<128x128xf32, #tpu.memory_space<vmem>>, %arg15: memref<128x128xf32, #tpu.memory_space<vmem>>, %arg16: memref<!tpu.dma_semaphore, #tpu.memory_space<semaphore_mem>>, %arg17: memref<!tpu.dma_semaphore, #tpu.memory_space<semaphore_mem>>, %arg18: memref<!tpu.dma_semaphore, #tpu.memory_space<semaphore_mem>>, %arg19: memref<!tpu.dma_semaphore, #tpu.memory_space<semaphore_mem>>, %arg20: memref<!tpu.dma_semaphore, #tpu.memory_space<semaphore_mem>>, %arg21: memref<!tpu.dma_semaphore, #tpu.memory_space<semaphore_mem>>, %arg22: memref<!tpu.dma_semaphore, #tpu.memory_space<semaphore_mem>>, %arg23: memref<!tpu.dma_semaphore, #tpu.memory_space<semaphore_mem>>, %arg24: memref<!tpu.dma_semaphore, #tpu.memory_space<semaphore_mem>>, %arg25: memref<!tpu.dma_semaphore, #tpu.memory_space<semaphore_mem>>) attributes {dimension_semantics = [#tpu.dimension_semantics<core_parallel>, #tpu.dimension_semantics<subcore_parallel>], iteration_bounds = array<i64: 2, 16>, scalar_prefetch = 0 : i64, scratch_operands = 19 : i64, tpu.core_type = #tpu.core_type<sc_vector_subcore>, window_params = [{transform_indices = #map}, {transform_indices = #map1}, {transform_indices = #map1}, {transform_indices = #map}, {transform_indices = #map}]} {
    %mul3A = arith.constant 2 : i32
    %mul3A_0 = arith.muli %arg1, %mul3A : i32
    %add3A = arith.addi %mul3A_0, %arg0 : i32
    %mul3A_1 = arith.constant 624 : i32
    %mul3A_2 = arith.muli %arg1, %mul3A_1 : i32
    %mul3A_3 = arith.constant 624 : i32
    %mul3A_4 = arith.muli %arg1, %mul3A_3 : i32
    "tpu.region"() ({
      %run_scoped3A = tpu.sem_alloc : memref<!tpu.dma_semaphore, #tpu.memory_space<semaphore_mem>>
      %dma_start3A_54 = arith.constant 0 : i32
      %dma_start3A_55 = tpu.memref_slice %arg7[%mul3A_4, %dma_start3A_54] : memref<10000x128xf32, #tpu.memory_space<vmem_shared>> -> memref<624x128xf32, #tpu.memory_space<vmem_shared>>
      %dma_start3A_56 = arith.constant 0 : i32
      %dma_start3A_57 = tpu.memref_slice %arg5[%mul3A_2, %dma_start3A_56] : memref<10000x128xf32, #tpu.memory_space<hbm>> -> memref<624x128xf32, #tpu.memory_space<hbm>>
      tpu.enqueue_dma source(%dma_start3A_57 : memref<624x128xf32, #tpu.memory_space<hbm>>) target(%dma_start3A_55 : memref<624x128xf32, #tpu.memory_space<vmem_shared>>) target_semaphore(%run_scoped3A : memref<!tpu.dma_semaphore, #tpu.memory_space<semaphore_mem>>)
      %dma_wait3A_58 = arith.constant 0 : i32
      %dma_wait3A_59 = tpu.memref_slice %arg7[%mul3A_4, %dma_wait3A_58] : memref<10000x128xf32, #tpu.memory_space<vmem_shared>> -> memref<624x128xf32, #tpu.memory_space<vmem_shared>>
      %dma_wait3A_60 = arith.constant 0 : i32
      %dma_wait3A_61 = tpu.memref_slice %arg5[%mul3A_2, %dma_wait3A_60] : memref<10000x128xf32, #tpu.memory_space<hbm>> -> memref<624x128xf32, #tpu.memory_space<hbm>>
      tpu.wait_dma2 semaphore(%run_scoped3A : memref<!tpu.dma_semaphore, #tpu.memory_space<semaphore_mem>>) src(%dma_wait3A_61 : memref<624x128xf32, #tpu.memory_space<hbm>>) dst(%dma_wait3A_59 : memref<624x128xf32, #tpu.memory_space<vmem_shared>>)
      tpu.yield
    }) : () -> ()
    %eq3A = arith.constant 0 : i32
    %eq3A_5 = arith.cmpi eq, %arg1, %eq3A : i32
    %convert_element_type3A = arith.extui %eq3A_5 : i1 to i32
    %cond3A = arith.constant 0 : i32
    %cond3A_6 = arith.cmpi ne, %convert_element_type3A, %cond3A : i32
    scf.if %cond3A_6 {
      "tpu.region"() ({
        %run_scoped3A = tpu.sem_alloc : memref<!tpu.dma_semaphore, #tpu.memory_space<semaphore_mem>>
        %dma_start3A_54 = arith.constant 9984 : i32
        %dma_start3A_55 = arith.constant 0 : i32
        %dma_start3A_56 = tpu.memref_slice %arg7[%dma_start3A_54, %dma_start3A_55] : memref<10000x128xf32, #tpu.memory_space<vmem_shared>> -> memref<16x128xf32, #tpu.memory_space<vmem_shared>>
        %dma_start3A_57 = arith.constant 9984 : i32
        %dma_start3A_58 = arith.constant 0 : i32
        %dma_start3A_59 = tpu.memref_slice %arg5[%dma_start3A_57, %dma_start3A_58] : memref<10000x128xf32, #tpu.memory_space<hbm>> -> memref<16x128xf32, #tpu.memory_space<hbm>>
        tpu.enqueue_dma source(%dma_start3A_59 : memref<16x128xf32, #tpu.memory_space<hbm>>) target(%dma_start3A_56 : memref<16x128xf32, #tpu.memory_space<vmem_shared>>) target_semaphore(%run_scoped3A : memref<!tpu.dma_semaphore, #tpu.memory_space<semaphore_mem>>)
        %dma_wait3A_60 = arith.constant 9984 : i32
        %dma_wait3A_61 = arith.constant 0 : i32
        %dma_wait3A_62 = tpu.memref_slice %arg7[%dma_wait3A_60, %dma_wait3A_61] : memref<10000x128xf32, #tpu.memory_space<vmem_shared>> -> memref<16x128xf32, #tpu.memory_space<vmem_shared>>
        %dma_wait3A_63 = arith.constant 9984 : i32
        %dma_wait3A_64 = arith.constant 0 : i32
        %dma_wait3A_65 = tpu.memref_slice %arg5[%dma_wait3A_63, %dma_wait3A_64] : memref<10000x128xf32, #tpu.memory_space<hbm>> -> memref<16x128xf32, #tpu.memory_space<hbm>>
        tpu.wait_dma2 semaphore(%run_scoped3A : memref<!tpu.dma_semaphore, #tpu.memory_space<semaphore_mem>>) src(%dma_wait3A_65 : memref<16x128xf32, #tpu.memory_space<hbm>>) dst(%dma_wait3A_62 : memref<16x128xf32, #tpu.memory_space<vmem_shared>>)
        tpu.yield
      }) : () -> ()
    } else {
    }
    %barrier3A = arith.constant 0 : index
    tpu.barrier barrier_id(%barrier3A)
    %mul3A_7 = arith.constant 9984 : i32
    %mul3A_8 = arith.muli %add3A, %mul3A_7 : i32
    %add3A_9 = arith.constant 0 : i32
    %add3A_10 = arith.addi %mul3A_8, %add3A_9 : i32
    %dma_start3A = tpu.memref_slice %arg3[%add3A_10] : memref<320000xi32, #tpu.memory_space<hbm>> -> memref<128xi32, #tpu.memory_space<hbm>>
    %dma_start3A_11 = tpu.memref_slice %arg3[%add3A_10] : memref<320000xi32, #tpu.memory_space<hbm>> -> memref<128xi32, #tpu.memory_space<hbm>>
    tpu.enqueue_dma source(%dma_start3A_11 : memref<128xi32, #tpu.memory_space<hbm>>) target(%arg8 : memref<128xi32, #tpu.memory_space<vmem>>) target_semaphore(%arg16 : memref<!tpu.dma_semaphore, #tpu.memory_space<semaphore_mem>>)
    %dma_start3A_12 = tpu.memref_slice %arg4[%add3A_10] : memref<320000xi32, #tpu.memory_space<hbm>> -> memref<128xi32, #tpu.memory_space<hbm>>
    %dma_start3A_13 = tpu.memref_slice %arg4[%add3A_10] : memref<320000xi32, #tpu.memory_space<hbm>> -> memref<128xi32, #tpu.memory_space<hbm>>
    tpu.enqueue_dma source(%dma_start3A_13 : memref<128xi32, #tpu.memory_space<hbm>>) target(%arg10 : memref<128xi32, #tpu.memory_space<vmem>>) target_semaphore(%arg18 : memref<!tpu.dma_semaphore, #tpu.memory_space<semaphore_mem>>)
    %add3A_14 = arith.constant 128 : i32
    %add3A_15 = arith.addi %mul3A_8, %add3A_14 : i32
    %dma_start3A_16 = tpu.memref_slice %arg3[%add3A_15] : memref<320000xi32, #tpu.memory_space<hbm>> -> memref<128xi32, #tpu.memory_space<hbm>>
    %dma_start3A_17 = tpu.memref_slice %arg3[%add3A_15] : memref<320000xi32, #tpu.memory_space<hbm>> -> memref<128xi32, #tpu.memory_space<hbm>>
    tpu.enqueue_dma source(%dma_start3A_17 : memref<128xi32, #tpu.memory_space<hbm>>) target(%arg9 : memref<128xi32, #tpu.memory_space<vmem>>) target_semaphore(%arg17 : memref<!tpu.dma_semaphore, #tpu.memory_space<semaphore_mem>>)
    %dma_start3A_18 = tpu.memref_slice %arg4[%add3A_15] : memref<320000xi32, #tpu.memory_space<hbm>> -> memref<128xi32, #tpu.memory_space<hbm>>
    %dma_start3A_19 = tpu.memref_slice %arg4[%add3A_15] : memref<320000xi32, #tpu.memory_space<hbm>> -> memref<128xi32, #tpu.memory_space<hbm>>
    tpu.enqueue_dma source(%dma_start3A_19 : memref<128xi32, #tpu.memory_space<hbm>>) target(%arg11 : memref<128xi32, #tpu.memory_space<vmem>>) target_semaphore(%arg19 : memref<!tpu.dma_semaphore, #tpu.memory_space<semaphore_mem>>)
    %dma_wait3A = arith.constant 0 : i32
    %dma_wait3A_20 = tpu.memref_slice %arg3[%dma_wait3A] : memref<320000xi32, #tpu.memory_space<hbm>> -> memref<128xi32, #tpu.memory_space<hbm>>
    %dma_wait3A_21 = arith.constant 0 : i32
    %dma_wait3A_22 = tpu.memref_slice %arg3[%dma_wait3A_21] : memref<320000xi32, #tpu.memory_space<hbm>> -> memref<128xi32, #tpu.memory_space<hbm>>
    tpu.wait_dma2 semaphore(%arg16 : memref<!tpu.dma_semaphore, #tpu.memory_space<semaphore_mem>>) src(%dma_wait3A_22 : memref<128xi32, #tpu.memory_space<hbm>>) dst(%arg8 : memref<128xi32, #tpu.memory_space<vmem>>)
    %dma_start3A_23 = arith.constant 0 : i32
    %dma_start3A_24 = arith.constant 0 : i32
    %dma_start3A_25 = tpu.memref_slice %arg2[%dma_start3A_23, %dma_start3A_24] : memref<10000x128xf32, #tpu.memory_space<hbm>> -> memref<10000x128xf32, #tpu.memory_space<hbm>>
    tpu.enqueue_indirect_dma source(%dma_start3A_25 : memref<10000x128xf32, #tpu.memory_space<hbm>>) target(%arg14 : memref<128x128xf32, #tpu.memory_space<vmem>>) offsets(%arg8 : memref<128xi32, #tpu.memory_space<vmem>>) semaphore(%arg22 : memref<!tpu.dma_semaphore, #tpu.memory_space<semaphore_mem>>)
    %scan3A = arith.constant 0 : i32
    %scan3A_26 = arith.constant 0 : i32
    %scan3A_27 = arith.constant 39 : i32
    %scan3A_28 = arith.addi %scan3A_26, %scan3A_27 : i32
    %scan3A_29 = arith.constant 1 : i32
    scf.for %scan3A_54 = %scan3A_26 to %scan3A_28 step %scan3A_29  : i32 {
      %mul3A_55 = arith.constant 2 : i32
      %mul3A_56 = arith.muli %mul3A_55, %scan3A_54 : i32
      %add3A_57 = arith.constant 0 : i32
      %add3A_58 = arith.addi %mul3A_56, %add3A_57 : i32
      %add3A_59 = arith.constant 1 : i32
      %add3A_60 = arith.addi %add3A_58, %add3A_59 : i32
      %lt3A_61 = arith.constant 78 : i32
      %lt3A_62 = arith.cmpi slt, %add3A_60, %lt3A_61 : i32
      %convert_element_type3A_63 = arith.extui %lt3A_62 : i1 to i32
      %cond3A_64 = arith.constant 0 : i32
      %cond3A_65 = arith.cmpi ne, %convert_element_type3A_63, %cond3A_64 : i32
      scf.if %cond3A_65 {
        %dma_wait3A_162 = arith.constant 0 : i32
        %dma_wait3A_163 = tpu.memref_slice %arg3[%dma_wait3A_162] : memref<320000xi32, #tpu.memory_space<hbm>> -> memref<128xi32, #tpu.memory_space<hbm>>
        %dma_wait3A_164 = arith.constant 0 : i32
        %dma_wait3A_165 = tpu.memref_slice %arg3[%dma_wait3A_164] : memref<320000xi32, #tpu.memory_space<hbm>> -> memref<128xi32, #tpu.memory_space<hbm>>
        tpu.wait_dma2 semaphore(%arg17 : memref<!tpu.dma_semaphore, #tpu.memory_space<semaphore_mem>>) src(%dma_wait3A_165 : memref<128xi32, #tpu.memory_space<hbm>>) dst(%arg9 : memref<128xi32, #tpu.memory_space<vmem>>)
        %ge3A = arith.constant 1 : i32
        %ge3A_166 = arith.cmpi sge, %add3A_58, %ge3A : i32
        %convert_element_type3A_167 = arith.extui %ge3A_166 : i1 to i32
        %cond3A_168 = arith.constant 0 : i32
        %cond3A_169 = arith.cmpi ne, %convert_element_type3A_167, %cond3A_168 : i32
        scf.if %cond3A_169 {
          %dma_wait3A_173 = arith.constant 0 : i32
          %dma_wait3A_174 = arith.constant 0 : i32
          %dma_wait3A_175 = tpu.memref_slice %arg7[%dma_wait3A_173, %dma_wait3A_174] : memref<10000x128xf32, #tpu.memory_space<vmem_shared>> -> memref<10000x128xf32, #tpu.memory_space<vmem_shared>>
          tpu.wait_indirect_dma semaphore(%arg25 : memref<!tpu.dma_semaphore, #tpu.memory_space<semaphore_mem>>) src(%arg15 : memref<128x128xf32, #tpu.memory_space<vmem>>) dst(%dma_wait3A_175 : memref<10000x128xf32, #tpu.memory_space<vmem_shared>>)
        } else {
        }
        %dma_start3A_170 = arith.constant 0 : i32
        %dma_start3A_171 = arith.constant 0 : i32
        %dma_start3A_172 = tpu.memref_slice %arg2[%dma_start3A_170, %dma_start3A_171] : memref<10000x128xf32, #tpu.memory_space<hbm>> -> memref<10000x128xf32, #tpu.memory_space<hbm>>
        tpu.enqueue_indirect_dma source(%dma_start3A_172 : memref<10000x128xf32, #tpu.memory_space<hbm>>) target(%arg15 : memref<128x128xf32, #tpu.memory_space<vmem>>) offsets(%arg9 : memref<128xi32, #tpu.memory_space<vmem>>) semaphore(%arg23 : memref<!tpu.dma_semaphore, #tpu.memory_space<semaphore_mem>>)
      } else {
      }
      %dma_wait3A_66 = arith.constant 0 : i32
      %dma_wait3A_67 = arith.constant 0 : i32
      %dma_wait3A_68 = tpu.memref_slice %arg2[%dma_wait3A_66, %dma_wait3A_67] : memref<10000x128xf32, #tpu.memory_space<hbm>> -> memref<10000x128xf32, #tpu.memory_space<hbm>>
      tpu.wait_indirect_dma semaphore(%arg22 : memref<!tpu.dma_semaphore, #tpu.memory_space<semaphore_mem>>) src(%dma_wait3A_68 : memref<10000x128xf32, #tpu.memory_space<hbm>>) dst(%arg14 : memref<128x128xf32, #tpu.memory_space<vmem>>)
      %jit3A = arith.constant 2 : i32
      %eq3A_69 = arith.constant 0 : i32
      %eq3A_70 = arith.cmpi eq, %jit3A, %eq3A_69 : i32
      %jit3A_71 = arith.constant 1 : i32
      %select_n3A = arith.select %eq3A_70, %jit3A_71, %jit3A : i32
      %rem3A = arith.remsi %scan3A_54, %select_n3A : i32
      %ne3A = arith.constant 0 : i32
      %ne3A_72 = arith.cmpi ne, %rem3A, %ne3A : i32
      %lt3A_73 = arith.constant 0 : i32
      %lt3A_74 = arith.cmpi slt, %rem3A, %lt3A_73 : i32
      %lt3A_75 = arith.constant 0 : i32
      %lt3A_76 = arith.cmpi slt, %select_n3A, %lt3A_75 : i32
      %ne3A_77 = arith.xori %lt3A_74, %lt3A_76 : i1
      %and3A = arith.andi %ne3A_77, %ne3A_72 : i1
      %add3A_78 = arith.addi %rem3A, %select_n3A : i32
      %select_n3A_79 = arith.select %and3A, %add3A_78, %rem3A : i32
      %eq3A_80 = arith.constant 0 : i32
      %eq3A_81 = arith.cmpi eq, %select_n3A_79, %eq3A_80 : i32
      %convert_element_type3A_82 = arith.extui %eq3A_81 : i1 to i32
      %cond3A_83 = arith.constant 0 : i32
      %cond3A_84 = arith.cmpi ne, %convert_element_type3A_82, %cond3A_83 : i32
      scf.if %cond3A_84 {
        %dma_wait3A_162 = arith.constant 0 : i32
        %dma_wait3A_163 = tpu.memref_slice %arg4[%dma_wait3A_162] : memref<320000xi32, #tpu.memory_space<hbm>> -> memref<128xi32, #tpu.memory_space<hbm>>
        %dma_wait3A_164 = arith.constant 0 : i32
        %dma_wait3A_165 = tpu.memref_slice %arg4[%dma_wait3A_164] : memref<320000xi32, #tpu.memory_space<hbm>> -> memref<128xi32, #tpu.memory_space<hbm>>
        tpu.wait_dma2 semaphore(%arg18 : memref<!tpu.dma_semaphore, #tpu.memory_space<semaphore_mem>>) src(%dma_wait3A_165 : memref<128xi32, #tpu.memory_space<hbm>>) dst(%arg10 : memref<128xi32, #tpu.memory_space<vmem>>)
        %dma_start3A_166 = arith.constant 0 : i32
        %dma_start3A_167 = arith.constant 0 : i32
        %dma_start3A_168 = tpu.memref_slice %arg7[%dma_start3A_166, %dma_start3A_167] : memref<10000x128xf32, #tpu.memory_space<vmem_shared>> -> memref<10000x128xf32, #tpu.memory_space<vmem_shared>>
        tpu.enqueue_indirect_dma source(%arg14 : memref<128x128xf32, #tpu.memory_space<vmem>>) target(%dma_start3A_168 : memref<10000x128xf32, #tpu.memory_space<vmem_shared>>) offsets(%arg10 : memref<128xi32, #tpu.memory_space<vmem>>) semaphore(%arg24 : memref<!tpu.dma_semaphore, #tpu.memory_space<semaphore_mem>>) {add = true}
        %add3A_169 = arith.constant 2 : i32
        %add3A_170 = arith.addi %add3A_58, %add3A_169 : i32
        %lt3A_171 = arith.constant 78 : i32
        %lt3A_172 = arith.cmpi slt, %add3A_170, %lt3A_171 : i32
        %convert_element_type3A_173 = arith.extui %lt3A_172 : i1 to i32
        %cond3A_174 = arith.constant 0 : i32
        %cond3A_175 = arith.cmpi ne, %convert_element_type3A_173, %cond3A_174 : i32
        scf.if %cond3A_175 {
          %add3A_176 = arith.constant 2 : i32
          %add3A_177 = arith.addi %add3A_58, %add3A_176 : i32
          %mul3A_178 = arith.constant 128 : i32
          %mul3A_179 = arith.muli %add3A_177, %mul3A_178 : i32
          %add3A_180 = arith.addi %mul3A_8, %mul3A_179 : i32
          %dma_start3A_181 = tpu.memref_slice %arg3[%add3A_180] : memref<320000xi32, #tpu.memory_space<hbm>> -> memref<128xi32, #tpu.memory_space<hbm>>
          %dma_start3A_182 = tpu.memref_slice %arg3[%add3A_180] : memref<320000xi32, #tpu.memory_space<hbm>> -> memref<128xi32, #tpu.memory_space<hbm>>
          tpu.enqueue_dma source(%dma_start3A_182 : memref<128xi32, #tpu.memory_space<hbm>>) target(%arg8 : memref<128xi32, #tpu.memory_space<vmem>>) target_semaphore(%arg16 : memref<!tpu.dma_semaphore, #tpu.memory_space<semaphore_mem>>)
          %dma_start3A_183 = tpu.memref_slice %arg4[%add3A_180] : memref<320000xi32, #tpu.memory_space<hbm>> -> memref<128xi32, #tpu.memory_space<hbm>>
          %dma_start3A_184 = tpu.memref_slice %arg4[%add3A_180] : memref<320000xi32, #tpu.memory_space<hbm>> -> memref<128xi32, #tpu.memory_space<hbm>>
          tpu.enqueue_dma source(%dma_start3A_184 : memref<128xi32, #tpu.memory_space<hbm>>) target(%arg12 : memref<128xi32, #tpu.memory_space<vmem>>) target_semaphore(%arg20 : memref<!tpu.dma_semaphore, #tpu.memory_space<semaphore_mem>>)
        } else {
        }
      } else {
      }
      %jit3A_85 = arith.constant 2 : i32
      %eq3A_86 = arith.constant 0 : i32
      %eq3A_87 = arith.cmpi eq, %jit3A_85, %eq3A_86 : i32
      %jit3A_88 = arith.constant 1 : i32
      %select_n3A_89 = arith.select %eq3A_87, %jit3A_88, %jit3A_85 : i32
      %rem3A_90 = arith.remsi %scan3A_54, %select_n3A_89 : i32
      %ne3A_91 = arith.constant 0 : i32
      %ne3A_92 = arith.cmpi ne, %rem3A_90, %ne3A_91 : i32
      %lt3A_93 = arith.constant 0 : i32
      %lt3A_94 = arith.cmpi slt, %rem3A_90, %lt3A_93 : i32
      %lt3A_95 = arith.constant 0 : i32
      %lt3A_96 = arith.cmpi slt, %select_n3A_89, %lt3A_95 : i32
      %ne3A_97 = arith.xori %lt3A_94, %lt3A_96 : i1
      %and3A_98 = arith.andi %ne3A_97, %ne3A_92 : i1
      %add3A_99 = arith.addi %rem3A_90, %select_n3A_89 : i32
      %select_n3A_100 = arith.select %and3A_98, %add3A_99, %rem3A_90 : i32
      %eq3A_101 = arith.constant 1 : i32
      %eq3A_102 = arith.cmpi eq, %select_n3A_100, %eq3A_101 : i32
      %convert_element_type3A_103 = arith.extui %eq3A_102 : i1 to i32
      %cond3A_104 = arith.constant 0 : i32
      %cond3A_105 = arith.cmpi ne, %convert_element_type3A_103, %cond3A_104 : i32
      scf.if %cond3A_105 {
        %dma_wait3A_162 = arith.constant 0 : i32
        %dma_wait3A_163 = tpu.memref_slice %arg4[%dma_wait3A_162] : memref<320000xi32, #tpu.memory_space<hbm>> -> memref<128xi32, #tpu.memory_space<hbm>>
        %dma_wait3A_164 = arith.constant 0 : i32
        %dma_wait3A_165 = tpu.memref_slice %arg4[%dma_wait3A_164] : memref<320000xi32, #tpu.memory_space<hbm>> -> memref<128xi32, #tpu.memory_space<hbm>>
        tpu.wait_dma2 semaphore(%arg20 : memref<!tpu.dma_semaphore, #tpu.memory_space<semaphore_mem>>) src(%dma_wait3A_165 : memref<128xi32, #tpu.memory_space<hbm>>) dst(%arg12 : memref<128xi32, #tpu.memory_space<vmem>>)
        %dma_start3A_166 = arith.constant 0 : i32
        %dma_start3A_167 = arith.constant 0 : i32
        %dma_start3A_168 = tpu.memref_slice %arg7[%dma_start3A_166, %dma_start3A_167] : memref<10000x128xf32, #tpu.memory_space<vmem_shared>> -> memref<10000x128xf32, #tpu.memory_space<vmem_shared>>
        tpu.enqueue_indirect_dma source(%arg14 : memref<128x128xf32, #tpu.memory_space<vmem>>) target(%dma_start3A_168 : memref<10000x128xf32, #tpu.memory_space<vmem_shared>>) offsets(%arg12 : memref<128xi32, #tpu.memory_space<vmem>>) semaphore(%arg24 : memref<!tpu.dma_semaphore, #tpu.memory_space<semaphore_mem>>) {add = true}
        %add3A_169 = arith.constant 2 : i32
        %add3A_170 = arith.addi %add3A_58, %add3A_169 : i32
        %lt3A_171 = arith.constant 78 : i32
        %lt3A_172 = arith.cmpi slt, %add3A_170, %lt3A_171 : i32
        %convert_element_type3A_173 = arith.extui %lt3A_172 : i1 to i32
        %cond3A_174 = arith.constant 0 : i32
        %cond3A_175 = arith.cmpi ne, %convert_element_type3A_173, %cond3A_174 : i32
        scf.if %cond3A_175 {
          %add3A_176 = arith.constant 2 : i32
          %add3A_177 = arith.addi %add3A_58, %add3A_176 : i32
          %mul3A_178 = arith.constant 128 : i32
          %mul3A_179 = arith.muli %add3A_177, %mul3A_178 : i32
          %add3A_180 = arith.addi %mul3A_8, %mul3A_179 : i32
          %dma_start3A_181 = tpu.memref_slice %arg3[%add3A_180] : memref<320000xi32, #tpu.memory_space<hbm>> -> memref<128xi32, #tpu.memory_space<hbm>>
          %dma_start3A_182 = tpu.memref_slice %arg3[%add3A_180] : memref<320000xi32, #tpu.memory_space<hbm>> -> memref<128xi32, #tpu.memory_space<hbm>>
          tpu.enqueue_dma source(%dma_start3A_182 : memref<128xi32, #tpu.memory_space<hbm>>) target(%arg8 : memref<128xi32, #tpu.memory_space<vmem>>) target_semaphore(%arg16 : memref<!tpu.dma_semaphore, #tpu.memory_space<semaphore_mem>>)
          %dma_start3A_183 = tpu.memref_slice %arg4[%add3A_180] : memref<320000xi32, #tpu.memory_space<hbm>> -> memref<128xi32, #tpu.memory_space<hbm>>
          %dma_start3A_184 = tpu.memref_slice %arg4[%add3A_180] : memref<320000xi32, #tpu.memory_space<hbm>> -> memref<128xi32, #tpu.memory_space<hbm>>
          tpu.enqueue_dma source(%dma_start3A_184 : memref<128xi32, #tpu.memory_space<hbm>>) target(%arg10 : memref<128xi32, #tpu.memory_space<vmem>>) target_semaphore(%arg18 : memref<!tpu.dma_semaphore, #tpu.memory_space<semaphore_mem>>)
        } else {
        }
      } else {
      }
      %mul3A_106 = arith.constant 2 : i32
      %mul3A_107 = arith.muli %mul3A_106, %scan3A_54 : i32
      %add3A_108 = arith.constant 1 : i32
      %add3A_109 = arith.addi %mul3A_107, %add3A_108 : i32
      %add3A_110 = arith.constant 1 : i32
      %add3A_111 = arith.addi %add3A_109, %add3A_110 : i32
      %lt3A_112 = arith.constant 78 : i32
      %lt3A_113 = arith.cmpi slt, %add3A_111, %lt3A_112 : i32
      %convert_element_type3A_114 = arith.extui %lt3A_113 : i1 to i32
      %cond3A_115 = arith.constant 0 : i32
      %cond3A_116 = arith.cmpi ne, %convert_element_type3A_114, %cond3A_115 : i32
      scf.if %cond3A_116 {
        %dma_wait3A_162 = arith.constant 0 : i32
        %dma_wait3A_163 = tpu.memref_slice %arg3[%dma_wait3A_162] : memref<320000xi32, #tpu.memory_space<hbm>> -> memref<128xi32, #tpu.memory_space<hbm>>
        %dma_wait3A_164 = arith.constant 0 : i32
        %dma_wait3A_165 = tpu.memref_slice %arg3[%dma_wait3A_164] : memref<320000xi32, #tpu.memory_space<hbm>> -> memref<128xi32, #tpu.memory_space<hbm>>
        tpu.wait_dma2 semaphore(%arg16 : memref<!tpu.dma_semaphore, #tpu.memory_space<semaphore_mem>>) src(%dma_wait3A_165 : memref<128xi32, #tpu.memory_space<hbm>>) dst(%arg8 : memref<128xi32, #tpu.memory_space<vmem>>)
        %ge3A = arith.constant 1 : i32
        %ge3A_166 = arith.cmpi sge, %add3A_109, %ge3A : i32
        %convert_element_type3A_167 = arith.extui %ge3A_166 : i1 to i32
        %cond3A_168 = arith.constant 0 : i32
        %cond3A_169 = arith.cmpi ne, %convert_element_type3A_167, %cond3A_168 : i32
        scf.if %cond3A_169 {
          %dma_wait3A_173 = arith.constant 0 : i32
          %dma_wait3A_174 = arith.constant 0 : i32
          %dma_wait3A_175 = tpu.memref_slice %arg7[%dma_wait3A_173, %dma_wait3A_174] : memref<10000x128xf32, #tpu.memory_space<vmem_shared>> -> memref<10000x128xf32, #tpu.memory_space<vmem_shared>>
          tpu.wait_indirect_dma semaphore(%arg24 : memref<!tpu.dma_semaphore, #tpu.memory_space<semaphore_mem>>) src(%arg14 : memref<128x128xf32, #tpu.memory_space<vmem>>) dst(%dma_wait3A_175 : memref<10000x128xf32, #tpu.memory_space<vmem_shared>>)
        } else {
        }
        %dma_start3A_170 = arith.constant 0 : i32
        %dma_start3A_171 = arith.constant 0 : i32
        %dma_start3A_172 = tpu.memref_slice %arg2[%dma_start3A_170, %dma_start3A_171] : memref<10000x128xf32, #tpu.memory_space<hbm>> -> memref<10000x128xf32, #tpu.memory_space<hbm>>
        tpu.enqueue_indirect_dma source(%dma_start3A_172 : memref<10000x128xf32, #tpu.memory_space<hbm>>) target(%arg14 : memref<128x128xf32, #tpu.memory_space<vmem>>) offsets(%arg8 : memref<128xi32, #tpu.memory_space<vmem>>) semaphore(%arg22 : memref<!tpu.dma_semaphore, #tpu.memory_space<semaphore_mem>>)
      } else {
      }
      %dma_wait3A_117 = arith.constant 0 : i32
      %dma_wait3A_118 = arith.constant 0 : i32
      %dma_wait3A_119 = tpu.memref_slice %arg2[%dma_wait3A_117, %dma_wait3A_118] : memref<10000x128xf32, #tpu.memory_space<hbm>> -> memref<10000x128xf32, #tpu.memory_space<hbm>>
      tpu.wait_indirect_dma semaphore(%arg23 : memref<!tpu.dma_semaphore, #tpu.memory_space<semaphore_mem>>) src(%dma_wait3A_119 : memref<10000x128xf32, #tpu.memory_space<hbm>>) dst(%arg15 : memref<128x128xf32, #tpu.memory_space<vmem>>)
      %jit3A_120 = arith.constant 2 : i32
      %eq3A_121 = arith.constant 0 : i32
      %eq3A_122 = arith.cmpi eq, %jit3A_120, %eq3A_121 : i32
      %jit3A_123 = arith.constant 1 : i32
      %select_n3A_124 = arith.select %eq3A_122, %jit3A_123, %jit3A_120 : i32
      %rem3A_125 = arith.remsi %scan3A_54, %select_n3A_124 : i32
      %ne3A_126 = arith.constant 0 : i32
      %ne3A_127 = arith.cmpi ne, %rem3A_125, %ne3A_126 : i32
      %lt3A_128 = arith.constant 0 : i32
      %lt3A_129 = arith.cmpi slt, %rem3A_125, %lt3A_128 : i32
      %lt3A_130 = arith.constant 0 : i32
      %lt3A_131 = arith.cmpi slt, %select_n3A_124, %lt3A_130 : i32
      %ne3A_132 = arith.xori %lt3A_129, %lt3A_131 : i1
      %and3A_133 = arith.andi %ne3A_132, %ne3A_127 : i1
      %add3A_134 = arith.addi %rem3A_125, %select_n3A_124 : i32
      %select_n3A_135 = arith.select %and3A_133, %add3A_134, %rem3A_125 : i32
      %eq3A_136 = arith.constant 0 : i32
      %eq3A_137 = arith.cmpi eq, %select_n3A_135, %eq3A_136 : i32
      %convert_element_type3A_138 = arith.extui %eq3A_137 : i1 to i32
      %cond3A_139 = arith.constant 0 : i32
      %cond3A_140 = arith.cmpi ne, %convert_element_type3A_138, %cond3A_139 : i32
      scf.if %cond3A_140 {
        %dma_wait3A_162 = arith.constant 0 : i32
        %dma_wait3A_163 = tpu.memref_slice %arg4[%dma_wait3A_162] : memref<320000xi32, #tpu.memory_space<hbm>> -> memref<128xi32, #tpu.memory_space<hbm>>
        %dma_wait3A_164 = arith.constant 0 : i32
        %dma_wait3A_165 = tpu.memref_slice %arg4[%dma_wait3A_164] : memref<320000xi32, #tpu.memory_space<hbm>> -> memref<128xi32, #tpu.memory_space<hbm>>
        tpu.wait_dma2 semaphore(%arg19 : memref<!tpu.dma_semaphore, #tpu.memory_space<semaphore_mem>>) src(%dma_wait3A_165 : memref<128xi32, #tpu.memory_space<hbm>>) dst(%arg11 : memref<128xi32, #tpu.memory_space<vmem>>)
        %dma_start3A_166 = arith.constant 0 : i32
        %dma_start3A_167 = arith.constant 0 : i32
        %dma_start3A_168 = tpu.memref_slice %arg7[%dma_start3A_166, %dma_start3A_167] : memref<10000x128xf32, #tpu.memory_space<vmem_shared>> -> memref<10000x128xf32, #tpu.memory_space<vmem_shared>>
        tpu.enqueue_indirect_dma source(%arg15 : memref<128x128xf32, #tpu.memory_space<vmem>>) target(%dma_start3A_168 : memref<10000x128xf32, #tpu.memory_space<vmem_shared>>) offsets(%arg11 : memref<128xi32, #tpu.memory_space<vmem>>) semaphore(%arg25 : memref<!tpu.dma_semaphore, #tpu.memory_space<semaphore_mem>>) {add = true}
        %add3A_169 = arith.constant 2 : i32
        %add3A_170 = arith.addi %add3A_109, %add3A_169 : i32
        %lt3A_171 = arith.constant 78 : i32
        %lt3A_172 = arith.cmpi slt, %add3A_170, %lt3A_171 : i32
        %convert_element_type3A_173 = arith.extui %lt3A_172 : i1 to i32
        %cond3A_174 = arith.constant 0 : i32
        %cond3A_175 = arith.cmpi ne, %convert_element_type3A_173, %cond3A_174 : i32
        scf.if %cond3A_175 {
          %add3A_176 = arith.constant 2 : i32
          %add3A_177 = arith.addi %add3A_109, %add3A_176 : i32
          %mul3A_178 = arith.constant 128 : i32
          %mul3A_179 = arith.muli %add3A_177, %mul3A_178 : i32
          %add3A_180 = arith.addi %mul3A_8, %mul3A_179 : i32
          %dma_start3A_181 = tpu.memref_slice %arg3[%add3A_180] : memref<320000xi32, #tpu.memory_space<hbm>> -> memref<128xi32, #tpu.memory_space<hbm>>
          %dma_start3A_182 = tpu.memref_slice %arg3[%add3A_180] : memref<320000xi32, #tpu.memory_space<hbm>> -> memref<128xi32, #tpu.memory_space<hbm>>
          tpu.enqueue_dma source(%dma_start3A_182 : memref<128xi32, #tpu.memory_space<hbm>>) target(%arg9 : memref<128xi32, #tpu.memory_space<vmem>>) target_semaphore(%arg17 : memref<!tpu.dma_semaphore, #tpu.memory_space<semaphore_mem>>)
          %dma_start3A_183 = tpu.memref_slice %arg4[%add3A_180] : memref<320000xi32, #tpu.memory_space<hbm>> -> memref<128xi32, #tpu.memory_space<hbm>>
          %dma_start3A_184 = tpu.memref_slice %arg4[%add3A_180] : memref<320000xi32, #tpu.memory_space<hbm>> -> memref<128xi32, #tpu.memory_space<hbm>>
          tpu.enqueue_dma source(%dma_start3A_184 : memref<128xi32, #tpu.memory_space<hbm>>) target(%arg13 : memref<128xi32, #tpu.memory_space<vmem>>) target_semaphore(%arg21 : memref<!tpu.dma_semaphore, #tpu.memory_space<semaphore_mem>>)
        } else {
        }
      } else {
      }
      %jit3A_141 = arith.constant 2 : i32
      %eq3A_142 = arith.constant 0 : i32
      %eq3A_143 = arith.cmpi eq, %jit3A_141, %eq3A_142 : i32
      %jit3A_144 = arith.constant 1 : i32
      %select_n3A_145 = arith.select %eq3A_143, %jit3A_144, %jit3A_141 : i32
      %rem3A_146 = arith.remsi %scan3A_54, %select_n3A_145 : i32
      %ne3A_147 = arith.constant 0 : i32
      %ne3A_148 = arith.cmpi ne, %rem3A_146, %ne3A_147 : i32
      %lt3A_149 = arith.constant 0 : i32
      %lt3A_150 = arith.cmpi slt, %rem3A_146, %lt3A_149 : i32
      %lt3A_151 = arith.constant 0 : i32
      %lt3A_152 = arith.cmpi slt, %select_n3A_145, %lt3A_151 : i32
      %ne3A_153 = arith.xori %lt3A_150, %lt3A_152 : i1
      %and3A_154 = arith.andi %ne3A_153, %ne3A_148 : i1
      %add3A_155 = arith.addi %rem3A_146, %select_n3A_145 : i32
      %select_n3A_156 = arith.select %and3A_154, %add3A_155, %rem3A_146 : i32
      %eq3A_157 = arith.constant 1 : i32
      %eq3A_158 = arith.cmpi eq, %select_n3A_156, %eq3A_157 : i32
      %convert_element_type3A_159 = arith.extui %eq3A_158 : i1 to i32
      %cond3A_160 = arith.constant 0 : i32
      %cond3A_161 = arith.cmpi ne, %convert_element_type3A_159, %cond3A_160 : i32
      scf.if %cond3A_161 {
        %dma_wait3A_162 = arith.constant 0 : i32
        %dma_wait3A_163 = tpu.memref_slice %arg4[%dma_wait3A_162] : memref<320000xi32, #tpu.memory_space<hbm>> -> memref<128xi32, #tpu.memory_space<hbm>>
        %dma_wait3A_164 = arith.constant 0 : i32
        %dma_wait3A_165 = tpu.memref_slice %arg4[%dma_wait3A_164] : memref<320000xi32, #tpu.memory_space<hbm>> -> memref<128xi32, #tpu.memory_space<hbm>>
        tpu.wait_dma2 semaphore(%arg21 : memref<!tpu.dma_semaphore, #tpu.memory_space<semaphore_mem>>) src(%dma_wait3A_165 : memref<128xi32, #tpu.memory_space<hbm>>) dst(%arg13 : memref<128xi32, #tpu.memory_space<vmem>>)
        %dma_start3A_166 = arith.constant 0 : i32
        %dma_start3A_167 = arith.constant 0 : i32
        %dma_start3A_168 = tpu.memref_slice %arg7[%dma_start3A_166, %dma_start3A_167] : memref<10000x128xf32, #tpu.memory_space<vmem_shared>> -> memref<10000x128xf32, #tpu.memory_space<vmem_shared>>
        tpu.enqueue_indirect_dma source(%arg15 : memref<128x128xf32, #tpu.memory_space<vmem>>) target(%dma_start3A_168 : memref<10000x128xf32, #tpu.memory_space<vmem_shared>>) offsets(%arg13 : memref<128xi32, #tpu.memory_space<vmem>>) semaphore(%arg25 : memref<!tpu.dma_semaphore, #tpu.memory_space<semaphore_mem>>) {add = true}
        %add3A_169 = arith.constant 2 : i32
        %add3A_170 = arith.addi %add3A_109, %add3A_169 : i32
        %lt3A_171 = arith.constant 78 : i32
        %lt3A_172 = arith.cmpi slt, %add3A_170, %lt3A_171 : i32
        %convert_element_type3A_173 = arith.extui %lt3A_172 : i1 to i32
        %cond3A_174 = arith.constant 0 : i32
        %cond3A_175 = arith.cmpi ne, %convert_element_type3A_173, %cond3A_174 : i32
        scf.if %cond3A_175 {
          %add3A_176 = arith.constant 2 : i32
          %add3A_177 = arith.addi %add3A_109, %add3A_176 : i32
          %mul3A_178 = arith.constant 128 : i32
          %mul3A_179 = arith.muli %add3A_177, %mul3A_178 : i32
          %add3A_180 = arith.addi %mul3A_8, %mul3A_179 : i32
          %dma_start3A_181 = tpu.memref_slice %arg3[%add3A_180] : memref<320000xi32, #tpu.memory_space<hbm>> -> memref<128xi32, #tpu.memory_space<hbm>>
          %dma_start3A_182 = tpu.memref_slice %arg3[%add3A_180] : memref<320000xi32, #tpu.memory_space<hbm>> -> memref<128xi32, #tpu.memory_space<hbm>>
          tpu.enqueue_dma source(%dma_start3A_182 : memref<128xi32, #tpu.memory_space<hbm>>) target(%arg9 : memref<128xi32, #tpu.memory_space<vmem>>) target_semaphore(%arg17 : memref<!tpu.dma_semaphore, #tpu.memory_space<semaphore_mem>>)
          %dma_start3A_183 = tpu.memref_slice %arg4[%add3A_180] : memref<320000xi32, #tpu.memory_space<hbm>> -> memref<128xi32, #tpu.memory_space<hbm>>
          %dma_start3A_184 = tpu.memref_slice %arg4[%add3A_180] : memref<320000xi32, #tpu.memory_space<hbm>> -> memref<128xi32, #tpu.memory_space<hbm>>
          tpu.enqueue_dma source(%dma_start3A_184 : memref<128xi32, #tpu.memory_space<hbm>>) target(%arg11 : memref<128xi32, #tpu.memory_space<vmem>>) target_semaphore(%arg19 : memref<!tpu.dma_semaphore, #tpu.memory_space<semaphore_mem>>)
        } else {
        }
      } else {
      }
    }
    %scan3A_30 = arith.constant 39 : i32
    %dma_wait3A_31 = arith.constant 0 : i32
    %dma_wait3A_32 = arith.constant 0 : i32
    %dma_wait3A_33 = tpu.memref_slice %arg7[%dma_wait3A_31, %dma_wait3A_32] : memref<10000x128xf32, #tpu.memory_space<vmem_shared>> -> memref<10000x128xf32, #tpu.memory_space<vmem_shared>>
    tpu.wait_indirect_dma semaphore(%arg24 : memref<!tpu.dma_semaphore, #tpu.memory_space<semaphore_mem>>) src(%arg14 : memref<128x128xf32, #tpu.memory_space<vmem>>) dst(%dma_wait3A_33 : memref<10000x128xf32, #tpu.memory_space<vmem_shared>>)
    %dma_wait3A_34 = arith.constant 0 : i32
    %dma_wait3A_35 = arith.constant 0 : i32
    %dma_wait3A_36 = tpu.memref_slice %arg7[%dma_wait3A_34, %dma_wait3A_35] : memref<10000x128xf32, #tpu.memory_space<vmem_shared>> -> memref<10000x128xf32, #tpu.memory_space<vmem_shared>>
    tpu.wait_indirect_dma semaphore(%arg25 : memref<!tpu.dma_semaphore, #tpu.memory_space<semaphore_mem>>) src(%arg15 : memref<128x128xf32, #tpu.memory_space<vmem>>) dst(%dma_wait3A_36 : memref<10000x128xf32, #tpu.memory_space<vmem_shared>>)
    %lt3A = arith.constant 4 : i32
    %lt3A_37 = arith.cmpi slt, %add3A, %lt3A : i32
    %convert_element_type3A_38 = arith.extui %lt3A_37 : i1 to i32
    %cond3A_39 = arith.constant 0 : i32
    %cond3A_40 = arith.cmpi ne, %convert_element_type3A_38, %cond3A_39 : i32
    scf.if %cond3A_40 {
      %mul3A_54 = arith.constant 128 : i32
      %mul3A_55 = arith.muli %add3A, %mul3A_54 : i32
      %add3A_56 = arith.constant 319488 : i32
      %add3A_57 = arith.addi %add3A_56, %mul3A_55 : i32
      "tpu.region"() ({
        %run_scoped3A = tpu.sem_alloc : memref<!tpu.dma_semaphore, #tpu.memory_space<semaphore_mem>>
        %dma_start3A_64 = tpu.memref_slice %arg3[%add3A_57] : memref<320000xi32, #tpu.memory_space<hbm>> -> memref<128xi32, #tpu.memory_space<hbm>>
        %dma_start3A_65 = tpu.memref_slice %arg3[%add3A_57] : memref<320000xi32, #tpu.memory_space<hbm>> -> memref<128xi32, #tpu.memory_space<hbm>>
        tpu.enqueue_dma source(%dma_start3A_65 : memref<128xi32, #tpu.memory_space<hbm>>) target(%arg8 : memref<128xi32, #tpu.memory_space<vmem>>) target_semaphore(%run_scoped3A : memref<!tpu.dma_semaphore, #tpu.memory_space<semaphore_mem>>)
        %dma_wait3A_66 = tpu.memref_slice %arg3[%add3A_57] : memref<320000xi32, #tpu.memory_space<hbm>> -> memref<128xi32, #tpu.memory_space<hbm>>
        %dma_wait3A_67 = tpu.memref_slice %arg3[%add3A_57] : memref<320000xi32, #tpu.memory_space<hbm>> -> memref<128xi32, #tpu.memory_space<hbm>>
        tpu.wait_dma2 semaphore(%run_scoped3A : memref<!tpu.dma_semaphore, #tpu.memory_space<semaphore_mem>>) src(%dma_wait3A_67 : memref<128xi32, #tpu.memory_space<hbm>>) dst(%arg8 : memref<128xi32, #tpu.memory_space<vmem>>)
        tpu.yield
      }) : () -> ()
      %dma_start3A_58 = arith.constant 0 : i32
      %dma_start3A_59 = arith.constant 0 : i32
      %dma_start3A_60 = tpu.memref_slice %arg2[%dma_start3A_58, %dma_start3A_59] : memref<10000x128xf32, #tpu.memory_space<hbm>> -> memref<10000x128xf32, #tpu.memory_space<hbm>>
      tpu.enqueue_indirect_dma source(%dma_start3A_60 : memref<10000x128xf32, #tpu.memory_space<hbm>>) target(%arg14 : memref<128x128xf32, #tpu.memory_space<vmem>>) offsets(%arg8 : memref<128xi32, #tpu.memory_space<vmem>>) semaphore(%arg22 : memref<!tpu.dma_semaphore, #tpu.memory_space<semaphore_mem>>)
      %dma_wait3A_61 = arith.constant 0 : i32
      %dma_wait3A_62 = arith.constant 0 : i32
      %dma_wait3A_63 = tpu.memref_slice %arg2[%dma_wait3A_61, %dma_wait3A_62] : memref<10000x128xf32, #tpu.memory_space<hbm>> -> memref<10000x128xf32, #tpu.memory_space<hbm>>
      tpu.wait_indirect_dma semaphore(%arg22 : memref<!tpu.dma_semaphore, #tpu.memory_space<semaphore_mem>>) src(%dma_wait3A_63 : memref<10000x128xf32, #tpu.memory_space<hbm>>) dst(%arg14 : memref<128x128xf32, #tpu.memory_space<vmem>>)
      "tpu.region"() ({
        %run_scoped3A = tpu.sem_alloc : memref<!tpu.dma_semaphore, #tpu.memory_space<semaphore_mem>>
        %dma_start3A_64 = tpu.memref_slice %arg4[%add3A_57] : memref<320000xi32, #tpu.memory_space<hbm>> -> memref<128xi32, #tpu.memory_space<hbm>>
        %dma_start3A_65 = tpu.memref_slice %arg4[%add3A_57] : memref<320000xi32, #tpu.memory_space<hbm>> -> memref<128xi32, #tpu.memory_space<hbm>>
        tpu.enqueue_dma source(%dma_start3A_65 : memref<128xi32, #tpu.memory_space<hbm>>) target(%arg10 : memref<128xi32, #tpu.memory_space<vmem>>) target_semaphore(%run_scoped3A : memref<!tpu.dma_semaphore, #tpu.memory_space<semaphore_mem>>)
        %dma_wait3A_66 = tpu.memref_slice %arg4[%add3A_57] : memref<320000xi32, #tpu.memory_space<hbm>> -> memref<128xi32, #tpu.memory_space<hbm>>
        %dma_wait3A_67 = tpu.memref_slice %arg4[%add3A_57] : memref<320000xi32, #tpu.memory_space<hbm>> -> memref<128xi32, #tpu.memory_space<hbm>>
        tpu.wait_dma2 semaphore(%run_scoped3A : memref<!tpu.dma_semaphore, #tpu.memory_space<semaphore_mem>>) src(%dma_wait3A_67 : memref<128xi32, #tpu.memory_space<hbm>>) dst(%arg10 : memref<128xi32, #tpu.memory_space<vmem>>)
        tpu.yield
      }) : () -> ()
      "tpu.region"() ({
        %run_scoped3A = tpu.sem_alloc : memref<!tpu.dma_semaphore, #tpu.memory_space<semaphore_mem>>
        %dma_start3A_64 = arith.constant 0 : i32
        %dma_start3A_65 = arith.constant 0 : i32
        %dma_start3A_66 = tpu.memref_slice %arg7[%dma_start3A_64, %dma_start3A_65] : memref<10000x128xf32, #tpu.memory_space<vmem_shared>> -> memref<10000x128xf32, #tpu.memory_space<vmem_shared>>
        tpu.enqueue_indirect_dma source(%arg14 : memref<128x128xf32, #tpu.memory_space<vmem>>) target(%dma_start3A_66 : memref<10000x128xf32, #tpu.memory_space<vmem_shared>>) offsets(%arg10 : memref<128xi32, #tpu.memory_space<vmem>>) semaphore(%run_scoped3A : memref<!tpu.dma_semaphore, #tpu.memory_space<semaphore_mem>>) {add = true}
        %dma_wait3A_67 = arith.constant 0 : i32
        %dma_wait3A_68 = arith.constant 0 : i32
        %dma_wait3A_69 = tpu.memref_slice %arg7[%dma_wait3A_67, %dma_wait3A_68] : memref<10000x128xf32, #tpu.memory_space<vmem_shared>> -> memref<10000x128xf32, #tpu.memory_space<vmem_shared>>
        tpu.wait_indirect_dma semaphore(%run_scoped3A : memref<!tpu.dma_semaphore, #tpu.memory_space<semaphore_mem>>) src(%arg14 : memref<128x128xf32, #tpu.memory_space<vmem>>) dst(%dma_wait3A_69 : memref<10000x128xf32, #tpu.memory_space<vmem_shared>>)
        tpu.yield
      }) : () -> ()
    } else {
    }
    %barrier3A_41 = arith.constant 0 : index
    tpu.barrier barrier_id(%barrier3A_41)
    %mul3A_42 = arith.constant 624 : i32
    %mul3A_43 = arith.muli %arg1, %mul3A_42 : i32
    %mul3A_44 = arith.constant 10000 : i32
    %mul3A_45 = arith.muli %arg0, %mul3A_44 : i32
    %mul3A_46 = arith.constant 624 : i32
    %mul3A_47 = arith.muli %arg1, %mul3A_46 : i32
    %add3A_48 = arith.addi %mul3A_45, %mul3A_47 : i32
    "tpu.region"() ({
      %run_scoped3A = tpu.sem_alloc : memref<!tpu.dma_semaphore, #tpu.memory_space<semaphore_mem>>
      %dma_start3A_54 = arith.constant 0 : i32
      %dma_start3A_55 = tpu.memref_slice %arg6[%add3A_48, %dma_start3A_54] : memref<20000x128xf32, #tpu.memory_space<hbm>> -> memref<624x128xf32, #tpu.memory_space<hbm>>
      %dma_start3A_56 = arith.constant 0 : i32
      %dma_start3A_57 = tpu.memref_slice %arg7[%mul3A_43, %dma_start3A_56] : memref<10000x128xf32, #tpu.memory_space<vmem_shared>> -> memref<624x128xf32, #tpu.memory_space<vmem_shared>>
      tpu.enqueue_dma source(%dma_start3A_57 : memref<624x128xf32, #tpu.memory_space<vmem_shared>>) target(%dma_start3A_55 : memref<624x128xf32, #tpu.memory_space<hbm>>) target_semaphore(%run_scoped3A : memref<!tpu.dma_semaphore, #tpu.memory_space<semaphore_mem>>)
      %dma_wait3A_58 = arith.constant 0 : i32
      %dma_wait3A_59 = tpu.memref_slice %arg6[%add3A_48, %dma_wait3A_58] : memref<20000x128xf32, #tpu.memory_space<hbm>> -> memref<624x128xf32, #tpu.memory_space<hbm>>
      %dma_wait3A_60 = arith.constant 0 : i32
      %dma_wait3A_61 = tpu.memref_slice %arg7[%mul3A_43, %dma_wait3A_60] : memref<10000x128xf32, #tpu.memory_space<vmem_shared>> -> memref<624x128xf32, #tpu.memory_space<vmem_shared>>
      tpu.wait_dma2 semaphore(%run_scoped3A : memref<!tpu.dma_semaphore, #tpu.memory_space<semaphore_mem>>) src(%dma_wait3A_61 : memref<624x128xf32, #tpu.memory_space<vmem_shared>>) dst(%dma_wait3A_59 : memref<624x128xf32, #tpu.memory_space<hbm>>)
      tpu.yield
    }) : () -> ()
    %eq3A_49 = arith.constant 0 : i32
    %eq3A_50 = arith.cmpi eq, %arg1, %eq3A_49 : i32
    %convert_element_type3A_51 = arith.extui %eq3A_50 : i1 to i32
    %cond3A_52 = arith.constant 0 : i32
    %cond3A_53 = arith.cmpi ne, %convert_element_type3A_51, %cond3A_52 : i32
    scf.if %cond3A_53 {
      %mul3A_54 = arith.constant 10000 : i32
      %mul3A_55 = arith.muli %arg0, %mul3A_54 : i32
      %add3A_56 = arith.constant 9984 : i32
      %add3A_57 = arith.addi %mul3A_55, %add3A_56 : i32
      "tpu.region"() ({
        %run_scoped3A = tpu.sem_alloc : memref<!tpu.dma_semaphore, #tpu.memory_space<semaphore_mem>>
        %dma_start3A_58 = arith.constant 0 : i32
        %dma_start3A_59 = tpu.memref_slice %arg6[%add3A_57, %dma_start3A_58] : memref<20000x128xf32, #tpu.memory_space<hbm>> -> memref<16x128xf32, #tpu.memory_space<hbm>>
        %dma_start3A_60 = arith.constant 9984 : i32
        %dma_start3A_61 = arith.constant 0 : i32
        %dma_start3A_62 = tpu.memref_slice %arg7[%dma_start3A_60, %dma_start3A_61] : memref<10000x128xf32, #tpu.memory_space<vmem_shared>> -> memref<16x128xf32, #tpu.memory_space<vmem_shared>>
        tpu.enqueue_dma source(%dma_start3A_62 : memref<16x128xf32, #tpu.memory_space<vmem_shared>>) target(%dma_start3A_59 : memref<16x128xf32, #tpu.memory_space<hbm>>) target_semaphore(%run_scoped3A : memref<!tpu.dma_semaphore, #tpu.memory_space<semaphore_mem>>)
        %dma_wait3A_63 = arith.constant 0 : i32
        %dma_wait3A_64 = tpu.memref_slice %arg6[%add3A_57, %dma_wait3A_63] : memref<20000x128xf32, #tpu.memory_space<hbm>> -> memref<16x128xf32, #tpu.memory_space<hbm>>
        %dma_wait3A_65 = arith.constant 9984 : i32
        %dma_wait3A_66 = arith.constant 0 : i32
        %dma_wait3A_67 = tpu.memref_slice %arg7[%dma_wait3A_65, %dma_wait3A_66] : memref<10000x128xf32, #tpu.memory_space<vmem_shared>> -> memref<16x128xf32, #tpu.memory_space<vmem_shared>>
        tpu.wait_dma2 semaphore(%run_scoped3A : memref<!tpu.dma_semaphore, #tpu.memory_space<semaphore_mem>>) src(%dma_wait3A_67 : memref<16x128xf32, #tpu.memory_space<vmem_shared>>) dst(%dma_wait3A_64 : memref<16x128xf32, #tpu.memory_space<hbm>>)
        tpu.yield
      }) : () -> ()
    } else {
    }
    return
  }
}

#map = affine_map<(d0, d1) -> (0, 0)>
#map1 = affine_map<(d0, d1) -> (0)>
module attributes {stable_mosaic.version = 14 : i64} {
  func.func @_sc_body(%arg0: i32, %arg1: i32, %arg2: memref<10000x128xf32, #tpu.memory_space<hbm>>, %arg3: memref<320000xi32, #tpu.memory_space<hbm>>, %arg4: memref<320000xi32, #tpu.memory_space<hbm>>, %arg5: memref<10000x128xf32, #tpu.memory_space<hbm>>, %arg6: memref<20000x128xf32, #tpu.memory_space<hbm>>, %arg7: memref<10000x128xf32, #tpu.memory_space<vmem_shared>>, %arg8: memref<128xi32, #tpu.memory_space<vmem>>, %arg9: memref<128xi32, #tpu.memory_space<vmem>>, %arg10: memref<128xi32, #tpu.memory_space<vmem>>, %arg11: memref<128xi32, #tpu.memory_space<vmem>>, %arg12: memref<128xi32, #tpu.memory_space<vmem>>, %arg13: memref<128xi32, #tpu.memory_space<vmem>>, %arg14: memref<128x128xf32, #tpu.memory_space<vmem>>, %arg15: memref<128x128xf32, #tpu.memory_space<vmem>>, %arg16: memref<!tpu.dma_semaphore, #tpu.memory_space<semaphore_mem>>, %arg17: memref<!tpu.dma_semaphore, #tpu.memory_space<semaphore_mem>>, %arg18: memref<!tpu.dma_semaphore, #tpu.memory_space<semaphore_mem>>, %arg19: memref<!tpu.dma_semaphore, #tpu.memory_space<semaphore_mem>>, %arg20: memref<!tpu.dma_semaphore, #tpu.memory_space<semaphore_mem>>, %arg21: memref<!tpu.dma_semaphore, #tpu.memory_space<semaphore_mem>>, %arg22: memref<!tpu.dma_semaphore, #tpu.memory_space<semaphore_mem>>, %arg23: memref<!tpu.dma_semaphore, #tpu.memory_space<semaphore_mem>>, %arg24: memref<!tpu.dma_semaphore, #tpu.memory_space<semaphore_mem>>, %arg25: memref<!tpu.dma_semaphore, #tpu.memory_space<semaphore_mem>>) attributes {dimension_semantics = [#tpu.dimension_semantics<core_parallel>, #tpu.dimension_semantics<subcore_parallel>], iteration_bounds = array<i64: 2, 16>, scalar_prefetch = 0 : i64, scratch_operands = 19 : i64, tpu.core_type = #tpu.core_type<sc_vector_subcore>, window_params = [{transform_indices = #map}, {transform_indices = #map1}, {transform_indices = #map1}, {transform_indices = #map}, {transform_indices = #map}]} {
    %mul3A = arith.constant 2 : i32
    %mul3A_0 = arith.muli %arg1, %mul3A : i32
    %add3A = arith.addi %mul3A_0, %arg0 : i32
    %mul3A_1 = arith.constant 624 : i32
    %mul3A_2 = arith.muli %arg1, %mul3A_1 : i32
    %mul3A_3 = arith.constant 624 : i32
    %mul3A_4 = arith.muli %arg1, %mul3A_3 : i32
    "tpu.region"() ({
      %run_scoped3A = tpu.sem_alloc : memref<!tpu.dma_semaphore, #tpu.memory_space<semaphore_mem>>
      %dma_start3A_54 = arith.constant 0 : i32
      %dma_start3A_55 = tpu.memref_slice %arg7[%mul3A_4, %dma_start3A_54] : memref<10000x128xf32, #tpu.memory_space<vmem_shared>> -> memref<624x128xf32, #tpu.memory_space<vmem_shared>>
      %dma_start3A_56 = arith.constant 0 : i32
      %dma_start3A_57 = tpu.memref_slice %arg5[%mul3A_2, %dma_start3A_56] : memref<10000x128xf32, #tpu.memory_space<hbm>> -> memref<624x128xf32, #tpu.memory_space<hbm>>
      tpu.enqueue_dma source(%dma_start3A_57 : memref<624x128xf32, #tpu.memory_space<hbm>>) target(%dma_start3A_55 : memref<624x128xf32, #tpu.memory_space<vmem_shared>>) target_semaphore(%run_scoped3A : memref<!tpu.dma_semaphore, #tpu.memory_space<semaphore_mem>>)
      %dma_wait3A_58 = arith.constant 0 : i32
      %dma_wait3A_59 = tpu.memref_slice %arg7[%mul3A_4, %dma_wait3A_58] : memref<10000x128xf32, #tpu.memory_space<vmem_shared>> -> memref<624x128xf32, #tpu.memory_space<vmem_shared>>
      %dma_wait3A_60 = arith.constant 0 : i32
      %dma_wait3A_61 = tpu.memref_slice %arg5[%mul3A_2, %dma_wait3A_60] : memref<10000x128xf32, #tpu.memory_space<hbm>> -> memref<624x128xf32, #tpu.memory_space<hbm>>
      tpu.wait_dma2 semaphore(%run_scoped3A : memref<!tpu.dma_semaphore, #tpu.memory_space<semaphore_mem>>) src(%dma_wait3A_61 : memref<624x128xf32, #tpu.memory_space<hbm>>) dst(%dma_wait3A_59 : memref<624x128xf32, #tpu.memory_space<vmem_shared>>)
      tpu.yield
    }) : () -> ()
    %eq3A = arith.constant 0 : i32
    %eq3A_5 = arith.cmpi eq, %arg1, %eq3A : i32
    %convert_element_type3A = arith.extui %eq3A_5 : i1 to i32
    %cond3A = arith.constant 0 : i32
    %cond3A_6 = arith.cmpi ne, %convert_element_type3A, %cond3A : i32
    scf.if %cond3A_6 {
      "tpu.region"() ({
        %run_scoped3A = tpu.sem_alloc : memref<!tpu.dma_semaphore, #tpu.memory_space<semaphore_mem>>
        %dma_start3A_54 = arith.constant 9984 : i32
        %dma_start3A_55 = arith.constant 0 : i32
        %dma_start3A_56 = tpu.memref_slice %arg7[%dma_start3A_54, %dma_start3A_55] : memref<10000x128xf32, #tpu.memory_space<vmem_shared>> -> memref<16x128xf32, #tpu.memory_space<vmem_shared>>
        %dma_start3A_57 = arith.constant 9984 : i32
        %dma_start3A_58 = arith.constant 0 : i32
        %dma_start3A_59 = tpu.memref_slice %arg5[%dma_start3A_57, %dma_start3A_58] : memref<10000x128xf32, #tpu.memory_space<hbm>> -> memref<16x128xf32, #tpu.memory_space<hbm>>
        tpu.enqueue_dma source(%dma_start3A_59 : memref<16x128xf32, #tpu.memory_space<hbm>>) target(%dma_start3A_56 : memref<16x128xf32, #tpu.memory_space<vmem_shared>>) target_semaphore(%run_scoped3A : memref<!tpu.dma_semaphore, #tpu.memory_space<semaphore_mem>>)
        %dma_wait3A_60 = arith.constant 9984 : i32
        %dma_wait3A_61 = arith.constant 0 : i32
        %dma_wait3A_62 = tpu.memref_slice %arg7[%dma_wait3A_60, %dma_wait3A_61] : memref<10000x128xf32, #tpu.memory_space<vmem_shared>> -> memref<16x128xf32, #tpu.memory_space<vmem_shared>>
        %dma_wait3A_63 = arith.constant 9984 : i32
        %dma_wait3A_64 = arith.constant 0 : i32
        %dma_wait3A_65 = tpu.memref_slice %arg5[%dma_wait3A_63, %dma_wait3A_64] : memref<10000x128xf32, #tpu.memory_space<hbm>> -> memref<16x128xf32, #tpu.memory_space<hbm>>
        tpu.wait_dma2 semaphore(%run_scoped3A : memref<!tpu.dma_semaphore, #tpu.memory_space<semaphore_mem>>) src(%dma_wait3A_65 : memref<16x128xf32, #tpu.memory_space<hbm>>) dst(%dma_wait3A_62 : memref<16x128xf32, #tpu.memory_space<vmem_shared>>)
        tpu.yield
      }) : () -> ()
    } else {
    }
    %barrier3A = arith.constant 0 : index
    tpu.barrier barrier_id(%barrier3A)
    %mul3A_7 = arith.constant 9984 : i32
    %mul3A_8 = arith.muli %add3A, %mul3A_7 : i32
    %add3A_9 = arith.constant 0 : i32
    %add3A_10 = arith.addi %mul3A_8, %add3A_9 : i32
    %dma_start3A = tpu.memref_slice %arg3[%add3A_10] : memref<320000xi32, #tpu.memory_space<hbm>> -> memref<128xi32, #tpu.memory_space<hbm>>
    %dma_start3A_11 = tpu.memref_slice %arg3[%add3A_10] : memref<320000xi32, #tpu.memory_space<hbm>> -> memref<128xi32, #tpu.memory_space<hbm>>
    tpu.enqueue_dma source(%dma_start3A_11 : memref<128xi32, #tpu.memory_space<hbm>>) target(%arg8 : memref<128xi32, #tpu.memory_space<vmem>>) target_semaphore(%arg16 : memref<!tpu.dma_semaphore, #tpu.memory_space<semaphore_mem>>)
    %dma_start3A_12 = tpu.memref_slice %arg4[%add3A_10] : memref<320000xi32, #tpu.memory_space<hbm>> -> memref<128xi32, #tpu.memory_space<hbm>>
    %dma_start3A_13 = tpu.memref_slice %arg4[%add3A_10] : memref<320000xi32, #tpu.memory_space<hbm>> -> memref<128xi32, #tpu.memory_space<hbm>>
    tpu.enqueue_dma source(%dma_start3A_13 : memref<128xi32, #tpu.memory_space<hbm>>) target(%arg10 : memref<128xi32, #tpu.memory_space<vmem>>) target_semaphore(%arg18 : memref<!tpu.dma_semaphore, #tpu.memory_space<semaphore_mem>>)
    %add3A_14 = arith.constant 128 : i32
    %add3A_15 = arith.addi %mul3A_8, %add3A_14 : i32
    %dma_start3A_16 = tpu.memref_slice %arg3[%add3A_15] : memref<320000xi32, #tpu.memory_space<hbm>> -> memref<128xi32, #tpu.memory_space<hbm>>
    %dma_start3A_17 = tpu.memref_slice %arg3[%add3A_15] : memref<320000xi32, #tpu.memory_space<hbm>> -> memref<128xi32, #tpu.memory_space<hbm>>
    tpu.enqueue_dma source(%dma_start3A_17 : memref<128xi32, #tpu.memory_space<hbm>>) target(%arg9 : memref<128xi32, #tpu.memory_space<vmem>>) target_semaphore(%arg17 : memref<!tpu.dma_semaphore, #tpu.memory_space<semaphore_mem>>)
    %dma_start3A_18 = tpu.memref_slice %arg4[%add3A_15] : memref<320000xi32, #tpu.memory_space<hbm>> -> memref<128xi32, #tpu.memory_space<hbm>>
    %dma_start3A_19 = tpu.memref_slice %arg4[%add3A_15] : memref<320000xi32, #tpu.memory_space<hbm>> -> memref<128xi32, #tpu.memory_space<hbm>>
    tpu.enqueue_dma source(%dma_start3A_19 : memref<128xi32, #tpu.memory_space<hbm>>) target(%arg11 : memref<128xi32, #tpu.memory_space<vmem>>) target_semaphore(%arg19 : memref<!tpu.dma_semaphore, #tpu.memory_space<semaphore_mem>>)
    %dma_wait3A = arith.constant 0 : i32
    %dma_wait3A_20 = tpu.memref_slice %arg3[%dma_wait3A] : memref<320000xi32, #tpu.memory_space<hbm>> -> memref<128xi32, #tpu.memory_space<hbm>>
    %dma_wait3A_21 = arith.constant 0 : i32
    %dma_wait3A_22 = tpu.memref_slice %arg3[%dma_wait3A_21] : memref<320000xi32, #tpu.memory_space<hbm>> -> memref<128xi32, #tpu.memory_space<hbm>>
    tpu.wait_dma2 semaphore(%arg16 : memref<!tpu.dma_semaphore, #tpu.memory_space<semaphore_mem>>) src(%dma_wait3A_22 : memref<128xi32, #tpu.memory_space<hbm>>) dst(%arg8 : memref<128xi32, #tpu.memory_space<vmem>>)
    %dma_start3A_23 = arith.constant 0 : i32
    %dma_start3A_24 = arith.constant 0 : i32
    %dma_start3A_25 = tpu.memref_slice %arg2[%dma_start3A_23, %dma_start3A_24] : memref<10000x128xf32, #tpu.memory_space<hbm>> -> memref<10000x128xf32, #tpu.memory_space<hbm>>
    tpu.enqueue_indirect_dma source(%dma_start3A_25 : memref<10000x128xf32, #tpu.memory_space<hbm>>) target(%arg14 : memref<128x128xf32, #tpu.memory_space<vmem>>) offsets(%arg8 : memref<128xi32, #tpu.memory_space<vmem>>) semaphore(%arg22 : memref<!tpu.dma_semaphore, #tpu.memory_space<semaphore_mem>>)
    %scan3A = arith.constant 0 : i32
    %scan3A_26 = arith.constant 0 : i32
    %scan3A_27 = arith.constant 39 : i32
    %scan3A_28 = arith.addi %scan3A_26, %scan3A_27 : i32
    %scan3A_29 = arith.constant 1 : i32
    scf.for %scan3A_54 = %scan3A_26 to %scan3A_28 step %scan3A_29  : i32 {
      %mul3A_55 = arith.constant 2 : i32
      %mul3A_56 = arith.muli %mul3A_55, %scan3A_54 : i32
      %add3A_57 = arith.constant 0 : i32
      %add3A_58 = arith.addi %mul3A_56, %add3A_57 : i32
      %add3A_59 = arith.constant 1 : i32
      %add3A_60 = arith.addi %add3A_58, %add3A_59 : i32
      %lt3A_61 = arith.constant 78 : i32
      %lt3A_62 = arith.cmpi slt, %add3A_60, %lt3A_61 : i32
      %convert_element_type3A_63 = arith.extui %lt3A_62 : i1 to i32
      %cond3A_64 = arith.constant 0 : i32
      %cond3A_65 = arith.cmpi ne, %convert_element_type3A_63, %cond3A_64 : i32
      scf.if %cond3A_65 {
        %dma_wait3A_162 = arith.constant 0 : i32
        %dma_wait3A_163 = tpu.memref_slice %arg3[%dma_wait3A_162] : memref<320000xi32, #tpu.memory_space<hbm>> -> memref<128xi32, #tpu.memory_space<hbm>>
        %dma_wait3A_164 = arith.constant 0 : i32
        %dma_wait3A_165 = tpu.memref_slice %arg3[%dma_wait3A_164] : memref<320000xi32, #tpu.memory_space<hbm>> -> memref<128xi32, #tpu.memory_space<hbm>>
        tpu.wait_dma2 semaphore(%arg17 : memref<!tpu.dma_semaphore, #tpu.memory_space<semaphore_mem>>) src(%dma_wait3A_165 : memref<128xi32, #tpu.memory_space<hbm>>) dst(%arg9 : memref<128xi32, #tpu.memory_space<vmem>>)
        %ge3A = arith.constant 1 : i32
        %ge3A_166 = arith.cmpi sge, %add3A_58, %ge3A : i32
        %convert_element_type3A_167 = arith.extui %ge3A_166 : i1 to i32
        %cond3A_168 = arith.constant 0 : i32
        %cond3A_169 = arith.cmpi ne, %convert_element_type3A_167, %cond3A_168 : i32
        scf.if %cond3A_169 {
          %dma_wait3A_173 = arith.constant 0 : i32
          %dma_wait3A_174 = arith.constant 0 : i32
          %dma_wait3A_175 = tpu.memref_slice %arg7[%dma_wait3A_173, %dma_wait3A_174] : memref<10000x128xf32, #tpu.memory_space<vmem_shared>> -> memref<10000x128xf32, #tpu.memory_space<vmem_shared>>
          tpu.wait_indirect_dma semaphore(%arg25 : memref<!tpu.dma_semaphore, #tpu.memory_space<semaphore_mem>>) src(%arg15 : memref<128x128xf32, #tpu.memory_space<vmem>>) dst(%dma_wait3A_175 : memref<10000x128xf32, #tpu.memory_space<vmem_shared>>)
        } else {
        }
        %dma_start3A_170 = arith.constant 0 : i32
        %dma_start3A_171 = arith.constant 0 : i32
        %dma_start3A_172 = tpu.memref_slice %arg2[%dma_start3A_170, %dma_start3A_171] : memref<10000x128xf32, #tpu.memory_space<hbm>> -> memref<10000x128xf32, #tpu.memory_space<hbm>>
        tpu.enqueue_indirect_dma source(%dma_start3A_172 : memref<10000x128xf32, #tpu.memory_space<hbm>>) target(%arg15 : memref<128x128xf32, #tpu.memory_space<vmem>>) offsets(%arg9 : memref<128xi32, #tpu.memory_space<vmem>>) semaphore(%arg23 : memref<!tpu.dma_semaphore, #tpu.memory_space<semaphore_mem>>)
      } else {
      }
      %dma_wait3A_66 = arith.constant 0 : i32
      %dma_wait3A_67 = arith.constant 0 : i32
      %dma_wait3A_68 = tpu.memref_slice %arg2[%dma_wait3A_66, %dma_wait3A_67] : memref<10000x128xf32, #tpu.memory_space<hbm>> -> memref<10000x128xf32, #tpu.memory_space<hbm>>
      tpu.wait_indirect_dma semaphore(%arg22 : memref<!tpu.dma_semaphore, #tpu.memory_space<semaphore_mem>>) src(%dma_wait3A_68 : memref<10000x128xf32, #tpu.memory_space<hbm>>) dst(%arg14 : memref<128x128xf32, #tpu.memory_space<vmem>>)
      %jit3A = arith.constant 2 : i32
      %eq3A_69 = arith.constant 0 : i32
      %eq3A_70 = arith.cmpi eq, %jit3A, %eq3A_69 : i32
      %jit3A_71 = arith.constant 1 : i32
      %select_n3A = arith.select %eq3A_70, %jit3A_71, %jit3A : i32
      %rem3A = arith.remsi %scan3A_54, %select_n3A : i32
      %ne3A = arith.constant 0 : i32
      %ne3A_72 = arith.cmpi ne, %rem3A, %ne3A : i32
      %lt3A_73 = arith.constant 0 : i32
      %lt3A_74 = arith.cmpi slt, %rem3A, %lt3A_73 : i32
      %lt3A_75 = arith.constant 0 : i32
      %lt3A_76 = arith.cmpi slt, %select_n3A, %lt3A_75 : i32
      %ne3A_77 = arith.xori %lt3A_74, %lt3A_76 : i1
      %and3A = arith.andi %ne3A_77, %ne3A_72 : i1
      %add3A_78 = arith.addi %rem3A, %select_n3A : i32
      %select_n3A_79 = arith.select %and3A, %add3A_78, %rem3A : i32
      %eq3A_80 = arith.constant 0 : i32
      %eq3A_81 = arith.cmpi eq, %select_n3A_79, %eq3A_80 : i32
      %convert_element_type3A_82 = arith.extui %eq3A_81 : i1 to i32
      %cond3A_83 = arith.constant 0 : i32
      %cond3A_84 = arith.cmpi ne, %convert_element_type3A_82, %cond3A_83 : i32
      scf.if %cond3A_84 {
        %dma_wait3A_162 = arith.constant 0 : i32
        %dma_wait3A_163 = tpu.memref_slice %arg4[%dma_wait3A_162] : memref<320000xi32, #tpu.memory_space<hbm>> -> memref<128xi32, #tpu.memory_space<hbm>>
        %dma_wait3A_164 = arith.constant 0 : i32
        %dma_wait3A_165 = tpu.memref_slice %arg4[%dma_wait3A_164] : memref<320000xi32, #tpu.memory_space<hbm>> -> memref<128xi32, #tpu.memory_space<hbm>>
        tpu.wait_dma2 semaphore(%arg18 : memref<!tpu.dma_semaphore, #tpu.memory_space<semaphore_mem>>) src(%dma_wait3A_165 : memref<128xi32, #tpu.memory_space<hbm>>) dst(%arg10 : memref<128xi32, #tpu.memory_space<vmem>>)
        %dma_start3A_166 = arith.constant 0 : i32
        %dma_start3A_167 = arith.constant 0 : i32
        %dma_start3A_168 = tpu.memref_slice %arg7[%dma_start3A_166, %dma_start3A_167] : memref<10000x128xf32, #tpu.memory_space<vmem_shared>> -> memref<10000x128xf32, #tpu.memory_space<vmem_shared>>
        tpu.enqueue_indirect_dma source(%arg14 : memref<128x128xf32, #tpu.memory_space<vmem>>) target(%dma_start3A_168 : memref<10000x128xf32, #tpu.memory_space<vmem_shared>>) offsets(%arg10 : memref<128xi32, #tpu.memory_space<vmem>>) semaphore(%arg24 : memref<!tpu.dma_semaphore, #tpu.memory_space<semaphore_mem>>) {add = true}
        %add3A_169 = arith.constant 2 : i32
        %add3A_170 = arith.addi %add3A_58, %add3A_169 : i32
        %lt3A_171 = arith.constant 78 : i32
        %lt3A_172 = arith.cmpi slt, %add3A_170, %lt3A_171 : i32
        %convert_element_type3A_173 = arith.extui %lt3A_172 : i1 to i32
        %cond3A_174 = arith.constant 0 : i32
        %cond3A_175 = arith.cmpi ne, %convert_element_type3A_173, %cond3A_174 : i32
        scf.if %cond3A_175 {
          %add3A_176 = arith.constant 2 : i32
          %add3A_177 = arith.addi %add3A_58, %add3A_176 : i32
          %mul3A_178 = arith.constant 128 : i32
          %mul3A_179 = arith.muli %add3A_177, %mul3A_178 : i32
          %add3A_180 = arith.addi %mul3A_8, %mul3A_179 : i32
          %dma_start3A_181 = tpu.memref_slice %arg3[%add3A_180] : memref<320000xi32, #tpu.memory_space<hbm>> -> memref<128xi32, #tpu.memory_space<hbm>>
          %dma_start3A_182 = tpu.memref_slice %arg3[%add3A_180] : memref<320000xi32, #tpu.memory_space<hbm>> -> memref<128xi32, #tpu.memory_space<hbm>>
          tpu.enqueue_dma source(%dma_start3A_182 : memref<128xi32, #tpu.memory_space<hbm>>) target(%arg8 : memref<128xi32, #tpu.memory_space<vmem>>) target_semaphore(%arg16 : memref<!tpu.dma_semaphore, #tpu.memory_space<semaphore_mem>>)
          %dma_start3A_183 = tpu.memref_slice %arg4[%add3A_180] : memref<320000xi32, #tpu.memory_space<hbm>> -> memref<128xi32, #tpu.memory_space<hbm>>
          %dma_start3A_184 = tpu.memref_slice %arg4[%add3A_180] : memref<320000xi32, #tpu.memory_space<hbm>> -> memref<128xi32, #tpu.memory_space<hbm>>
          tpu.enqueue_dma source(%dma_start3A_184 : memref<128xi32, #tpu.memory_space<hbm>>) target(%arg12 : memref<128xi32, #tpu.memory_space<vmem>>) target_semaphore(%arg20 : memref<!tpu.dma_semaphore, #tpu.memory_space<semaphore_mem>>)
        } else {
        }
      } else {
      }
      %jit3A_85 = arith.constant 2 : i32
      %eq3A_86 = arith.constant 0 : i32
      %eq3A_87 = arith.cmpi eq, %jit3A_85, %eq3A_86 : i32
      %jit3A_88 = arith.constant 1 : i32
      %select_n3A_89 = arith.select %eq3A_87, %jit3A_88, %jit3A_85 : i32
      %rem3A_90 = arith.remsi %scan3A_54, %select_n3A_89 : i32
      %ne3A_91 = arith.constant 0 : i32
      %ne3A_92 = arith.cmpi ne, %rem3A_90, %ne3A_91 : i32
      %lt3A_93 = arith.constant 0 : i32
      %lt3A_94 = arith.cmpi slt, %rem3A_90, %lt3A_93 : i32
      %lt3A_95 = arith.constant 0 : i32
      %lt3A_96 = arith.cmpi slt, %select_n3A_89, %lt3A_95 : i32
      %ne3A_97 = arith.xori %lt3A_94, %lt3A_96 : i1
      %and3A_98 = arith.andi %ne3A_97, %ne3A_92 : i1
      %add3A_99 = arith.addi %rem3A_90, %select_n3A_89 : i32
      %select_n3A_100 = arith.select %and3A_98, %add3A_99, %rem3A_90 : i32
      %eq3A_101 = arith.constant 1 : i32
      %eq3A_102 = arith.cmpi eq, %select_n3A_100, %eq3A_101 : i32
      %convert_element_type3A_103 = arith.extui %eq3A_102 : i1 to i32
      %cond3A_104 = arith.constant 0 : i32
      %cond3A_105 = arith.cmpi ne, %convert_element_type3A_103, %cond3A_104 : i32
      scf.if %cond3A_105 {
        %dma_wait3A_162 = arith.constant 0 : i32
        %dma_wait3A_163 = tpu.memref_slice %arg4[%dma_wait3A_162] : memref<320000xi32, #tpu.memory_space<hbm>> -> memref<128xi32, #tpu.memory_space<hbm>>
        %dma_wait3A_164 = arith.constant 0 : i32
        %dma_wait3A_165 = tpu.memref_slice %arg4[%dma_wait3A_164] : memref<320000xi32, #tpu.memory_space<hbm>> -> memref<128xi32, #tpu.memory_space<hbm>>
        tpu.wait_dma2 semaphore(%arg20 : memref<!tpu.dma_semaphore, #tpu.memory_space<semaphore_mem>>) src(%dma_wait3A_165 : memref<128xi32, #tpu.memory_space<hbm>>) dst(%arg12 : memref<128xi32, #tpu.memory_space<vmem>>)
        %dma_start3A_166 = arith.constant 0 : i32
        %dma_start3A_167 = arith.constant 0 : i32
        %dma_start3A_168 = tpu.memref_slice %arg7[%dma_start3A_166, %dma_start3A_167] : memref<10000x128xf32, #tpu.memory_space<vmem_shared>> -> memref<10000x128xf32, #tpu.memory_space<vmem_shared>>
        tpu.enqueue_indirect_dma source(%arg14 : memref<128x128xf32, #tpu.memory_space<vmem>>) target(%dma_start3A_168 : memref<10000x128xf32, #tpu.memory_space<vmem_shared>>) offsets(%arg12 : memref<128xi32, #tpu.memory_space<vmem>>) semaphore(%arg24 : memref<!tpu.dma_semaphore, #tpu.memory_space<semaphore_mem>>) {add = true}
        %add3A_169 = arith.constant 2 : i32
        %add3A_170 = arith.addi %add3A_58, %add3A_169 : i32
        %lt3A_171 = arith.constant 78 : i32
        %lt3A_172 = arith.cmpi slt, %add3A_170, %lt3A_171 : i32
        %convert_element_type3A_173 = arith.extui %lt3A_172 : i1 to i32
        %cond3A_174 = arith.constant 0 : i32
        %cond3A_175 = arith.cmpi ne, %convert_element_type3A_173, %cond3A_174 : i32
        scf.if %cond3A_175 {
          %add3A_176 = arith.constant 2 : i32
          %add3A_177 = arith.addi %add3A_58, %add3A_176 : i32
          %mul3A_178 = arith.constant 128 : i32
          %mul3A_179 = arith.muli %add3A_177, %mul3A_178 : i32
          %add3A_180 = arith.addi %mul3A_8, %mul3A_179 : i32
          %dma_start3A_181 = tpu.memref_slice %arg3[%add3A_180] : memref<320000xi32, #tpu.memory_space<hbm>> -> memref<128xi32, #tpu.memory_space<hbm>>
          %dma_start3A_182 = tpu.memref_slice %arg3[%add3A_180] : memref<320000xi32, #tpu.memory_space<hbm>> -> memref<128xi32, #tpu.memory_space<hbm>>
          tpu.enqueue_dma source(%dma_start3A_182 : memref<128xi32, #tpu.memory_space<hbm>>) target(%arg8 : memref<128xi32, #tpu.memory_space<vmem>>) target_semaphore(%arg16 : memref<!tpu.dma_semaphore, #tpu.memory_space<semaphore_mem>>)
          %dma_start3A_183 = tpu.memref_slice %arg4[%add3A_180] : memref<320000xi32, #tpu.memory_space<hbm>> -> memref<128xi32, #tpu.memory_space<hbm>>
          %dma_start3A_184 = tpu.memref_slice %arg4[%add3A_180] : memref<320000xi32, #tpu.memory_space<hbm>> -> memref<128xi32, #tpu.memory_space<hbm>>
          tpu.enqueue_dma source(%dma_start3A_184 : memref<128xi32, #tpu.memory_space<hbm>>) target(%arg10 : memref<128xi32, #tpu.memory_space<vmem>>) target_semaphore(%arg18 : memref<!tpu.dma_semaphore, #tpu.memory_space<semaphore_mem>>)
        } else {
        }
      } else {
      }
      %mul3A_106 = arith.constant 2 : i32
      %mul3A_107 = arith.muli %mul3A_106, %scan3A_54 : i32
      %add3A_108 = arith.constant 1 : i32
      %add3A_109 = arith.addi %mul3A_107, %add3A_108 : i32
      %add3A_110 = arith.constant 1 : i32
      %add3A_111 = arith.addi %add3A_109, %add3A_110 : i32
      %lt3A_112 = arith.constant 78 : i32
      %lt3A_113 = arith.cmpi slt, %add3A_111, %lt3A_112 : i32
      %convert_element_type3A_114 = arith.extui %lt3A_113 : i1 to i32
      %cond3A_115 = arith.constant 0 : i32
      %cond3A_116 = arith.cmpi ne, %convert_element_type3A_114, %cond3A_115 : i32
      scf.if %cond3A_116 {
        %dma_wait3A_162 = arith.constant 0 : i32
        %dma_wait3A_163 = tpu.memref_slice %arg3[%dma_wait3A_162] : memref<320000xi32, #tpu.memory_space<hbm>> -> memref<128xi32, #tpu.memory_space<hbm>>
        %dma_wait3A_164 = arith.constant 0 : i32
        %dma_wait3A_165 = tpu.memref_slice %arg3[%dma_wait3A_164] : memref<320000xi32, #tpu.memory_space<hbm>> -> memref<128xi32, #tpu.memory_space<hbm>>
        tpu.wait_dma2 semaphore(%arg16 : memref<!tpu.dma_semaphore, #tpu.memory_space<semaphore_mem>>) src(%dma_wait3A_165 : memref<128xi32, #tpu.memory_space<hbm>>) dst(%arg8 : memref<128xi32, #tpu.memory_space<vmem>>)
        %ge3A = arith.constant 1 : i32
        %ge3A_166 = arith.cmpi sge, %add3A_109, %ge3A : i32
        %convert_element_type3A_167 = arith.extui %ge3A_166 : i1 to i32
        %cond3A_168 = arith.constant 0 : i32
        %cond3A_169 = arith.cmpi ne, %convert_element_type3A_167, %cond3A_168 : i32
        scf.if %cond3A_169 {
          %dma_wait3A_173 = arith.constant 0 : i32
          %dma_wait3A_174 = arith.constant 0 : i32
          %dma_wait3A_175 = tpu.memref_slice %arg7[%dma_wait3A_173, %dma_wait3A_174] : memref<10000x128xf32, #tpu.memory_space<vmem_shared>> -> memref<10000x128xf32, #tpu.memory_space<vmem_shared>>
          tpu.wait_indirect_dma semaphore(%arg24 : memref<!tpu.dma_semaphore, #tpu.memory_space<semaphore_mem>>) src(%arg14 : memref<128x128xf32, #tpu.memory_space<vmem>>) dst(%dma_wait3A_175 : memref<10000x128xf32, #tpu.memory_space<vmem_shared>>)
        } else {
        }
        %dma_start3A_170 = arith.constant 0 : i32
        %dma_start3A_171 = arith.constant 0 : i32
        %dma_start3A_172 = tpu.memref_slice %arg2[%dma_start3A_170, %dma_start3A_171] : memref<10000x128xf32, #tpu.memory_space<hbm>> -> memref<10000x128xf32, #tpu.memory_space<hbm>>
        tpu.enqueue_indirect_dma source(%dma_start3A_172 : memref<10000x128xf32, #tpu.memory_space<hbm>>) target(%arg14 : memref<128x128xf32, #tpu.memory_space<vmem>>) offsets(%arg8 : memref<128xi32, #tpu.memory_space<vmem>>) semaphore(%arg22 : memref<!tpu.dma_semaphore, #tpu.memory_space<semaphore_mem>>)
      } else {
      }
      %dma_wait3A_117 = arith.constant 0 : i32
      %dma_wait3A_118 = arith.constant 0 : i32
      %dma_wait3A_119 = tpu.memref_slice %arg2[%dma_wait3A_117, %dma_wait3A_118] : memref<10000x128xf32, #tpu.memory_space<hbm>> -> memref<10000x128xf32, #tpu.memory_space<hbm>>
      tpu.wait_indirect_dma semaphore(%arg23 : memref<!tpu.dma_semaphore, #tpu.memory_space<semaphore_mem>>) src(%dma_wait3A_119 : memref<10000x128xf32, #tpu.memory_space<hbm>>) dst(%arg15 : memref<128x128xf32, #tpu.memory_space<vmem>>)
      %jit3A_120 = arith.constant 2 : i32
      %eq3A_121 = arith.constant 0 : i32
      %eq3A_122 = arith.cmpi eq, %jit3A_120, %eq3A_121 : i32
      %jit3A_123 = arith.constant 1 : i32
      %select_n3A_124 = arith.select %eq3A_122, %jit3A_123, %jit3A_120 : i32
      %rem3A_125 = arith.remsi %scan3A_54, %select_n3A_124 : i32
      %ne3A_126 = arith.constant 0 : i32
      %ne3A_127 = arith.cmpi ne, %rem3A_125, %ne3A_126 : i32
      %lt3A_128 = arith.constant 0 : i32
      %lt3A_129 = arith.cmpi slt, %rem3A_125, %lt3A_128 : i32
      %lt3A_130 = arith.constant 0 : i32
      %lt3A_131 = arith.cmpi slt, %select_n3A_124, %lt3A_130 : i32
      %ne3A_132 = arith.xori %lt3A_129, %lt3A_131 : i1
      %and3A_133 = arith.andi %ne3A_132, %ne3A_127 : i1
      %add3A_134 = arith.addi %rem3A_125, %select_n3A_124 : i32
      %select_n3A_135 = arith.select %and3A_133, %add3A_134, %rem3A_125 : i32
      %eq3A_136 = arith.constant 0 : i32
      %eq3A_137 = arith.cmpi eq, %select_n3A_135, %eq3A_136 : i32
      %convert_element_type3A_138 = arith.extui %eq3A_137 : i1 to i32
      %cond3A_139 = arith.constant 0 : i32
      %cond3A_140 = arith.cmpi ne, %convert_element_type3A_138, %cond3A_139 : i32
      scf.if %cond3A_140 {
        %dma_wait3A_162 = arith.constant 0 : i32
        %dma_wait3A_163 = tpu.memref_slice %arg4[%dma_wait3A_162] : memref<320000xi32, #tpu.memory_space<hbm>> -> memref<128xi32, #tpu.memory_space<hbm>>
        %dma_wait3A_164 = arith.constant 0 : i32
        %dma_wait3A_165 = tpu.memref_slice %arg4[%dma_wait3A_164] : memref<320000xi32, #tpu.memory_space<hbm>> -> memref<128xi32, #tpu.memory_space<hbm>>
        tpu.wait_dma2 semaphore(%arg19 : memref<!tpu.dma_semaphore, #tpu.memory_space<semaphore_mem>>) src(%dma_wait3A_165 : memref<128xi32, #tpu.memory_space<hbm>>) dst(%arg11 : memref<128xi32, #tpu.memory_space<vmem>>)
        %dma_start3A_166 = arith.constant 0 : i32
        %dma_start3A_167 = arith.constant 0 : i32
        %dma_start3A_168 = tpu.memref_slice %arg7[%dma_start3A_166, %dma_start3A_167] : memref<10000x128xf32, #tpu.memory_space<vmem_shared>> -> memref<10000x128xf32, #tpu.memory_space<vmem_shared>>
        tpu.enqueue_indirect_dma source(%arg15 : memref<128x128xf32, #tpu.memory_space<vmem>>) target(%dma_start3A_168 : memref<10000x128xf32, #tpu.memory_space<vmem_shared>>) offsets(%arg11 : memref<128xi32, #tpu.memory_space<vmem>>) semaphore(%arg25 : memref<!tpu.dma_semaphore, #tpu.memory_space<semaphore_mem>>) {add = true}
        %add3A_169 = arith.constant 2 : i32
        %add3A_170 = arith.addi %add3A_109, %add3A_169 : i32
        %lt3A_171 = arith.constant 78 : i32
        %lt3A_172 = arith.cmpi slt, %add3A_170, %lt3A_171 : i32
        %convert_element_type3A_173 = arith.extui %lt3A_172 : i1 to i32
        %cond3A_174 = arith.constant 0 : i32
        %cond3A_175 = arith.cmpi ne, %convert_element_type3A_173, %cond3A_174 : i32
        scf.if %cond3A_175 {
          %add3A_176 = arith.constant 2 : i32
          %add3A_177 = arith.addi %add3A_109, %add3A_176 : i32
          %mul3A_178 = arith.constant 128 : i32
          %mul3A_179 = arith.muli %add3A_177, %mul3A_178 : i32
          %add3A_180 = arith.addi %mul3A_8, %mul3A_179 : i32
          %dma_start3A_181 = tpu.memref_slice %arg3[%add3A_180] : memref<320000xi32, #tpu.memory_space<hbm>> -> memref<128xi32, #tpu.memory_space<hbm>>
          %dma_start3A_182 = tpu.memref_slice %arg3[%add3A_180] : memref<320000xi32, #tpu.memory_space<hbm>> -> memref<128xi32, #tpu.memory_space<hbm>>
          tpu.enqueue_dma source(%dma_start3A_182 : memref<128xi32, #tpu.memory_space<hbm>>) target(%arg9 : memref<128xi32, #tpu.memory_space<vmem>>) target_semaphore(%arg17 : memref<!tpu.dma_semaphore, #tpu.memory_space<semaphore_mem>>)
          %dma_start3A_183 = tpu.memref_slice %arg4[%add3A_180] : memref<320000xi32, #tpu.memory_space<hbm>> -> memref<128xi32, #tpu.memory_space<hbm>>
          %dma_start3A_184 = tpu.memref_slice %arg4[%add3A_180] : memref<320000xi32, #tpu.memory_space<hbm>> -> memref<128xi32, #tpu.memory_space<hbm>>
          tpu.enqueue_dma source(%dma_start3A_184 : memref<128xi32, #tpu.memory_space<hbm>>) target(%arg13 : memref<128xi32, #tpu.memory_space<vmem>>) target_semaphore(%arg21 : memref<!tpu.dma_semaphore, #tpu.memory_space<semaphore_mem>>)
        } else {
        }
      } else {
      }
      %jit3A_141 = arith.constant 2 : i32
      %eq3A_142 = arith.constant 0 : i32
      %eq3A_143 = arith.cmpi eq, %jit3A_141, %eq3A_142 : i32
      %jit3A_144 = arith.constant 1 : i32
      %select_n3A_145 = arith.select %eq3A_143, %jit3A_144, %jit3A_141 : i32
      %rem3A_146 = arith.remsi %scan3A_54, %select_n3A_145 : i32
      %ne3A_147 = arith.constant 0 : i32
      %ne3A_148 = arith.cmpi ne, %rem3A_146, %ne3A_147 : i32
      %lt3A_149 = arith.constant 0 : i32
      %lt3A_150 = arith.cmpi slt, %rem3A_146, %lt3A_149 : i32
      %lt3A_151 = arith.constant 0 : i32
      %lt3A_152 = arith.cmpi slt, %select_n3A_145, %lt3A_151 : i32
      %ne3A_153 = arith.xori %lt3A_150, %lt3A_152 : i1
      %and3A_154 = arith.andi %ne3A_153, %ne3A_148 : i1
      %add3A_155 = arith.addi %rem3A_146, %select_n3A_145 : i32
      %select_n3A_156 = arith.select %and3A_154, %add3A_155, %rem3A_146 : i32
      %eq3A_157 = arith.constant 1 : i32
      %eq3A_158 = arith.cmpi eq, %select_n3A_156, %eq3A_157 : i32
      %convert_element_type3A_159 = arith.extui %eq3A_158 : i1 to i32
      %cond3A_160 = arith.constant 0 : i32
      %cond3A_161 = arith.cmpi ne, %convert_element_type3A_159, %cond3A_160 : i32
      scf.if %cond3A_161 {
        %dma_wait3A_162 = arith.constant 0 : i32
        %dma_wait3A_163 = tpu.memref_slice %arg4[%dma_wait3A_162] : memref<320000xi32, #tpu.memory_space<hbm>> -> memref<128xi32, #tpu.memory_space<hbm>>
        %dma_wait3A_164 = arith.constant 0 : i32
        %dma_wait3A_165 = tpu.memref_slice %arg4[%dma_wait3A_164] : memref<320000xi32, #tpu.memory_space<hbm>> -> memref<128xi32, #tpu.memory_space<hbm>>
        tpu.wait_dma2 semaphore(%arg21 : memref<!tpu.dma_semaphore, #tpu.memory_space<semaphore_mem>>) src(%dma_wait3A_165 : memref<128xi32, #tpu.memory_space<hbm>>) dst(%arg13 : memref<128xi32, #tpu.memory_space<vmem>>)
        %dma_start3A_166 = arith.constant 0 : i32
        %dma_start3A_167 = arith.constant 0 : i32
        %dma_start3A_168 = tpu.memref_slice %arg7[%dma_start3A_166, %dma_start3A_167] : memref<10000x128xf32, #tpu.memory_space<vmem_shared>> -> memref<10000x128xf32, #tpu.memory_space<vmem_shared>>
        tpu.enqueue_indirect_dma source(%arg15 : memref<128x128xf32, #tpu.memory_space<vmem>>) target(%dma_start3A_168 : memref<10000x128xf32, #tpu.memory_space<vmem_shared>>) offsets(%arg13 : memref<128xi32, #tpu.memory_space<vmem>>) semaphore(%arg25 : memref<!tpu.dma_semaphore, #tpu.memory_space<semaphore_mem>>) {add = true}
        %add3A_169 = arith.constant 2 : i32
        %add3A_170 = arith.addi %add3A_109, %add3A_169 : i32
        %lt3A_171 = arith.constant 78 : i32
        %lt3A_172 = arith.cmpi slt, %add3A_170, %lt3A_171 : i32
        %convert_element_type3A_173 = arith.extui %lt3A_172 : i1 to i32
        %cond3A_174 = arith.constant 0 : i32
        %cond3A_175 = arith.cmpi ne, %convert_element_type3A_173, %cond3A_174 : i32
        scf.if %cond3A_175 {
          %add3A_176 = arith.constant 2 : i32
          %add3A_177 = arith.addi %add3A_109, %add3A_176 : i32
          %mul3A_178 = arith.constant 128 : i32
          %mul3A_179 = arith.muli %add3A_177, %mul3A_178 : i32
          %add3A_180 = arith.addi %mul3A_8, %mul3A_179 : i32
          %dma_start3A_181 = tpu.memref_slice %arg3[%add3A_180] : memref<320000xi32, #tpu.memory_space<hbm>> -> memref<128xi32, #tpu.memory_space<hbm>>
          %dma_start3A_182 = tpu.memref_slice %arg3[%add3A_180] : memref<320000xi32, #tpu.memory_space<hbm>> -> memref<128xi32, #tpu.memory_space<hbm>>
          tpu.enqueue_dma source(%dma_start3A_182 : memref<128xi32, #tpu.memory_space<hbm>>) target(%arg9 : memref<128xi32, #tpu.memory_space<vmem>>) target_semaphore(%arg17 : memref<!tpu.dma_semaphore, #tpu.memory_space<semaphore_mem>>)
          %dma_start3A_183 = tpu.memref_slice %arg4[%add3A_180] : memref<320000xi32, #tpu.memory_space<hbm>> -> memref<128xi32, #tpu.memory_space<hbm>>
          %dma_start3A_184 = tpu.memref_slice %arg4[%add3A_180] : memref<320000xi32, #tpu.memory_space<hbm>> -> memref<128xi32, #tpu.memory_space<hbm>>
          tpu.enqueue_dma source(%dma_start3A_184 : memref<128xi32, #tpu.memory_space<hbm>>) target(%arg11 : memref<128xi32, #tpu.memory_space<vmem>>) target_semaphore(%arg19 : memref<!tpu.dma_semaphore, #tpu.memory_space<semaphore_mem>>)
        } else {
        }
      } else {
      }
    }
    %scan3A_30 = arith.constant 39 : i32
    %dma_wait3A_31 = arith.constant 0 : i32
    %dma_wait3A_32 = arith.constant 0 : i32
    %dma_wait3A_33 = tpu.memref_slice %arg7[%dma_wait3A_31, %dma_wait3A_32] : memref<10000x128xf32, #tpu.memory_space<vmem_shared>> -> memref<10000x128xf32, #tpu.memory_space<vmem_shared>>
    tpu.wait_indirect_dma semaphore(%arg24 : memref<!tpu.dma_semaphore, #tpu.memory_space<semaphore_mem>>) src(%arg14 : memref<128x128xf32, #tpu.memory_space<vmem>>) dst(%dma_wait3A_33 : memref<10000x128xf32, #tpu.memory_space<vmem_shared>>)
    %dma_wait3A_34 = arith.constant 0 : i32
    %dma_wait3A_35 = arith.constant 0 : i32
    %dma_wait3A_36 = tpu.memref_slice %arg7[%dma_wait3A_34, %dma_wait3A_35] : memref<10000x128xf32, #tpu.memory_space<vmem_shared>> -> memref<10000x128xf32, #tpu.memory_space<vmem_shared>>
    tpu.wait_indirect_dma semaphore(%arg25 : memref<!tpu.dma_semaphore, #tpu.memory_space<semaphore_mem>>) src(%arg15 : memref<128x128xf32, #tpu.memory_space<vmem>>) dst(%dma_wait3A_36 : memref<10000x128xf32, #tpu.memory_space<vmem_shared>>)
    %lt3A = arith.constant 4 : i32
    %lt3A_37 = arith.cmpi slt, %add3A, %lt3A : i32
    %convert_element_type3A_38 = arith.extui %lt3A_37 : i1 to i32
    %cond3A_39 = arith.constant 0 : i32
    %cond3A_40 = arith.cmpi ne, %convert_element_type3A_38, %cond3A_39 : i32
    scf.if %cond3A_40 {
      %mul3A_54 = arith.constant 128 : i32
      %mul3A_55 = arith.muli %add3A, %mul3A_54 : i32
      %add3A_56 = arith.constant 319488 : i32
      %add3A_57 = arith.addi %add3A_56, %mul3A_55 : i32
      "tpu.region"() ({
        %run_scoped3A = tpu.sem_alloc : memref<!tpu.dma_semaphore, #tpu.memory_space<semaphore_mem>>
        %dma_start3A_64 = tpu.memref_slice %arg3[%add3A_57] : memref<320000xi32, #tpu.memory_space<hbm>> -> memref<128xi32, #tpu.memory_space<hbm>>
        %dma_start3A_65 = tpu.memref_slice %arg3[%add3A_57] : memref<320000xi32, #tpu.memory_space<hbm>> -> memref<128xi32, #tpu.memory_space<hbm>>
        tpu.enqueue_dma source(%dma_start3A_65 : memref<128xi32, #tpu.memory_space<hbm>>) target(%arg8 : memref<128xi32, #tpu.memory_space<vmem>>) target_semaphore(%run_scoped3A : memref<!tpu.dma_semaphore, #tpu.memory_space<semaphore_mem>>)
        %dma_wait3A_66 = tpu.memref_slice %arg3[%add3A_57] : memref<320000xi32, #tpu.memory_space<hbm>> -> memref<128xi32, #tpu.memory_space<hbm>>
        %dma_wait3A_67 = tpu.memref_slice %arg3[%add3A_57] : memref<320000xi32, #tpu.memory_space<hbm>> -> memref<128xi32, #tpu.memory_space<hbm>>
        tpu.wait_dma2 semaphore(%run_scoped3A : memref<!tpu.dma_semaphore, #tpu.memory_space<semaphore_mem>>) src(%dma_wait3A_67 : memref<128xi32, #tpu.memory_space<hbm>>) dst(%arg8 : memref<128xi32, #tpu.memory_space<vmem>>)
        tpu.yield
      }) : () -> ()
      %dma_start3A_58 = arith.constant 0 : i32
      %dma_start3A_59 = arith.constant 0 : i32
      %dma_start3A_60 = tpu.memref_slice %arg2[%dma_start3A_58, %dma_start3A_59] : memref<10000x128xf32, #tpu.memory_space<hbm>> -> memref<10000x128xf32, #tpu.memory_space<hbm>>
      tpu.enqueue_indirect_dma source(%dma_start3A_60 : memref<10000x128xf32, #tpu.memory_space<hbm>>) target(%arg14 : memref<128x128xf32, #tpu.memory_space<vmem>>) offsets(%arg8 : memref<128xi32, #tpu.memory_space<vmem>>) semaphore(%arg22 : memref<!tpu.dma_semaphore, #tpu.memory_space<semaphore_mem>>)
      %dma_wait3A_61 = arith.constant 0 : i32
      %dma_wait3A_62 = arith.constant 0 : i32
      %dma_wait3A_63 = tpu.memref_slice %arg2[%dma_wait3A_61, %dma_wait3A_62] : memref<10000x128xf32, #tpu.memory_space<hbm>> -> memref<10000x128xf32, #tpu.memory_space<hbm>>
      tpu.wait_indirect_dma semaphore(%arg22 : memref<!tpu.dma_semaphore, #tpu.memory_space<semaphore_mem>>) src(%dma_wait3A_63 : memref<10000x128xf32, #tpu.memory_space<hbm>>) dst(%arg14 : memref<128x128xf32, #tpu.memory_space<vmem>>)
      "tpu.region"() ({
        %run_scoped3A = tpu.sem_alloc : memref<!tpu.dma_semaphore, #tpu.memory_space<semaphore_mem>>
        %dma_start3A_64 = tpu.memref_slice %arg4[%add3A_57] : memref<320000xi32, #tpu.memory_space<hbm>> -> memref<128xi32, #tpu.memory_space<hbm>>
        %dma_start3A_65 = tpu.memref_slice %arg4[%add3A_57] : memref<320000xi32, #tpu.memory_space<hbm>> -> memref<128xi32, #tpu.memory_space<hbm>>
        tpu.enqueue_dma source(%dma_start3A_65 : memref<128xi32, #tpu.memory_space<hbm>>) target(%arg10 : memref<128xi32, #tpu.memory_space<vmem>>) target_semaphore(%run_scoped3A : memref<!tpu.dma_semaphore, #tpu.memory_space<semaphore_mem>>)
        %dma_wait3A_66 = tpu.memref_slice %arg4[%add3A_57] : memref<320000xi32, #tpu.memory_space<hbm>> -> memref<128xi32, #tpu.memory_space<hbm>>
        %dma_wait3A_67 = tpu.memref_slice %arg4[%add3A_57] : memref<320000xi32, #tpu.memory_space<hbm>> -> memref<128xi32, #tpu.memory_space<hbm>>
        tpu.wait_dma2 semaphore(%run_scoped3A : memref<!tpu.dma_semaphore, #tpu.memory_space<semaphore_mem>>) src(%dma_wait3A_67 : memref<128xi32, #tpu.memory_space<hbm>>) dst(%arg10 : memref<128xi32, #tpu.memory_space<vmem>>)
        tpu.yield
      }) : () -> ()
      "tpu.region"() ({
        %run_scoped3A = tpu.sem_alloc : memref<!tpu.dma_semaphore, #tpu.memory_space<semaphore_mem>>
        %dma_start3A_64 = arith.constant 0 : i32
        %dma_start3A_65 = arith.constant 0 : i32
        %dma_start3A_66 = tpu.memref_slice %arg7[%dma_start3A_64, %dma_start3A_65] : memref<10000x128xf32, #tpu.memory_space<vmem_shared>> -> memref<10000x128xf32, #tpu.memory_space<vmem_shared>>
        tpu.enqueue_indirect_dma source(%arg14 : memref<128x128xf32, #tpu.memory_space<vmem>>) target(%dma_start3A_66 : memref<10000x128xf32, #tpu.memory_space<vmem_shared>>) offsets(%arg10 : memref<128xi32, #tpu.memory_space<vmem>>) semaphore(%run_scoped3A : memref<!tpu.dma_semaphore, #tpu.memory_space<semaphore_mem>>) {add = true}
        %dma_wait3A_67 = arith.constant 0 : i32
        %dma_wait3A_68 = arith.constant 0 : i32
        %dma_wait3A_69 = tpu.memref_slice %arg7[%dma_wait3A_67, %dma_wait3A_68] : memref<10000x128xf32, #tpu.memory_space<vmem_shared>> -> memref<10000x128xf32, #tpu.memory_space<vmem_shared>>
        tpu.wait_indirect_dma semaphore(%run_scoped3A : memref<!tpu.dma_semaphore, #tpu.memory_space<semaphore_mem>>) src(%arg14 : memref<128x128xf32, #tpu.memory_space<vmem>>) dst(%dma_wait3A_69 : memref<10000x128xf32, #tpu.memory_space<vmem_shared>>)
        tpu.yield
      }) : () -> ()
    } else {
    }
    %barrier3A_41 = arith.constant 0 : index
    tpu.barrier barrier_id(%barrier3A_41)
    %mul3A_42 = arith.constant 624 : i32
    %mul3A_43 = arith.muli %arg1, %mul3A_42 : i32
    %mul3A_44 = arith.constant 10000 : i32
    %mul3A_45 = arith.muli %arg0, %mul3A_44 : i32
    %mul3A_46 = arith.constant 624 : i32
    %mul3A_47 = arith.muli %arg1, %mul3A_46 : i32
    %add3A_48 = arith.addi %mul3A_45, %mul3A_47 : i32
    "tpu.region"() ({
      %run_scoped3A = tpu.sem_alloc : memref<!tpu.dma_semaphore, #tpu.memory_space<semaphore_mem>>
      %dma_start3A_54 = arith.constant 0 : i32
      %dma_start3A_55 = tpu.memref_slice %arg6[%add3A_48, %dma_start3A_54] : memref<20000x128xf32, #tpu.memory_space<hbm>> -> memref<624x128xf32, #tpu.memory_space<hbm>>
      %dma_start3A_56 = arith.constant 0 : i32
      %dma_start3A_57 = tpu.memref_slice %arg7[%mul3A_43, %dma_start3A_56] : memref<10000x128xf32, #tpu.memory_space<vmem_shared>> -> memref<624x128xf32, #tpu.memory_space<vmem_shared>>
      tpu.enqueue_dma source(%dma_start3A_57 : memref<624x128xf32, #tpu.memory_space<vmem_shared>>) target(%dma_start3A_55 : memref<624x128xf32, #tpu.memory_space<hbm>>) target_semaphore(%run_scoped3A : memref<!tpu.dma_semaphore, #tpu.memory_space<semaphore_mem>>)
      %dma_wait3A_58 = arith.constant 0 : i32
      %dma_wait3A_59 = tpu.memref_slice %arg6[%add3A_48, %dma_wait3A_58] : memref<20000x128xf32, #tpu.memory_space<hbm>> -> memref<624x128xf32, #tpu.memory_space<hbm>>
      %dma_wait3A_60 = arith.constant 0 : i32
      %dma_wait3A_61 = tpu.memref_slice %arg7[%mul3A_43, %dma_wait3A_60] : memref<10000x128xf32, #tpu.memory_space<vmem_shared>> -> memref<624x128xf32, #tpu.memory_space<vmem_shared>>
      tpu.wait_dma2 semaphore(%run_scoped3A : memref<!tpu.dma_semaphore, #tpu.memory_space<semaphore_mem>>) src(%dma_wait3A_61 : memref<624x128xf32, #tpu.memory_space<vmem_shared>>) dst(%dma_wait3A_59 : memref<624x128xf32, #tpu.memory_space<hbm>>)
      tpu.yield
    }) : () -> ()
    %eq3A_49 = arith.constant 0 : i32
    %eq3A_50 = arith.cmpi eq, %arg1, %eq3A_49 : i32
    %convert_element_type3A_51 = arith.extui %eq3A_50 : i1 to i32
    %cond3A_52 = arith.constant 0 : i32
    %cond3A_53 = arith.cmpi ne, %convert_element_type3A_51, %cond3A_52 : i32
    scf.if %cond3A_53 {
      %mul3A_54 = arith.constant 10000 : i32
      %mul3A_55 = arith.muli %arg0, %mul3A_54 : i32
      %add3A_56 = arith.constant 9984 : i32
      %add3A_57 = arith.addi %mul3A_55, %add3A_56 : i32
      "tpu.region"() ({
        %run_scoped3A = tpu.sem_alloc : memref<!tpu.dma_semaphore, #tpu.memory_space<semaphore_mem>>
        %dma_start3A_58 = arith.constant 0 : i32
        %dma_start3A_59 = tpu.memref_slice %arg6[%add3A_57, %dma_start3A_58] : memref<20000x128xf32, #tpu.memory_space<hbm>> -> memref<16x128xf32, #tpu.memory_space<hbm>>
        %dma_start3A_60 = arith.constant 9984 : i32
        %dma_start3A_61 = arith.constant 0 : i32
        %dma_start3A_62 = tpu.memref_slice %arg7[%dma_start3A_60, %dma_start3A_61] : memref<10000x128xf32, #tpu.memory_space<vmem_shared>> -> memref<16x128xf32, #tpu.memory_space<vmem_shared>>
        tpu.enqueue_dma source(%dma_start3A_62 : memref<16x128xf32, #tpu.memory_space<vmem_shared>>) target(%dma_start3A_59 : memref<16x128xf32, #tpu.memory_space<hbm>>) target_semaphore(%run_scoped3A : memref<!tpu.dma_semaphore, #tpu.memory_space<semaphore_mem>>)
        %dma_wait3A_63 = arith.constant 0 : i32
        %dma_wait3A_64 = tpu.memref_slice %arg6[%add3A_57, %dma_wait3A_63] : memref<20000x128xf32, #tpu.memory_space<hbm>> -> memref<16x128xf32, #tpu.memory_space<hbm>>
        %dma_wait3A_65 = arith.constant 9984 : i32
        %dma_wait3A_66 = arith.constant 0 : i32
        %dma_wait3A_67 = tpu.memref_slice %arg7[%dma_wait3A_65, %dma_wait3A_66] : memref<10000x128xf32, #tpu.memory_space<vmem_shared>> -> memref<16x128xf32, #tpu.memory_space<vmem_shared>>
        tpu.wait_dma2 semaphore(%run_scoped3A : memref<!tpu.dma_semaphore, #tpu.memory_space<semaphore_mem>>) src(%dma_wait3A_67 : memref<16x128xf32, #tpu.memory_space<vmem_shared>>) dst(%dma_wait3A_64 : memref<16x128xf32, #tpu.memory_space<hbm>>)
        tpu.yield
      }) : () -> ()
    } else {
    }
    return
  }
}

module attributes {stable_mosaic.version = 14 : i64} {
  func.func @_embed_self_body(%arg0: i32, %arg1: memref<1000x128xf32, #tpu.memory_space<vmem>>, %arg2: memref<128x128xf32, #tpu.memory_space<vmem>>, %arg3: memref<1x128xf32, #tpu.memory_space<vmem>>, %arg4: memref<128x128xf32, #tpu.memory_space<vmem>>, %arg5: memref<1x128xf32, #tpu.memory_space<vmem>>, %arg6: memref<1000x128xf32, #tpu.memory_space<vmem>>, %arg7: memref<1000x128xf32, #tpu.memory_space<vmem>>) attributes {dimension_semantics = [#tpu.dimension_semantics<arbitrary>], iteration_bounds = array<i64: 10>, scalar_prefetch = 0 : i64, scratch_operands = 0 : i64, tpu.core_type = #tpu.core_type<tc>, window_params = [{transform_indices = @transform_0, window_bounds = array<i64: 1000, 128>}, {pipeline_mode = #tpu.pipeline_mode<synchronous>, transform_indices = @transform_1, window_bounds = array<i64: 128, 128>}, {pipeline_mode = #tpu.pipeline_mode<synchronous>, transform_indices = @transform_2, window_bounds = array<i64: 1, 128>}, {pipeline_mode = #tpu.pipeline_mode<synchronous>, transform_indices = @transform_3, window_bounds = array<i64: 128, 128>}, {pipeline_mode = #tpu.pipeline_mode<synchronous>, transform_indices = @transform_4, window_bounds = array<i64: 1, 128>}, {transform_indices = @transform_5, window_bounds = array<i64: 1000, 128>}, {transform_indices = @transform_6, window_bounds = array<i64: 1000, 128>}]} {
    %get3A = arith.constant 0 : index
    %get3A_0 = arith.constant 0 : index
    %get3A_1 = vector.load %arg1[%get3A, %get3A_0] : memref<1000x128xf32, #tpu.memory_space<vmem>>, vector<1000x128xf32>
    %get3A_2 = arith.constant 0 : index
    %get3A_3 = arith.constant 0 : index
    %get3A_4 = vector.load %arg2[%get3A_2, %get3A_3] : memref<128x128xf32, #tpu.memory_space<vmem>>, vector<128x128xf32>
    %dot_general3A = arith.constant dense<0.000000e+00> : vector<1000x128xf32>
    %dot_general3A_5 = tpu.matmul %get3A_1, %get3A_4, %dot_general3A {dimension_numbers = #tpu.dot_dimension_numbers<[1], [0], [0], [1], [0, 0, 1, 1], [], []>, transpose_lhs_hint = false} : vector<1000x128xf32>, vector<128x128xf32>, vector<1000x128xf32> -> vector<1000x128xf32>
    %get3A_6 = arith.constant 0 : index
    %get3A_7 = arith.constant 0 : index
    %get3A_8 = vector.load %arg3[%get3A_6, %get3A_7] : memref<1x128xf32, #tpu.memory_space<vmem>>, vector<1x128xf32>
    %add3A = vector.broadcast %get3A_8 : vector<1x128xf32> to vector<1000x128xf32>
    %add3A_9 = arith.addf %dot_general3A_5, %add3A : vector<1000x128xf32>
    %swap3A = arith.constant 0 : index
    %swap3A_10 = arith.constant 0 : index
    %swap3A_11 = vector.load %arg6[%swap3A, %swap3A_10] : memref<1000x128xf32, #tpu.memory_space<vmem>>, vector<1000x128xf32>
    tpu.vector_store %arg6[%swap3A, %swap3A_10], %add3A_9 {strides = array<i32>} : memref<1000x128xf32, #tpu.memory_space<vmem>>, vector<1000x128xf32>,
    %get3A_12 = arith.constant 0 : index
    %get3A_13 = arith.constant 0 : index
    %get3A_14 = vector.load %arg4[%get3A_12, %get3A_13] : memref<128x128xf32, #tpu.memory_space<vmem>>, vector<128x128xf32>
    %dot_general3A_15 = arith.constant dense<0.000000e+00> : vector<1000x128xf32>
    %dot_general3A_16 = tpu.matmul %add3A_9, %get3A_14, %dot_general3A_15 {dimension_numbers = #tpu.dot_dimension_numbers<[1], [0], [0], [1], [0, 0, 1, 1], [], []>, transpose_lhs_hint = false} : vector<1000x128xf32>, vector<128x128xf32>, vector<1000x128xf32> -> vector<1000x128xf32>
    %get3A_17 = arith.constant 0 : index
    %get3A_18 = arith.constant 0 : index
    %get3A_19 = vector.load %arg5[%get3A_17, %get3A_18] : memref<1x128xf32, #tpu.memory_space<vmem>>, vector<1x128xf32>
    %add3A_20 = vector.broadcast %get3A_19 : vector<1x128xf32> to vector<1000x128xf32>
    %add3A_21 = arith.addf %dot_general3A_16, %add3A_20 : vector<1000x128xf32>
    %swap3A_22 = arith.constant 0 : index
    %swap3A_23 = arith.constant 0 : index
    %swap3A_24 = vector.load %arg7[%swap3A_22, %swap3A_23] : memref<1000x128xf32, #tpu.memory_space<vmem>>, vector<1000x128xf32>
    tpu.vector_store %arg7[%swap3A_22, %swap3A_23], %add3A_21 {strides = array<i32>} : memref<1000x128xf32, #tpu.memory_space<vmem>>, vector<1000x128xf32>,
    return
  }
  func.func @transform_0(%arg0: i32) -> (i32, i32) {
    %add3A = arith.constant 0 : i32
    %add3A_0 = arith.addi %arg0, %add3A : i32
    %c0_i32 = arith.constant 0 : i32
    %c0_i32_1 = arith.constant 0 : i32
    return %add3A_0, %c0_i32 : i32, i32
  }
  func.func @transform_1(%arg0: i32) -> (i32, i32) {
    %c0_i32 = arith.constant 0 : i32
    %c0_i32_0 = arith.constant 0 : i32
    %c0_i32_1 = arith.constant 0 : i32
    return %c0_i32, %c0_i32_0 : i32, i32
  }
  func.func @transform_2(%arg0: i32) -> (i32, i32) {
    %c0_i32 = arith.constant 0 : i32
    %c0_i32_0 = arith.constant 0 : i32
    %c0_i32_1 = arith.constant 0 : i32
    return %c0_i32, %c0_i32_0 : i32, i32
  }
  func.func @transform_3(%arg0: i32) -> (i32, i32) {
    %c0_i32 = arith.constant 0 : i32
    %c0_i32_0 = arith.constant 0 : i32
    %c0_i32_1 = arith.constant 0 : i32
    return %c0_i32, %c0_i32_0 : i32, i32
  }
  func.func @transform_4(%arg0: i32) -> (i32, i32) {
    %c0_i32 = arith.constant 0 : i32
    %c0_i32_0 = arith.constant 0 : i32
    %c0_i32_1 = arith.constant 0 : i32
    return %c0_i32, %c0_i32_0 : i32, i32
  }
  func.func @transform_5(%arg0: i32) -> (i32, i32) {
    %add3A = arith.constant 0 : i32
    %add3A_0 = arith.addi %arg0, %add3A : i32
    %c0_i32 = arith.constant 0 : i32
    %c0_i32_1 = arith.constant 0 : i32
    return %add3A_0, %c0_i32 : i32, i32
  }
  func.func @transform_6(%arg0: i32) -> (i32, i32) {
    %add3A = arith.constant 0 : i32
    %add3A_0 = arith.addi %arg0, %add3A : i32
    %c0_i32 = arith.constant 0 : i32
    %c0_i32_1 = arith.constant 0 : i32
    return %add3A_0, %c0_i32 : i32, i32
  }
}

module attributes {stable_mosaic.version = 14 : i64} {
  func.func @_combine_body(%arg0: i32, %arg1: memref<1000x128xf32, #tpu.memory_space<vmem>>, %arg2: memref<1000x128xf32, #tpu.memory_space<vmem>>, %arg3: memref<1000x128xf32, #tpu.memory_space<vmem>>, %arg4: memref<1000x128xf32, #tpu.memory_space<vmem>>, %arg5: memref<1000x1xf32, #tpu.memory_space<vmem>>, %arg6: memref<1000x1xf32, #tpu.memory_space<vmem>>, %arg7: memref<128x128xf32, #tpu.memory_space<vmem>>, %arg8: memref<1x128xf32, #tpu.memory_space<vmem>>, %arg9: memref<128x128xf32, #tpu.memory_space<vmem>>, %arg10: memref<1000x128xf32, #tpu.memory_space<vmem>>, %arg11: memref<1000x1xf32, #tpu.memory_space<vmem>>) attributes {dimension_semantics = [#tpu.dimension_semantics<arbitrary>], iteration_bounds = array<i64: 10>, scalar_prefetch = 0 : i64, scratch_operands = 0 : i64, tpu.core_type = #tpu.core_type<tc>, window_params = [{transform_indices = @transform_0, window_bounds = array<i64: 1000, 128>}, {transform_indices = @transform_1, window_bounds = array<i64: 1000, 128>}, {transform_indices = @transform_2, window_bounds = array<i64: 1000, 128>}, {transform_indices = @transform_3, window_bounds = array<i64: 1000, 128>}, {transform_indices = @transform_4, window_bounds = array<i64: 1000, 1>}, {transform_indices = @transform_5, window_bounds = array<i64: 1000, 1>}, {pipeline_mode = #tpu.pipeline_mode<synchronous>, transform_indices = @transform_6, window_bounds = array<i64: 128, 128>}, {pipeline_mode = #tpu.pipeline_mode<synchronous>, transform_indices = @transform_7, window_bounds = array<i64: 1, 128>}, {pipeline_mode = #tpu.pipeline_mode<synchronous>, transform_indices = @transform_8, window_bounds = array<i64: 128, 128>}, {transform_indices = @transform_9, window_bounds = array<i64: 1000, 128>}, {transform_indices = @transform_10, window_bounds = array<i64: 1000, 1>}]} {
    %get3A = arith.constant 0 : index
    %get3A_0 = arith.constant 0 : index
    %get3A_1 = vector.load %arg5[%get3A, %get3A_0] : memref<1000x1xf32, #tpu.memory_space<vmem>>, vector<1000x1xf32>
    %get3A_2 = arith.constant 0 : index
    %get3A_3 = arith.constant 0 : index
    %get3A_4 = vector.load %arg6[%get3A_2, %get3A_3] : memref<1000x1xf32, #tpu.memory_space<vmem>>, vector<1000x1xf32>
    %add3A = arith.addf %get3A_1, %get3A_4 : vector<1000x1xf32>
    %max3A = arith.constant 1.000000e+00 : f32
    %max3A_5 = vector.broadcast %max3A : f32 to vector<1000x1xf32>
    %max3A_6 = arith.maximumf %add3A, %max3A_5 : vector<1000x1xf32>
    %div3A = arith.constant 1.000000e+00 : f32
    %div3A_7 = vector.broadcast %div3A : f32 to vector<1000x1xf32>
    %div3A_8 = arith.divf %div3A_7, %max3A_6 : vector<1000x1xf32>
    %gt3A = arith.constant 0.000000e+00 : f32
    %gt3A_9 = vector.broadcast %gt3A : f32 to vector<1000x1xf32>
    %gt3A_10 = arith.cmpf ogt, %add3A, %gt3A_9 : vector<1000x1xf32>
    %jit3A = arith.constant 1.000000e+00 : f32
    %jit3A_11 = arith.constant 0.000000e+00 : f32
    %broadcast_in_dim3A = vector.broadcast %jit3A : f32 to vector<1000x1xf32>
    %broadcast_in_dim3A_12 = vector.broadcast %jit3A_11 : f32 to vector<1000x1xf32>
    %select_n3A = arith.select %gt3A_10, %broadcast_in_dim3A, %broadcast_in_dim3A_12 : vector<1000x1xi1>, vector<1000x1xf32>
    %get3A_13 = arith.constant 0 : index
    %get3A_14 = arith.constant 0 : index
    %get3A_15 = vector.load %arg3[%get3A_13, %get3A_14] : memref<1000x128xf32, #tpu.memory_space<vmem>>, vector<1000x128xf32>
    %get3A_16 = arith.constant 0 : index
    %get3A_17 = arith.constant 0 : index
    %get3A_18 = vector.load %arg4[%get3A_16, %get3A_17] : memref<1000x128xf32, #tpu.memory_space<vmem>>, vector<1000x128xf32>
    %add3A_19 = arith.addf %get3A_15, %get3A_18 : vector<1000x128xf32>
    %mul3A = vector.broadcast %div3A_8 : vector<1000x1xf32> to vector<1000x128xf32>
    %mul3A_20 = arith.mulf %add3A_19, %mul3A : vector<1000x128xf32>
    %get3A_21 = arith.constant 0 : index
    %get3A_22 = arith.constant 0 : index
    %get3A_23 = vector.load %arg7[%get3A_21, %get3A_22] : memref<128x128xf32, #tpu.memory_space<vmem>>, vector<128x128xf32>
    %dot_general3A = arith.constant dense<0.000000e+00> : vector<1000x128xf32>
    %dot_general3A_24 = tpu.matmul %mul3A_20, %get3A_23, %dot_general3A {dimension_numbers = #tpu.dot_dimension_numbers<[1], [0], [0], [1], [0, 0, 1, 1], [], []>, transpose_lhs_hint = false} : vector<1000x128xf32>, vector<128x128xf32>, vector<1000x128xf32> -> vector<1000x128xf32>
    %get3A_25 = arith.constant 0 : index
    %get3A_26 = arith.constant 0 : index
    %get3A_27 = vector.load %arg8[%get3A_25, %get3A_26] : memref<1x128xf32, #tpu.memory_space<vmem>>, vector<1x128xf32>
    %mul3A_28 = vector.broadcast %get3A_27 : vector<1x128xf32> to vector<1000x128xf32>
    %mul3A_29 = vector.broadcast %select_n3A : vector<1000x1xf32> to vector<1000x128xf32>
    %mul3A_30 = arith.mulf %mul3A_28, %mul3A_29 : vector<1000x128xf32>
    %add3A_31 = arith.addf %dot_general3A_24, %mul3A_30 : vector<1000x128xf32>
    %get3A_32 = arith.constant 0 : index
    %get3A_33 = arith.constant 0 : index
    %get3A_34 = vector.load %arg2[%get3A_32, %get3A_33] : memref<1000x128xf32, #tpu.memory_space<vmem>>, vector<1000x128xf32>
    %get3A_35 = arith.constant 0 : index
    %get3A_36 = arith.constant 0 : index
    %get3A_37 = vector.load %arg9[%get3A_35, %get3A_36] : memref<128x128xf32, #tpu.memory_space<vmem>>, vector<128x128xf32>
    %dot_general3A_38 = arith.constant dense<0.000000e+00> : vector<1000x128xf32>
    %dot_general3A_39 = tpu.matmul %add3A_31, %get3A_37, %dot_general3A_38 {dimension_numbers = #tpu.dot_dimension_numbers<[1], [0], [0], [1], [0, 0, 1, 1], [], []>, transpose_lhs_hint = false} : vector<1000x128xf32>, vector<128x128xf32>, vector<1000x128xf32> -> vector<1000x128xf32>
    %add3A_40 = arith.addf %get3A_34, %dot_general3A_39 : vector<1000x128xf32>
    %mul3A_41 = arith.mulf %add3A_40, %add3A_40 : vector<1000x128xf32>
    %reduce_sum3A = arith.constant dense<0.000000e+00> : vector<1000xf32>
    %reduce_sum3A_42 = vector.multi_reduction <add>, %mul3A_41, %reduce_sum3A [1] : vector<1000x128xf32> to vector<1000xf32>
    %broadcast_in_dim3A_43 = vector.shape_cast %reduce_sum3A_42 : vector<1000xf32> to vector<1000x1xf32>
    %sqrt3A = math.sqrt %broadcast_in_dim3A_43 : vector<1000x1xf32>
    %max3A_44 = arith.constant 9.99999996E-13 : f32
    %max3A_45 = vector.broadcast %max3A_44 : f32 to vector<1000x1xf32>
    %max3A_46 = arith.maximumf %sqrt3A, %max3A_45 : vector<1000x1xf32>
    %get3A_47 = arith.constant 0 : index
    %get3A_48 = arith.constant 0 : index
    %get3A_49 = vector.load %arg1[%get3A_47, %get3A_48] : memref<1000x128xf32, #tpu.memory_space<vmem>>, vector<1000x128xf32>
    %div3A_50 = vector.broadcast %max3A_46 : vector<1000x1xf32> to vector<1000x128xf32>
    %div3A_51 = arith.divf %add3A_40, %div3A_50 : vector<1000x128xf32>
    %max3A_52 = arith.constant 0.000000e+00 : f32
    %max3A_53 = vector.broadcast %max3A_52 : f32 to vector<1000x128xf32>
    %max3A_54 = arith.maximumf %div3A_51, %max3A_53 : vector<1000x128xf32>
    %add3A_55 = arith.addf %get3A_49, %max3A_54 : vector<1000x128xf32>
    %swap3A = arith.constant 0 : index
    %swap3A_56 = arith.constant 0 : index
    %swap3A_57 = vector.load %arg10[%swap3A, %swap3A_56] : memref<1000x128xf32, #tpu.memory_space<vmem>>, vector<1000x128xf32>
    tpu.vector_store %arg10[%swap3A, %swap3A_56], %add3A_55 {strides = array<i32>} : memref<1000x128xf32, #tpu.memory_space<vmem>>, vector<1000x128xf32>,
    %swap3A_58 = arith.constant 0 : index
    %swap3A_59 = arith.constant 0 : index
    %swap3A_60 = vector.load %arg11[%swap3A_58, %swap3A_59] : memref<1000x1xf32, #tpu.memory_space<vmem>>, vector<1000x1xf32>
    tpu.vector_store %arg11[%swap3A_58, %swap3A_59], %div3A_8 {strides = array<i32>} : memref<1000x1xf32, #tpu.memory_space<vmem>>, vector<1000x1xf32>,
    return
  }
  func.func @transform_0(%arg0: i32) -> (i32, i32) {
    %add3A = arith.constant 0 : i32
    %add3A_0 = arith.addi %arg0, %add3A : i32
    %c0_i32 = arith.constant 0 : i32
    %c0_i32_1 = arith.constant 0 : i32
    return %add3A_0, %c0_i32 : i32, i32
  }
  func.func @transform_1(%arg0: i32) -> (i32, i32) {
    %add3A = arith.constant 0 : i32
    %add3A_0 = arith.addi %arg0, %add3A : i32
    %c0_i32 = arith.constant 0 : i32
    %c0_i32_1 = arith.constant 0 : i32
    return %add3A_0, %c0_i32 : i32, i32
  }
  func.func @transform_2(%arg0: i32) -> (i32, i32) {
    %add3A = arith.constant 0 : i32
    %add3A_0 = arith.addi %arg0, %add3A : i32
    %c0_i32 = arith.constant 0 : i32
    %c0_i32_1 = arith.constant 0 : i32
    return %add3A_0, %c0_i32 : i32, i32
  }
  func.func @transform_3(%arg0: i32) -> (i32, i32) {
    %add3A = arith.constant 10 : i32
    %add3A_0 = arith.addi %arg0, %add3A : i32
    %c0_i32 = arith.constant 0 : i32
    %c0_i32_1 = arith.constant 0 : i32
    return %add3A_0, %c0_i32 : i32, i32
  }
  func.func @transform_4(%arg0: i32) -> (i32, i32) {
    %c0_i32 = arith.constant 0 : i32
    %c0_i32_0 = arith.constant 0 : i32
    return %arg0, %c0_i32 : i32, i32
  }
  func.func @transform_5(%arg0: i32) -> (i32, i32) {
    %add3A = arith.constant 10 : i32
    %add3A_0 = arith.addi %arg0, %add3A : i32
    %c0_i32 = arith.constant 0 : i32
    %c0_i32_1 = arith.constant 0 : i32
    return %add3A_0, %c0_i32 : i32, i32
  }
  func.func @transform_6(%arg0: i32) -> (i32, i32) {
    %c0_i32 = arith.constant 0 : i32
    %c0_i32_0 = arith.constant 0 : i32
    %c0_i32_1 = arith.constant 0 : i32
    return %c0_i32, %c0_i32_0 : i32, i32
  }
  func.func @transform_7(%arg0: i32) -> (i32, i32) {
    %c0_i32 = arith.constant 0 : i32
    %c0_i32_0 = arith.constant 0 : i32
    %c0_i32_1 = arith.constant 0 : i32
    return %c0_i32, %c0_i32_0 : i32, i32
  }
  func.func @transform_8(%arg0: i32) -> (i32, i32) {
    %c0_i32 = arith.constant 0 : i32
    %c0_i32_0 = arith.constant 0 : i32
    %c0_i32_1 = arith.constant 0 : i32
    return %c0_i32, %c0_i32_0 : i32, i32
  }
  func.func @transform_9(%arg0: i32) -> (i32, i32) {
    %add3A = arith.constant 0 : i32
    %add3A_0 = arith.addi %arg0, %add3A : i32
    %c0_i32 = arith.constant 0 : i32
    %c0_i32_1 = arith.constant 0 : i32
    return %add3A_0, %c0_i32 : i32, i32
  }
  func.func @transform_10(%arg0: i32) -> (i32, i32) {
    %c0_i32 = arith.constant 0 : i32
    %c0_i32_0 = arith.constant 0 : i32
    return %arg0, %c0_i32 : i32, i32
  }
}

module attributes {stable_mosaic.version = 14 : i64} {
  func.func @_self_body(%arg0: i32, %arg1: memref<1000x128xf32, #tpu.memory_space<vmem>>, %arg2: memref<128x128xf32, #tpu.memory_space<vmem>>, %arg3: memref<1x128xf32, #tpu.memory_space<vmem>>, %arg4: memref<1000x128xf32, #tpu.memory_space<vmem>>) attributes {dimension_semantics = [#tpu.dimension_semantics<arbitrary>], iteration_bounds = array<i64: 10>, scalar_prefetch = 0 : i64, scratch_operands = 0 : i64, tpu.core_type = #tpu.core_type<tc>, window_params = [{transform_indices = @transform_0, window_bounds = array<i64: 1000, 128>}, {pipeline_mode = #tpu.pipeline_mode<synchronous>, transform_indices = @transform_1, window_bounds = array<i64: 128, 128>}, {pipeline_mode = #tpu.pipeline_mode<synchronous>, transform_indices = @transform_2, window_bounds = array<i64: 1, 128>}, {transform_indices = @transform_3, window_bounds = array<i64: 1000, 128>}]} {
    %get3A = arith.constant 0 : index
    %get3A_0 = arith.constant 0 : index
    %get3A_1 = vector.load %arg1[%get3A, %get3A_0] : memref<1000x128xf32, #tpu.memory_space<vmem>>, vector<1000x128xf32>
    %get3A_2 = arith.constant 0 : index
    %get3A_3 = arith.constant 0 : index
    %get3A_4 = vector.load %arg2[%get3A_2, %get3A_3] : memref<128x128xf32, #tpu.memory_space<vmem>>, vector<128x128xf32>
    %dot_general3A = arith.constant dense<0.000000e+00> : vector<1000x128xf32>
    %dot_general3A_5 = tpu.matmul %get3A_1, %get3A_4, %dot_general3A {dimension_numbers = #tpu.dot_dimension_numbers<[1], [0], [0], [1], [0, 0, 1, 1], [], []>, transpose_lhs_hint = false} : vector<1000x128xf32>, vector<128x128xf32>, vector<1000x128xf32> -> vector<1000x128xf32>
    %get3A_6 = arith.constant 0 : index
    %get3A_7 = arith.constant 0 : index
    %get3A_8 = vector.load %arg3[%get3A_6, %get3A_7] : memref<1x128xf32, #tpu.memory_space<vmem>>, vector<1x128xf32>
    %add3A = vector.broadcast %get3A_8 : vector<1x128xf32> to vector<1000x128xf32>
    %add3A_9 = arith.addf %dot_general3A_5, %add3A : vector<1000x128xf32>
    %swap3A = arith.constant 0 : index
    %swap3A_10 = arith.constant 0 : index
    %swap3A_11 = vector.load %arg4[%swap3A, %swap3A_10] : memref<1000x128xf32, #tpu.memory_space<vmem>>, vector<1000x128xf32>
    tpu.vector_store %arg4[%swap3A, %swap3A_10], %add3A_9 {strides = array<i32>} : memref<1000x128xf32, #tpu.memory_space<vmem>>, vector<1000x128xf32>,
    return
  }
  func.func @transform_0(%arg0: i32) -> (i32, i32) {
    %add3A = arith.constant 0 : i32
    %add3A_0 = arith.addi %arg0, %add3A : i32
    %c0_i32 = arith.constant 0 : i32
    %c0_i32_1 = arith.constant 0 : i32
    return %add3A_0, %c0_i32 : i32, i32
  }
  func.func @transform_1(%arg0: i32) -> (i32, i32) {
    %c0_i32 = arith.constant 0 : i32
    %c0_i32_0 = arith.constant 0 : i32
    %c0_i32_1 = arith.constant 0 : i32
    return %c0_i32, %c0_i32_0 : i32, i32
  }
  func.func @transform_2(%arg0: i32) -> (i32, i32) {
    %c0_i32 = arith.constant 0 : i32
    %c0_i32_0 = arith.constant 0 : i32
    %c0_i32_1 = arith.constant 0 : i32
    return %c0_i32, %c0_i32_0 : i32, i32
  }
  func.func @transform_3(%arg0: i32) -> (i32, i32) {
    %add3A = arith.constant 0 : i32
    %add3A_0 = arith.addi %arg0, %add3A : i32
    %c0_i32 = arith.constant 0 : i32
    %c0_i32_1 = arith.constant 0 : i32
    return %add3A_0, %c0_i32 : i32, i32
  }
}

module attributes {stable_mosaic.version = 14 : i64} {
  func.func @_combine_body(%arg0: i32, %arg1: memref<1000x128xf32, #tpu.memory_space<vmem>>, %arg2: memref<1000x128xf32, #tpu.memory_space<vmem>>, %arg3: memref<1000x128xf32, #tpu.memory_space<vmem>>, %arg4: memref<1000x128xf32, #tpu.memory_space<vmem>>, %arg5: memref<1000x1xf32, #tpu.memory_space<vmem>>, %arg6: memref<128x128xf32, #tpu.memory_space<vmem>>, %arg7: memref<1000x128xf32, #tpu.memory_space<vmem>>) attributes {dimension_semantics = [#tpu.dimension_semantics<arbitrary>], iteration_bounds = array<i64: 10>, scalar_prefetch = 0 : i64, scratch_operands = 0 : i64, tpu.core_type = #tpu.core_type<tc>, window_params = [{transform_indices = @transform_0, window_bounds = array<i64: 1000, 128>}, {transform_indices = @transform_1, window_bounds = array<i64: 1000, 128>}, {transform_indices = @transform_2, window_bounds = array<i64: 1000, 128>}, {transform_indices = @transform_3, window_bounds = array<i64: 1000, 128>}, {transform_indices = @transform_4, window_bounds = array<i64: 1000, 1>}, {pipeline_mode = #tpu.pipeline_mode<synchronous>, transform_indices = @transform_5, window_bounds = array<i64: 128, 128>}, {transform_indices = @transform_6, window_bounds = array<i64: 1000, 128>}]} {
    %get3A = arith.constant 0 : index
    %get3A_0 = arith.constant 0 : index
    %get3A_1 = vector.load %arg3[%get3A, %get3A_0] : memref<1000x128xf32, #tpu.memory_space<vmem>>, vector<1000x128xf32>
    %get3A_2 = arith.constant 0 : index
    %get3A_3 = arith.constant 0 : index
    %get3A_4 = vector.load %arg4[%get3A_2, %get3A_3] : memref<1000x128xf32, #tpu.memory_space<vmem>>, vector<1000x128xf32>
    %add3A = arith.addf %get3A_1, %get3A_4 : vector<1000x128xf32>
    %get3A_5 = arith.constant 0 : index
    %get3A_6 = arith.constant 0 : index
    %get3A_7 = vector.load %arg5[%get3A_5, %get3A_6] : memref<1000x1xf32, #tpu.memory_space<vmem>>, vector<1000x1xf32>
    %mul3A = vector.broadcast %get3A_7 : vector<1000x1xf32> to vector<1000x128xf32>
    %mul3A_8 = arith.mulf %add3A, %mul3A : vector<1000x128xf32>
    %get3A_9 = arith.constant 0 : index
    %get3A_10 = arith.constant 0 : index
    %get3A_11 = vector.load %arg2[%get3A_9, %get3A_10] : memref<1000x128xf32, #tpu.memory_space<vmem>>, vector<1000x128xf32>
    %get3A_12 = arith.constant 0 : index
    %get3A_13 = arith.constant 0 : index
    %get3A_14 = vector.load %arg6[%get3A_12, %get3A_13] : memref<128x128xf32, #tpu.memory_space<vmem>>, vector<128x128xf32>
    %dot_general3A = arith.constant dense<0.000000e+00> : vector<1000x128xf32>
    %dot_general3A_15 = tpu.matmul %mul3A_8, %get3A_14, %dot_general3A {dimension_numbers = #tpu.dot_dimension_numbers<[1], [0], [0], [1], [0, 0, 1, 1], [], []>, transpose_lhs_hint = false} : vector<1000x128xf32>, vector<128x128xf32>, vector<1000x128xf32> -> vector<1000x128xf32>
    %add3A_16 = arith.addf %get3A_11, %dot_general3A_15 : vector<1000x128xf32>
    %mul3A_17 = arith.mulf %add3A_16, %add3A_16 : vector<1000x128xf32>
    %reduce_sum3A = arith.constant dense<0.000000e+00> : vector<1000xf32>
    %reduce_sum3A_18 = vector.multi_reduction <add>, %mul3A_17, %reduce_sum3A [1] : vector<1000x128xf32> to vector<1000xf32>
    %broadcast_in_dim3A = vector.shape_cast %reduce_sum3A_18 : vector<1000xf32> to vector<1000x1xf32>
    %sqrt3A = math.sqrt %broadcast_in_dim3A : vector<1000x1xf32>
    %max3A = arith.constant 9.99999996E-13 : f32
    %max3A_19 = vector.broadcast %max3A : f32 to vector<1000x1xf32>
    %max3A_20 = arith.maximumf %sqrt3A, %max3A_19 : vector<1000x1xf32>
    %get3A_21 = arith.constant 0 : index
    %get3A_22 = arith.constant 0 : index
    %get3A_23 = vector.load %arg1[%get3A_21, %get3A_22] : memref<1000x128xf32, #tpu.memory_space<vmem>>, vector<1000x128xf32>
    %div3A = vector.broadcast %max3A_20 : vector<1000x1xf32> to vector<1000x128xf32>
    %div3A_24 = arith.divf %add3A_16, %div3A : vector<1000x128xf32>
    %max3A_25 = arith.constant 0.000000e+00 : f32
    %max3A_26 = vector.broadcast %max3A_25 : f32 to vector<1000x128xf32>
    %max3A_27 = arith.maximumf %div3A_24, %max3A_26 : vector<1000x128xf32>
    %add3A_28 = arith.addf %get3A_23, %max3A_27 : vector<1000x128xf32>
    %swap3A = arith.constant 0 : index
    %swap3A_29 = arith.constant 0 : index
    %swap3A_30 = vector.load %arg7[%swap3A, %swap3A_29] : memref<1000x128xf32, #tpu.memory_space<vmem>>, vector<1000x128xf32>
    tpu.vector_store %arg7[%swap3A, %swap3A_29], %add3A_28 {strides = array<i32>} : memref<1000x128xf32, #tpu.memory_space<vmem>>, vector<1000x128xf32>,
    return
  }
  func.func @transform_0(%arg0: i32) -> (i32, i32) {
    %add3A = arith.constant 0 : i32
    %add3A_0 = arith.addi %arg0, %add3A : i32
    %c0_i32 = arith.constant 0 : i32
    %c0_i32_1 = arith.constant 0 : i32
    return %add3A_0, %c0_i32 : i32, i32
  }
  func.func @transform_1(%arg0: i32) -> (i32, i32) {
    %add3A = arith.constant 0 : i32
    %add3A_0 = arith.addi %arg0, %add3A : i32
    %c0_i32 = arith.constant 0 : i32
    %c0_i32_1 = arith.constant 0 : i32
    return %add3A_0, %c0_i32 : i32, i32
  }
  func.func @transform_2(%arg0: i32) -> (i32, i32) {
    %add3A = arith.constant 0 : i32
    %add3A_0 = arith.addi %arg0, %add3A : i32
    %c0_i32 = arith.constant 0 : i32
    %c0_i32_1 = arith.constant 0 : i32
    return %add3A_0, %c0_i32 : i32, i32
  }
  func.func @transform_3(%arg0: i32) -> (i32, i32) {
    %add3A = arith.constant 10 : i32
    %add3A_0 = arith.addi %arg0, %add3A : i32
    %c0_i32 = arith.constant 0 : i32
    %c0_i32_1 = arith.constant 0 : i32
    return %add3A_0, %c0_i32 : i32, i32
  }
  func.func @transform_4(%arg0: i32) -> (i32, i32) {
    %c0_i32 = arith.constant 0 : i32
    %c0_i32_0 = arith.constant 0 : i32
    return %arg0, %c0_i32 : i32, i32
  }
  func.func @transform_5(%arg0: i32) -> (i32, i32) {
    %c0_i32 = arith.constant 0 : i32
    %c0_i32_0 = arith.constant 0 : i32
    %c0_i32_1 = arith.constant 0 : i32
    return %c0_i32, %c0_i32_0 : i32, i32
  }
  func.func @transform_6(%arg0: i32) -> (i32, i32) {
    %add3A = arith.constant 0 : i32
    %add3A_0 = arith.addi %arg0, %add3A : i32
    %c0_i32 = arith.constant 0 : i32
    %c0_i32_1 = arith.constant 0 : i32
    return %add3A_0, %c0_i32 : i32, i32
  }
}

module attributes {stable_mosaic.version = 14 : i64} {
  func.func @_combine_body(%arg0: i32, %arg1: memref<1000x128xf32, #tpu.memory_space<vmem>>, %arg2: memref<1000x128xf32, #tpu.memory_space<vmem>>, %arg3: memref<1000x128xf32, #tpu.memory_space<vmem>>, %arg4: memref<1000x128xf32, #tpu.memory_space<vmem>>, %arg5: memref<1000x1xf32, #tpu.memory_space<vmem>>, %arg6: memref<128x128xf32, #tpu.memory_space<vmem>>, %arg7: memref<4x128xf32, #tpu.memory_space<vmem>>, %arg8: memref<4x128xf32, #tpu.memory_space<vmem>>, %arg9: memref<8x1xf32, #tpu.memory_space<vmem>>, %arg10: memref<1000x128xf32, #tpu.memory_space<vmem>>, %arg11: memref<1x128xf32, #tpu.memory_space<vmem>>, %arg12: memref<1x1xf32, #tpu.memory_space<vmem>>) attributes {dimension_semantics = [#tpu.dimension_semantics<arbitrary>], iteration_bounds = array<i64: 10>, scalar_prefetch = 0 : i64, scratch_operands = 0 : i64, tpu.core_type = #tpu.core_type<tc>, window_params = [{transform_indices = @transform_0, window_bounds = array<i64: 1000, 128>}, {transform_indices = @transform_1, window_bounds = array<i64: 1000, 128>}, {transform_indices = @transform_2, window_bounds = array<i64: 1000, 128>}, {transform_indices = @transform_3, window_bounds = array<i64: 1000, 128>}, {transform_indices = @transform_4, window_bounds = array<i64: 1000, 1>}, {pipeline_mode = #tpu.pipeline_mode<synchronous>, transform_indices = @transform_5, window_bounds = array<i64: 128, 128>}, {pipeline_mode = #tpu.pipeline_mode<synchronous>, transform_indices = @transform_6, window_bounds = array<i64: 4, 128>}, {pipeline_mode = #tpu.pipeline_mode<synchronous>, transform_indices = @transform_7, window_bounds = array<i64: 4, 128>}, {pipeline_mode = #tpu.pipeline_mode<synchronous>, transform_indices = @transform_8, window_bounds = array<i64: 8, 1>}, {transform_indices = @transform_9, window_bounds = array<i64: 1000, 128>}, {pipeline_mode = #tpu.pipeline_mode<synchronous>, transform_indices = @transform_10, window_bounds = array<i64: 1, 128>}, {pipeline_mode = #tpu.pipeline_mode<synchronous>, transform_indices = @transform_11, window_bounds = array<i64: 1, 1>}]} {
    %get3A = arith.constant 0 : index
    %get3A_0 = arith.constant 0 : index
    %get3A_1 = vector.load %arg3[%get3A, %get3A_0] : memref<1000x128xf32, #tpu.memory_space<vmem>>, vector<1000x128xf32>
    %get3A_2 = arith.constant 0 : index
    %get3A_3 = arith.constant 0 : index
    %get3A_4 = vector.load %arg4[%get3A_2, %get3A_3] : memref<1000x128xf32, #tpu.memory_space<vmem>>, vector<1000x128xf32>
    %add3A = arith.addf %get3A_1, %get3A_4 : vector<1000x128xf32>
    %get3A_5 = arith.constant 0 : index
    %get3A_6 = arith.constant 0 : index
    %get3A_7 = vector.load %arg5[%get3A_5, %get3A_6] : memref<1000x1xf32, #tpu.memory_space<vmem>>, vector<1000x1xf32>
    %mul3A = vector.broadcast %get3A_7 : vector<1000x1xf32> to vector<1000x128xf32>
    %mul3A_8 = arith.mulf %add3A, %mul3A : vector<1000x128xf32>
    %get3A_9 = arith.constant 0 : index
    %get3A_10 = arith.constant 0 : index
    %get3A_11 = vector.load %arg2[%get3A_9, %get3A_10] : memref<1000x128xf32, #tpu.memory_space<vmem>>, vector<1000x128xf32>
    %get3A_12 = arith.constant 0 : index
    %get3A_13 = arith.constant 0 : index
    %get3A_14 = vector.load %arg6[%get3A_12, %get3A_13] : memref<128x128xf32, #tpu.memory_space<vmem>>, vector<128x128xf32>
    %dot_general3A = arith.constant dense<0.000000e+00> : vector<1000x128xf32>
    %dot_general3A_15 = tpu.matmul %mul3A_8, %get3A_14, %dot_general3A {dimension_numbers = #tpu.dot_dimension_numbers<[1], [0], [0], [1], [0, 0, 1, 1], [], []>, transpose_lhs_hint = false} : vector<1000x128xf32>, vector<128x128xf32>, vector<1000x128xf32> -> vector<1000x128xf32>
    %add3A_16 = arith.addf %get3A_11, %dot_general3A_15 : vector<1000x128xf32>
    %mul3A_17 = arith.mulf %add3A_16, %add3A_16 : vector<1000x128xf32>
    %reduce_sum3A = arith.constant dense<0.000000e+00> : vector<1000xf32>
    %reduce_sum3A_18 = vector.multi_reduction <add>, %mul3A_17, %reduce_sum3A [1] : vector<1000x128xf32> to vector<1000xf32>
    %broadcast_in_dim3A = vector.shape_cast %reduce_sum3A_18 : vector<1000xf32> to vector<1000x1xf32>
    %sqrt3A = math.sqrt %broadcast_in_dim3A : vector<1000x1xf32>
    %max3A = arith.constant 9.99999996E-13 : f32
    %max3A_19 = vector.broadcast %max3A : f32 to vector<1000x1xf32>
    %max3A_20 = arith.maximumf %sqrt3A, %max3A_19 : vector<1000x1xf32>
    %get3A_21 = arith.constant 0 : index
    %get3A_22 = arith.constant 0 : index
    %get3A_23 = vector.load %arg1[%get3A_21, %get3A_22] : memref<1000x128xf32, #tpu.memory_space<vmem>>, vector<1000x128xf32>
    %div3A = vector.broadcast %max3A_20 : vector<1000x1xf32> to vector<1000x128xf32>
    %div3A_24 = arith.divf %add3A_16, %div3A : vector<1000x128xf32>
    %max3A_25 = arith.constant 0.000000e+00 : f32
    %max3A_26 = vector.broadcast %max3A_25 : f32 to vector<1000x128xf32>
    %max3A_27 = arith.maximumf %div3A_24, %max3A_26 : vector<1000x128xf32>
    %add3A_28 = arith.addf %get3A_23, %max3A_27 : vector<1000x128xf32>
    %swap3A = arith.constant 0 : index
    %swap3A_29 = arith.constant 0 : index
    %swap3A_30 = vector.load %arg10[%swap3A, %swap3A_29] : memref<1000x128xf32, #tpu.memory_space<vmem>>, vector<1000x128xf32>
    tpu.vector_store %arg10[%swap3A, %swap3A_29], %add3A_28 {strides = array<i32>} : memref<1000x128xf32, #tpu.memory_space<vmem>>, vector<1000x128xf32>,
    %reduce_sum3A_31 = arith.constant dense<0.000000e+00> : vector<128xf32>
    %reduce_sum3A_32 = vector.multi_reduction <add>, %add3A_28, %reduce_sum3A_31 [0] : vector<1000x128xf32> to vector<128xf32>
    %broadcast_in_dim3A_33 = vector.shape_cast %reduce_sum3A_32 : vector<128xf32> to vector<1x128xf32>
    %eq3A = arith.constant 0 : i32
    %eq3A_34 = arith.cmpi eq, %arg0, %eq3A : i32
    %convert_element_type3A = arith.extui %eq3A_34 : i1 to i32
    %cond3A = arith.constant 0 : i32
    %cond3A_35 = arith.cmpi ne, %convert_element_type3A, %cond3A : i32
    scf.if %cond3A_35 {
      %swap3A_45 = arith.constant 0 : index
      %swap3A_46 = arith.constant 0 : index
      %swap3A_47 = vector.load %arg11[%swap3A_45, %swap3A_46] : memref<1x128xf32, #tpu.memory_space<vmem>>, vector<1x128xf32>
      tpu.vector_store %arg11[%swap3A_45, %swap3A_46], %broadcast_in_dim3A_33 {strides = array<i32>} : memref<1x128xf32, #tpu.memory_space<vmem>>, vector<1x128xf32>,
    } else {
    }
    %gt3A = arith.constant 0 : i32
    %gt3A_36 = arith.cmpi sgt, %arg0, %gt3A : i32
    %convert_element_type3A_37 = arith.extui %gt3A_36 : i1 to i32
    %cond3A_38 = arith.constant 0 : i32
    %cond3A_39 = arith.cmpi ne, %convert_element_type3A_37, %cond3A_38 : i32
    scf.if %cond3A_39 {
      %get3A_45 = arith.constant 0 : index
      %get3A_46 = arith.constant 0 : index
      %get3A_47 = vector.load %arg11[%get3A_45, %get3A_46] : memref<1x128xf32, #tpu.memory_space<vmem>>, vector<1x128xf32>
      %add3A_48 = arith.addf %get3A_47, %broadcast_in_dim3A_33 : vector<1x128xf32>
      %swap3A_49 = arith.constant 0 : index
      %swap3A_50 = arith.constant 0 : index
      %swap3A_51 = vector.load %arg11[%swap3A_49, %swap3A_50] : memref<1x128xf32, #tpu.memory_space<vmem>>, vector<1x128xf32>
      tpu.vector_store %arg11[%swap3A_49, %swap3A_50], %add3A_48 {strides = array<i32>} : memref<1x128xf32, #tpu.memory_space<vmem>>, vector<1x128xf32>,
    } else {
    }
    %eq3A_40 = arith.constant 9 : i32
    %eq3A_41 = arith.cmpi eq, %arg0, %eq3A_40 : i32
    %convert_element_type3A_42 = arith.extui %eq3A_41 : i1 to i32
    %cond3A_43 = arith.constant 0 : i32
    %cond3A_44 = arith.cmpi ne, %convert_element_type3A_42, %cond3A_43 : i32
    scf.if %cond3A_44 {
      %get3A_45 = arith.constant 0 : index
      %get3A_46 = arith.constant 0 : index
      %get3A_47 = vector.load %arg11[%get3A_45, %get3A_46] : memref<1x128xf32, #tpu.memory_space<vmem>>, vector<1x128xf32>
      %mul3A_48 = arith.constant 9.99999974E-5 : f32
      %mul3A_49 = vector.broadcast %mul3A_48 : f32 to vector<1x128xf32>
      %mul3A_50 = arith.mulf %get3A_47, %mul3A_49 : vector<1x128xf32>
      %get3A_51 = arith.constant 0 : index
      %get3A_52 = arith.constant 0 : index
      %get3A_53 = vector.load %arg7[%get3A_51, %get3A_52] : memref<4x128xf32, #tpu.memory_space<vmem>>, vector<4x128xf32>
      %sub3A = vector.broadcast %mul3A_50 : vector<1x128xf32> to vector<4x128xf32>
      %sub3A_54 = arith.subf %sub3A, %get3A_53 : vector<4x128xf32>
      %integer_pow3A = arith.mulf %sub3A_54, %sub3A_54 : vector<4x128xf32>
      %reduce_sum3A_55 = arith.constant dense<0.000000e+00> : vector<4xf32>
      %reduce_sum3A_56 = vector.multi_reduction <add>, %integer_pow3A, %reduce_sum3A_55 [1] : vector<4x128xf32> to vector<4xf32>
      %broadcast_in_dim3A_57 = vector.shape_cast %reduce_sum3A_56 : vector<4xf32> to vector<4x1xf32>
      %get3A_58 = arith.constant 0 : index
      %get3A_59 = arith.constant 0 : index
      %get3A_60 = vector.load %arg8[%get3A_58, %get3A_59] : memref<4x128xf32, #tpu.memory_space<vmem>>, vector<4x128xf32>
      %sub3A_61 = vector.broadcast %mul3A_50 : vector<1x128xf32> to vector<4x128xf32>
      %sub3A_62 = arith.subf %sub3A_61, %get3A_60 : vector<4x128xf32>
      %integer_pow3A_63 = arith.mulf %sub3A_62, %sub3A_62 : vector<4x128xf32>
      %reduce_sum3A_64 = arith.constant dense<0.000000e+00> : vector<4xf32>
      %reduce_sum3A_65 = vector.multi_reduction <add>, %integer_pow3A_63, %reduce_sum3A_64 [1] : vector<4x128xf32> to vector<4xf32>
      %broadcast_in_dim3A_66 = vector.shape_cast %reduce_sum3A_65 : vector<4xf32> to vector<4x1xf32>
      %concatenate3A = tpu.concatenate %broadcast_in_dim3A_57, %broadcast_in_dim3A_66 in 0 : vector<4x1xf32>, vector<4x1xf32> -> vector<8x1xf32>
      %add3A_67 = arith.constant 1.000000e+00 : f32
      %add3A_68 = vector.broadcast %add3A_67 : f32 to vector<8x1xf32>
      %add3A_69 = arith.addf %concatenate3A, %add3A_68 : vector<8x1xf32>
      %add3A_70 = arith.constant 9.99999996E-13 : f32
      %add3A_71 = vector.broadcast %add3A_70 : f32 to vector<8x1xf32>
      %add3A_72 = arith.addf %concatenate3A, %add3A_71 : vector<8x1xf32>
      %div3A_73 = arith.divf %add3A_69, %add3A_72 : vector<8x1xf32>
      %log3A = math.log %div3A_73 : vector<8x1xf32>
      %get3A_74 = arith.constant 0 : index
      %get3A_75 = arith.constant 0 : index
      %get3A_76 = vector.load %arg9[%get3A_74, %get3A_75] : memref<8x1xf32, #tpu.memory_space<vmem>>, vector<8x1xf32>
      %mul3A_77 = arith.mulf %log3A, %get3A_76 : vector<8x1xf32>
      %reduce_sum3A_78 = vector.shape_cast %mul3A_77 : vector<8x1xf32> to vector<1x8x1xf32>
      %reduce_sum3A_79 = arith.constant dense<0.000000e+00> : vector<1xf32>
      %reduce_sum3A_80 = vector.multi_reduction <add>, %reduce_sum3A_78, %reduce_sum3A_79 [1, 2] : vector<1x8x1xf32> to vector<1xf32>
      %reduce_sum3A_81 = vector.shape_cast %reduce_sum3A_80 : vector<1xf32> to vector<1x1x1xf32>
      %reduce_sum3A_82 = vector.extract %reduce_sum3A_81[0, 0, 0] : f32 from vector<1x1x1xf32>
      %logistic3A = arith.negf %reduce_sum3A_82 : f32
      %logistic3A_83 = math.exp %logistic3A : f32
      %logistic3A_84 = arith.constant 1.000000e+00 : f32
      %logistic3A_85 = arith.addf %logistic3A_84, %logistic3A_83 : f32
      %logistic3A_86 = arith.divf %logistic3A_84, %logistic3A_85 : f32
      %reshape3A = vector.broadcast %logistic3A_86 : f32 to vector<1x1xf32>
      %swap3A_87 = arith.constant 0 : index
      %swap3A_88 = arith.constant 0 : index
      %swap3A_89 = vector.load %arg12[%swap3A_87, %swap3A_88] : memref<1x1xf32, #tpu.memory_space<vmem>>, vector<1x1xf32>
      tpu.vector_store %arg12[%swap3A_87, %swap3A_88], %reshape3A {strides = array<i32>} : memref<1x1xf32, #tpu.memory_space<vmem>>, vector<1x1xf32>,
    } else {
    }
    return
  }
  func.func @transform_0(%arg0: i32) -> (i32, i32) {
    %add3A = arith.constant 0 : i32
    %add3A_0 = arith.addi %arg0, %add3A : i32
    %c0_i32 = arith.constant 0 : i32
    %c0_i32_1 = arith.constant 0 : i32
    return %add3A_0, %c0_i32 : i32, i32
  }
  func.func @transform_1(%arg0: i32) -> (i32, i32) {
    %add3A = arith.constant 0 : i32
    %add3A_0 = arith.addi %arg0, %add3A : i32
    %c0_i32 = arith.constant 0 : i32
    %c0_i32_1 = arith.constant 0 : i32
    return %add3A_0, %c0_i32 : i32, i32
  }
  func.func @transform_2(%arg0: i32) -> (i32, i32) {
    %add3A = arith.constant 0 : i32
    %add3A_0 = arith.addi %arg0, %add3A : i32
    %c0_i32 = arith.constant 0 : i32
    %c0_i32_1 = arith.constant 0 : i32
    return %add3A_0, %c0_i32 : i32, i32
  }
  func.func @transform_3(%arg0: i32) -> (i32, i32) {
    %add3A = arith.constant 10 : i32
    %add3A_0 = arith.addi %arg0, %add3A : i32
    %c0_i32 = arith.constant 0 : i32
    %c0_i32_1 = arith.constant 0 : i32
    return %add3A_0, %c0_i32 : i32, i32
  }
  func.func @transform_4(%arg0: i32) -> (i32, i32) {
    %c0_i32 = arith.constant 0 : i32
    %c0_i32_0 = arith.constant 0 : i32
    return %arg0, %c0_i32 : i32, i32
  }
  func.func @transform_5(%arg0: i32) -> (i32, i32) {
    %c0_i32 = arith.constant 0 : i32
    %c0_i32_0 = arith.constant 0 : i32
    %c0_i32_1 = arith.constant 0 : i32
    return %c0_i32, %c0_i32_0 : i32, i32
  }
  func.func @transform_6(%arg0: i32) -> (i32, i32) {
    %c0_i32 = arith.constant 0 : i32
    %c0_i32_0 = arith.constant 0 : i32
    %c0_i32_1 = arith.constant 0 : i32
    return %c0_i32, %c0_i32_0 : i32, i32
  }
  func.func @transform_7(%arg0: i32) -> (i32, i32) {
    %c0_i32 = arith.constant 0 : i32
    %c0_i32_0 = arith.constant 0 : i32
    %c0_i32_1 = arith.constant 0 : i32
    return %c0_i32, %c0_i32_0 : i32, i32
  }
  func.func @transform_8(%arg0: i32) -> (i32, i32) {
    %c0_i32 = arith.constant 0 : i32
    %c0_i32_0 = arith.constant 0 : i32
    %c0_i32_1 = arith.constant 0 : i32
    return %c0_i32, %c0_i32_0 : i32, i32
  }
  func.func @transform_9(%arg0: i32) -> (i32, i32) {
    %add3A = arith.constant 0 : i32
    %add3A_0 = arith.addi %arg0, %add3A : i32
    %c0_i32 = arith.constant 0 : i32
    %c0_i32_1 = arith.constant 0 : i32
    return %add3A_0, %c0_i32 : i32, i32
  }
  func.func @transform_10(%arg0: i32) -> (i32, i32) {
    %c0_i32 = arith.constant 0 : i32
    %c0_i32_0 = arith.constant 0 : i32
    %c0_i32_1 = arith.constant 0 : i32
    return %c0_i32, %c0_i32_0 : i32, i32
  }
  func.func @transform_11(%arg0: i32) -> (i32, i32) {
    %c0_i32 = arith.constant 0 : i32
    %c0_i32_0 = arith.constant 0 : i32
    %c0_i32_1 = arith.constant 0 : i32
    return %c0_i32, %c0_i32_0 : i32, i32
  }
}

</mosaic_0001>

<sc_bundles>
// kernel: kernel.11.cloned.1.call-start
scs
__scs_entry_jumppad:
0x0: {  	(pc) =	sbr.rel $0x88, $3  }
0x1: {  	(tag) =	ssettag $0x0;
	lr =	simm.s32 $0x1  }
0x2: {  	[smem:$0x3F94] =	sst lr;
	_ =	strace $0xD0000000  }
0x3: {  	_ = 	snop  }
0x4: {  	_ = 	snop  }
0x5: {  	_ = 	snop  }
0x6: {  	_ = 	snop  }
0x7: {  	_ = 	snop  }
__scs_overlays_trampoline_lowered:
0x8: {  	[smem:$0x3FA3] =	sst s0  }
0x9: {  	[smem:$0x3FA4] =	sst s1  }
0xa: {  	[smem:$0x3FA5] =	sst s2  }
0xb: {  	[smem:$0x3FA6] =	sst s3  }
0xc: {  	[smem:$0x3FA7] =	sst s4  }
0xd: {  	[smem:$0x3FA8] =	sst s5  }
0xe: {  	[smem:$0x3FA9] =	sst s6  }
0xf: {  	[smem:$0x3FAA] =	sst s7  }
0x10: {  	[smem:$0x3FAB] =	sst s8  }
0x11: {  	[smem:$0x3FAC] =	sst s9;
	s0 =	simm.s32 @!p0 $0x0  }
0x12: {  	s1 =	sld [smem:$0x3F92];
	s0 =	simm.s32 @p0 $0x1  }
0x13: {  	[smem:$0x3FAD] =	sst s0;
	s0 =	simm.s32 @!p1 $0x0  }
0x14: {  	s2 =	sld [smem:$0x3F91];
	s0 =	simm.s32 @p1 $0x1  }
0x15: {  	[smem:$0x3FAE] =	sst s0;
	s0 =	simm.s32 @!p2 $0x0  }
0x16: {  	s3 =	sld [smem:$0x3FDB];
	s0 =	simm.s32 @p2 $0x1  }
0x17: {  	s4 =	simm.s32 $0x1BF5;
	[smem:$0x3FB0] =	sst s0  }
0x18: {  	s0 =	sld [smem:$0x3F93];
	_ =	swait.ge [sflag:s4], $0x0  }
0x19: {  	s7 =	sld [smem:$0x3F94]  }
0x1a: {  	s8 =	sadd.s32 $0xFFFFE003, lr  }
0x1b: {  	s9 =	sadd.s32 $0xFFFFFEF7, lr;
	s5 =	simm.s32 $0xFFFFFFFF;
	p2 =	slt.u32 s8, $0xFFFFF086  }
0x1c: {  	p1 =	slt.u32 s9, $0xF7A;
	s5 =	simm.s32 @!p2 $0x0  }
0x1d: {  	s5 =	simm.s32 @p1 $0x1;
	p0 =	seq.s32 s7, s2  }
0x1e: {  	s7 =	smul.u32 @!p0 $0xF7A, s2;
	p2 =	seq.s32 @!p0 s5, $0x0  }
0x1f: {  	s9 =	smul.u32 $0xF7A, s1;
	s8 =	simm.s32 @!p0 $0x1BF5;
	p2 =	por !p2, p0  }
0x20: {  	[sflag:s8] =	ssyncset.s32 @!p0 $0xFFFFF086;
	s6 =	sadd.s32 @!p0 s3, s7;
	s7 =	simm.s32 @!p0 $0x108  }
0x21: {  	s3 =	sadd.s32 s3, s9;
	s6 =	sadd.s32 @!p0 $0x88, s6;
	s7 =	simm.s32 @p2 $0x1082  }
0x22: {  	[simem:s7], [sflag:s8] =	dma.local @!p0 [hbm:s6], $0xF7A  }
0x23: {  	s9 =	sor.u32 $0xD0000000, s2;
	s6 =	simm.s32 $0x108;
	_ =	swait.ge @!p0 [sflag:s8], $0x0  }
0x24: {  	s3 =	sadd.s32 $0x88, s3;
	s6 =	simm.s32 @!p1 $0x1082;
	[sflag:s4] =	ssyncset.s32 $0xFFFFF086  }
0x25: {  	[simem:s6], [sflag:s4] =	dma.local [hbm:s3], $0xF7A  }
0x26: {  	[smem:$0x3F94] =	sst s1;
	(tag) =	ssettag s2;
	_ =	strace s9  }
0x27: {  	s1 =	sld [smem:$0x3FA4]  }
0x28: {  	s2 =	sld [smem:$0x3FA5]  }
0x29: {  	s4 =	sld [smem:$0x3FA7]  }
0x2a: {  	p0 =	seq.s32 s5, $0x0;
	s5 =	sld [smem:$0x3FA8]  }
0x2b: {  	s6 =	sld [smem:$0x3FA9]  }
0x2c: {  	s7 =	sld [smem:$0x3FAA]  }
0x2d: {  	s3 =	simm.s32 $0x108;
	s8 =	sld [smem:$0x3FAB]  }
0x2e: {  	s3 =	simm.s32 @!p0 $0x1082;
	s9 =	sld [smem:$0x3FAC]  }
0x2f: {  	lr =	sadd.s32 s0, s3;
	s0 =	sld [smem:$0x3FA3]  }
0x30: {  	s3 =	sld [smem:$0x3FA6]  }
0x31: {  	[smem:$0x3FAF] =	sst s10  }
0x32: {  	s10 =	sld [smem:$0x3FAD];
	_ =	sdelay $0x3  }
0x33: {  	p0 =	seq.s32 s10, $0x1;
	s10 =	sld [smem:$0x3FAF];
	_ =	sdelay $0x3  }
0x34: {  	[smem:$0x3FAF] =	sst s10  }
0x35: {  	s10 =	sld [smem:$0x3FAE];
	_ =	sdelay $0x3  }
0x36: {  	p1 =	seq.s32 s10, $0x1;
	s10 =	sld [smem:$0x3FAF];
	_ =	sdelay $0x3  }
0x37: {  	[smem:$0x3FAF] =	sst s10  }
0x38: {  	s10 =	sld [smem:$0x3FB0]  }
0x39: {  	_ = 	snop;
	(pc) =	sbr.ind lr, $3  }
0x3a: {  	_ = 	snop  }
0x3b: {  	_ = 	snop  }
0x3c: {  	p2 =	seq.s32 s10, $0x1;
	s10 =	sld [smem:$0x3FAF]  }
0x3d: {  	_ =	shalt  }
0x3e: {  	_ =	shalt  }
0x3f: {  	_ =	shalt  }
0x40: {  	_ =	shalt  }
0x41: {  	_ =	shalt  }
0x42: {  	_ =	shalt  }
0x43: {  	_ =	shalt  }
0x44: {  	_ =	shalt  }
0x45: {  	_ =	shalt  }
0x46: {  	_ =	shalt  }
0x47: {  	_ =	shalt  }
0x48: {  	_ =	shalt  }
0x49: {  	_ =	shalt  }
0x4a: {  	_ =	shalt  }
0x4b: {  	_ =	shalt  }
0x4c: {  	_ =	shalt  }
0x4d: {  	_ =	shalt  }
0x4e: {  	_ =	shalt  }
0x4f: {  	_ =	shalt  }
0x50: {  	_ =	shalt  }
0x51: {  	_ =	shalt  }
0x52: {  	_ =	shalt  }
0x53: {  	_ =	shalt  }
0x54: {  	_ =	shalt  }
0x55: {  	_ =	shalt  }
0x56: {  	_ =	shalt  }
0x57: {  	_ =	shalt  }
0x58: {  	_ =	shalt  }
0x59: {  	_ =	shalt  }
0x5a: {  	_ =	shalt  }
0x5b: {  	_ =	shalt  }
0x5c: {  	_ =	shalt  }
0x5d: {  	_ =	shalt  }
0x5e: {  	_ =	shalt  }
0x5f: {  	_ =	shalt  }
0x60: {  	_ =	shalt  }
0x61: {  	_ =	shalt  }
0x62: {  	_ =	shalt  }
0x63: {  	_ =	shalt  }
0x64: {  	_ =	shalt  }
0x65: {  	_ =	shalt  }
0x66: {  	_ =	shalt  }
0x67: {  	_ =	shalt  }
0x68: {  	_ =	shalt  }
0x69: {  	_ =	shalt  }
0x6a: {  	_ =	shalt  }
0x6b: {  	_ =	shalt  }
0x6c: {  	_ =	shalt  }
0x6d: {  	_ =	shalt  }
0x6e: {  	_ =	shalt  }
0x6f: {  	_ =	shalt  }
0x70: {  	_ =	shalt  }
0x71: {  	_ =	shalt  }
0x72: {  	_ =	shalt  }
0x73: {  	_ =	shalt  }
0x74: {  	_ =	shalt  }
0x75: {  	_ =	shalt  }
0x76: {  	_ =	shalt  }
0x77: {  	_ =	shalt  }
0x78: {  	_ =	shalt  }
0x79: {  	_ =	shalt  }
0x7a: {  	_ =	shalt  }
0x7b: {  	_ =	shalt  }
0x7c: {  	_ =	shalt  }
0x7d: {  	_ =	shalt  }
0x7e: {  	_ =	shalt  }
0x7f: {  	_ =	shalt  }
0x80: {  	_ =	shalt  }
0x81: {  	_ =	shalt  }
0x82: {  	_ =	shalt  }
0x83: {  	_ =	shalt  }
0x84: {  	_ =	shalt  }
0x85: {  	_ =	shalt  }
0x86: {  	_ =	shalt  }
0x87: {  	_ =	shalt  }
.Lfunc_end0:
.L_simem_size_0:
called_computation_lowered:
.L_overlay_start_0:
0x88: {  	s2 =	sld [smem:$0x3FD9]  }
0x89: {  	s3 =	sld [smem:$0x3FFE];
	_ =	sdelay $0x1  }
0x8a: {  	s1 =	srdreg.scid  }
0x8b: {  	s0 =	sand.u32 $0x1, s1  }
0x8c: {  	s17 =	sshll.u32 s0, $0xA;
	s2 =	sadd.s32 s3, s2  }
0x8d: {  	s2 =	sadd.s32 s2, s17  }
0x8e: {  	[smem:$0x3FBB] =	sst s2  }
0x8f: {  	_ = 	snop  }
0x90: {  	s2 =	sld [smem:$0x3FC9];
	(tm) =	ssettm $0x1  }
0x91: {  	s18 =	sld [smem:$0x3FFB];
	_ =	sdelay $0x3  }
0x92: {  	_ =	strace s18  }
0x93: {  	s3 =	sld [smem:$0x3FFC];
	_ =	sdelay $0x3  }
0x94: {  	_ =	strace s3  }
0x95: {  	s3 =	sld [smem:$0x3FFD];
	_ =	sdelay $0x3  }
0x96: {  	_ =	strace s3  }
0x97: {  	_ =	strace $0x8FFFFFFF  }
0x98: {  	s19 =	sld [smem:$0x3FDB];
	_ =	sdelay $0x1  }
0x99: {  	s4 =	simm.s32 $_scs_section_size  }
0x9a: {  	s5 =	simm.s32 $_size__tile_overlayer_lowered;
	s6 =	simm.s32 $_tile_overlayer_lowered  }
0x9b: {  	s22 =	simm.s32 $0x1BFF;
	s21 =	sshll.u32 s6, $0x1;
	s3 =	sadd.s32 s4, s19  }
0x9c: {  	s7 =	simm.s32 $0x0;
	s20 =	sshll.u32 s5, $0x1;
	s5 =	sadd.s32 s21, s3  }
0x9d: {  	[timem:s7], [sflag:s22] =	dma.local [hbm:s5], s20  }
0x9e: {  	_ =	swait.ge [sflag:s22], s20  }
0x9f: {  	s4 =	ssub.s32 $0x0, s20;
	[sflag:s22] =	ssyncset.done $0x0  }
0xa0: {  	[sflag:s22] =	ssyncadd.s32 s4;
	_ =	sdelay $0x1  }
0xa1: {  	s23 =	simm.s32 $0x1B8B  }
0xa2: {  	_ =	swait.ge [sflag:s23], $0x1  }
0xa3: {  	[sflag:s23] =	ssyncset.done $0x0  }
0xa4: {  	s25 =	simm.s32 $0x1B8E;
	s24 =	sld [smem:$0x3FFE];
	[sflag:s23] =	ssyncadd.s32 $0xFFFFFFFF  }
0xa5: {  	s26 =	simm.s32 $execute0_lowered;
	[smem:$0x3FD2] =	sst s25  }
0xa6: {  	s5 =	sshll.u32 s26, $0x1;
	_ =	strace $0x80000046;
	[dreg:$0x1] =	wrdreg $0xFFFFFFFF  }
0xa7: {  	s28 =	simm.s32 $_size_execute0_lowered;
	s3 =	sadd.s32 s3, s5;
	[dreg:$0x0] =	wrdreg $0x0  }
0xa8: {  	s5 =	sshll.u32 s28, $0x1;
	[dreg:$0x2] =	wrdreg s3  }
0xa9: {  	[dreg:$0x3] =	wrdreg s5  }
0xaa: {  	[dreg:$0x4] =	wrdreg $0xC0  }
0xab: {  	_ =	task [dreg:s7], $0x5FFFF  }
0xac: {  	[dreg:$0x1] =	wrdreg $0xFFFFFFFF  }
0xad: {  	[dreg:$0x0] =	wrdreg $0x60  }
0xae: {  	[dreg:$0x2] =	wrdreg s2  }
0xaf: {  	[dreg:$0x3] =	wrdreg s24  }
0xb0: {  	[dreg:$0x4] =	wrdreg $0x0  }
0xb1: {  	[dreg:$0x5] =	wrdreg $0x138800  }
0xb2: {  	[dreg:$0x6] =	wrdreg $0x9  }
0xb3: {  	_ =	task.clear_ibuf [dreg:s7], $0x7FFFF;
	_ =	strace $0x90000046  }
0xb4: {  	s29 =	simm.s32 $0x9;
	_ =	strace $0x80000048  }
0xb5: {  	_ =	swait.ge [sflag:s29], $0x1  }
0xb6: {  	[sflag:s29] =	ssyncadd.s32 $0xFFFFFFFF  }
0xb7: {  	_ =	strace $0x90000048  }
0xb8: {  	_ =	sfence  }
0xb9: {  	s30 =	sld [smem:$0x0];
	_ =	sdelay $0x2  }
0xba: {  	s31 =	sshll.u32 s1, $0xD;
	s1 =	sshrl.u32 s1, $0x2  }
0xbb: {  	s3 =	sand.u32 $0x4000, s31;
	s1 =	sadd.s32 s1, s30  }
0xbc: {  	s0 =	sor.u32 s3, s0;
	s1 =	sshll.u32 s1, $0x11  }
0xbd: {  	s0 =	sor.u32 s1, s0  }
0xbe: {  	s0 =	sadd.s32 $0x8F2B, s0  }
0xbf: {  	[sflag:s0] =	ssyncadd.remote.s32 $0x1  }
0xc0: {  	_ =	sfence.sel $0xFFFF  }
0xc1: {  	[dreg:$0x0] =	wrdreg $0xFFFFFFFF;
	(pc) =	sbr.abs _section_cstart, $3  }
0xc2: {  	[dreg:$0x1] =	wrdreg $0xFFFFFFFF  }
0xc3: {  	_ =	task.clear_ibuf [dreg:s7], $0x2FFFF;
	_ =	strace $0x9FFFFFFF  }
0xc4: {  	(tm) =	ssettm $0x7FFFFFFF  }
0xc5: {  	_ =	shalt  }
tec
execute0_lowered:
.L_overlay_start_1:
0x0: {  	(tag) =	ssettag $0x1  }
0x1: {  	s1 =	rddreg [dreg:$0x0]  }
0x2: {  	s0 =	rddreg [dreg:$0x1]  }
0x3: {  	s2 =	rddreg [dreg:$0x2]  }
0x4: {  	s3 =	rddreg [dreg:$0x3]  }
0x5: {  	s7 =	stileid.u32;
	s5 =	srdreg.scid;
	s4 =	simm.s32 $0x0  }
0x6: {  	s28 =	simm.s32 $0x13AF8;
	s30 =	simm.s32 $0x13B78;
	s31 =	simm.s32 $0x13C78  }
0x7: {  	s29 =	simm.s32 $0x80;
	s8 =	smul.u32 $0x2700, s7;
	s9 =	sand.u32 $0x1, s5  }
0x8: {  	[smem:$0x7FF] =	sst s4;
	s5 =	sadd.s32 $0xD800, s0;
	s6 =	sadd.s32 $0x3A00, s0  }
0x9: {  	s23 =	sadd.s32 $0x3E800, s0;
	s12 =	sadd.s32 $0x3F800, s0;
	s15 =	smul.u32 $0x4E000, s7  }
0xa: {  	s14 =	sshll.u32 s7, $0x1;
	s17 =	smul.u32 $0x270, s7;
	s19 =	sshll.u32 s7, $0x6  }
0xb: {  	s20 =	sadd.s32 $0x138000, s2;
	p0 =	sne.s32 s7, $0x0;
	p1 =	sgt.u32 s7, $0x1  }
0xc: {  	s11 =	smul.u32 $0x2710, s9;
	_ =	strace $0x80000047;
	[dreg:$0x5] =	wrdreg s23  }
0xd: {  	s24 =	ssub.s32 $0x2, s9;
	s14 =	sor.u32 s9, s14;
	s23 =	smul.u32 $0x138800, s9  }
0xe: {  	s19 =	sor.u32 $0x1C0B, s19;
	[dreg:$0x9] =	wrdreg s20;
	s9 =	smul.u32 $0x2700, s9  }
0xf: {  	s8 =	sadd.s32 s8, s0;
	s16 =	sshrl.u32 s24, $0x1;
	s25 =	sshrl.u32 s15, $0x2  }
0x10: {  	s26 =	smul.u32 $0x2700, s14;
	s14 =	sshll.u32 s14, $0x4;
	s15 =	simm.s32 $0x9  }
0x11: {  	[dreg:$0x8] =	wrdreg s19;
	s10 =	sshrl.u32 s11, $0x3;
	s16 =	ssub.s32 s24, s16  }
0x12: {  	s18 =	sadd.s32 $0x17600, s8;
	s11 =	sadd.s32 s17, s11;
	s14 =	sor.u32 $0x9C00, s14  }
0x13: {  	s13 =	sadd.s32 s10, s0;
	s10 =	sadd.s32 s25, s2;
	[dreg:$0x7] =	wrdreg s18  }
0x14: {  	s21 =	sshrl.u32 s26, $0x3;
	s0 =	sadd.s32 $0x3E600, s0;
	s25 =	smul.u32 $0x4E00, s7  }
0x15: {  	s17 =	sadd.s32 s5, s14;
	s18 =	sadd.s32 s6, s14;
	s20 =	sshll.u32 s11, $0x4  }
0x16: {  	s7 =	simm.s32 $0x13DF8;
	s11 =	simm.s32 $0x7;
	[dreg:$0x6] =	wrdreg s10  }
0x17: {  	s14 =	simm.s32 $0x1BDF8;
	[dreg:$0xa] =	wrdreg s0;
	s22 =	sadd.s32 s5, s21  }
0x18: {  	s24 =	sadd.s32 s6, s21;
	s8 =	sor.u32 $0x10, s21;
	[dreg:$0xf] =	wrdreg s17  }
0x19: {  	s0 =	sshrl.u32 s23, $0x3;
	[dreg:$0x10] =	wrdreg s18;
	s21 =	sadd.s32 s12, s20  }
0x1a: {  	s23 =	sadd.s32 $0x3EE00, s13;
	s13 =	simm.s32 $0x4;
	[dreg:$0xb] =	wrdreg s22  }
0x1b: {  	s17 =	simm.s32 $0x6;
	s18 =	simm.s32 $0x13D78;
	[dreg:$0xc] =	wrdreg s24  }
0x1c: {  	s26 =	sadd.s32 s5, s8;
	s10 =	sadd.s32 s6, s8;
	[dreg:$0x11] =	wrdreg s21  }
0x1d: {  	s9 =	sadd.s32 s9, s25;
	s0 =	sadd.s32 s12, s0;
	[dreg:$0x13] =	wrdreg s23  }
0x1e: {  	s24 =	smax.u32 s16, $0x1;
	s8 =	simm.s32 $0x2;
	[dreg:$0xd] =	wrdreg s26  }
0x1f: {  	s12 =	simm.s32 $0x8;
	[dreg:$0xe] =	wrdreg s10;
	s0 =	sadd.s32 $0x27000, s0  }
.Ltmp0:
0x20: {  	s22 =	sadd.s32 $0x180, s9;
	[dreg:$0x14] =	wrdreg s24;
	(pc) =	sbr.rel .LBB2_1-.Ltmp0, $4  }
0x21: {  	s26 =	sadd.s32 $0x100, s9;
	[dreg:$0x12] =	wrdreg s0;
	s0 =	sshrl.u32 s22, $0x3  }
0x22: {  	s16 =	simm.s32 $0x0;
	[dreg:$0x17] =	wrdreg s26;
	s25 =	sadd.s32 s0, s6  }
0x23: {  	s9 =	simm.s32 $0x17DF8;
	s0 =	sadd.s32 s0, s5;
	[dreg:$0x15] =	wrdreg s25  }
0x24: {  	v0 =	vimm.f32 $1.000000000e+00;
	s26 =	simm.s32 $0xB;
	[dreg:$0x16] =	wrdreg s0;
	s0 =	simm.s32 $0x1  }
.LBB2_8:
0x25: {  	_ =	swait.ge [sflag:s15], $0x4000  }
0x26: {  	[sflag:s15] =	ssyncset.done $0x0  }
0x27: {  	s4 =	simm.s32 $0xA;
	[sflag:s15] =	ssyncadd.s32 $0xFFFFC000  }
0x28: {  	_ =	swait.ge [sflag:s4], $0x4000  }
0x29: {  	s10 =	simm.s32 @!p1 $0x13AF8;
	[sflag:s4] =	ssyncset.done $0x0  }
0x2a: {  	s16 =	rddreg [dreg:$0xf];
	[sflag:s4] =	ssyncadd.s32 $0xFFFFC000;
	s4 =	simm.s32 @!p1 $0x0  }
0x2b: {  	[tilespmem:s10], [sflag:$0xB] =	stream.linear.gather @!p1 [hbm4b:s16+s4], $0x80, $0x38;
	[tilespmem:$0x1E5F8] =	vst v63  }
0x2c: {  	s16 =	simm.s32 @!p1 $0xB  }
0x2d: {  	_ =	swait.ge @!p1 [sflag:s16], $0x80  }
0x2e: {  	[sflag:s16] =	ssyncset.done @!p1 $0x0  }
0x2f: {  	s19 =	simm.s32 @!p1 $0x80;
	s20 =	simm.s32 @!p1 $0x13DF8;
	[sflag:s16] =	ssyncadd.s32 @!p1 $0xFFFFFF80  }
0x30: {  	[tilespmem:s20], [sflag:$0x7] =	stream.indirect.gather @!p1 [hbm4b:s1+s19], $0x80, s10, s19, $0xb8;
	[tilespmem:$0x1E5F8] =	vst v63  }
0x31: {  	s10 =	simm.s32 @!p1 $0x7  }
0x32: {  	_ =	swait.ge @!p1 [sflag:s10], $0x4000  }
0x33: {  	[sflag:s10] =	ssyncset.done @!p1 $0x0  }
0x34: {  	s21 =	rddreg [dreg:$0x10];
	[sflag:s10] =	ssyncadd.s32 @!p1 $0xFFFFC000;
	s10 =	simm.s32 @!p1 $0x13BF8  }
0x35: {  	[tilespmem:s10], [sflag:$0xB] =	stream.linear.gather @!p1 [hbm4b:s21+s4], $0x80, $0x38;
	[tilespmem:$0x1E5F8] =	vst v63  }
0x36: {  	_ =	swait.ge @!p1 [sflag:s16], $0x80  }
0x37: {  	[sflag:s16] =	ssyncset.done @!p1 $0x0  }
0x38: {  	[sflag:s16] =	ssyncadd.s32 @!p1 $0xFFFFFF80  }
0x39: {  	[spmem:s2] =	stream.indirect.scatter.add.f32 @!p1 [tilespmem:s20], [sflag:$0xB], $0x80, s10, s19, $0xb8;
	[tilespmem:$0x1E5F8] =	vst v63  }
0x3a: {  	_ =	swait.ge @!p1 [sflag:s16], $0x4000  }
0x3b: {  	[sflag:s16] =	ssyncset.done @!p1 $0x0  }
0x3c: {  	s4 =	simm.s32 @!p1 $0x1BDF8;
	[sflag:s16] =	ssyncadd.s32 @!p1 $0xFFFFC000  }
0x3d: {  	[spmem:s3] =	stream.indirect.scatter.add.f32 @!p1 [tilespmem:s4], [sflag:$0xB], $0x1, s10, s19, $0xb8;
	[tilespmem:$0x1E5F8] =	vst v63  }
0x3e: {  	_ =	swait.ge @!p1 [sflag:s16], $0x80  }
0x3f: {  	[sflag:s16] =	ssyncset.done @!p1 $0x0  }
0x40: {  	[sflag:s16] =	ssyncadd.s32 @!p1 $0xFFFFFF80  }
0x41: {  	[bflag:$0x0] =	sbarrier.arrive $0xFFFF  }
0x42: {  	s19 =	rddreg [dreg:$0x8]  }
0x43: {  	s22 =	rddreg [dreg:$0x11]  }
0x44: {  	s23 =	rddreg [dreg:$0x19]  }
0x45: {  	[hbm:s22], [sflag:s19] =	dma.local [spmem:s23], $0x2700  }
0x46: {  	_ =	swait.ge [sflag:s26], $0x2700  }
0x47: {  	[sflag:s26] =	ssyncset.done $0x0;
	s4 =	rddreg [dreg:$0x12]  }
0x48: {  	s10 =	rddreg [dreg:$0x1a];
	[sflag:s26] =	ssyncadd.s32 $0xFFFFD900  }
0x49: {  	[hbm:s4], [sflag:s19] =	dma.local @!p0 [spmem:s10], $0x100  }
0x4a: {  	s4 =	simm.s32 @!p0 $0xB  }
0x4b: {  	_ =	swait.ge @!p0 [sflag:s4], $0x100  }
0x4c: {  	[sflag:s4] =	ssyncset.done @!p0 $0x0  }
0x4d: {  	s10 =	simm.s32 @!p0 $0x1BE78;
	[sflag:s4] =	ssyncadd.s32 @!p0 $0xFFFFFF00  }
0x4e: {  	[tilespmem:s10], [sflag:$0xB] =	stream.linear.gather @!p0 [spmem:s3], $0x2780, $0x38;
	[tilespmem:$0x1E5F8] =	vst v63  }
0x4f: {  	_ =	swait.ge @!p0 [sflag:s4], $0x2780  }
0x50: {  	[sflag:s4] =	ssyncset.done @!p0 $0x0  }
0x51: {  	s16 =	simm.s32 @!p0 $0x0;
	s20 =	rddreg [dreg:$0x13];
	[sflag:s4] =	ssyncadd.s32 @!p0 $0xFFFFD880  }
0x52: {  	[hbm4b:s20+s16] =	stream.linear.scatter @!p0 [tilespmem:s10], [sflag:$0xB], $0x2710, $0x38;
	[tilespmem:$0x1E5F8] =	vst v63  }
0x53: {  	_ =	swait.ge @!p0 [sflag:s4], $0x2710  }
0x54: {  	s24 =	rddreg [dreg:$0x18]  }
0x55: {  	s25 =	rddreg [dreg:$0x14];
	s16 =	sadd.s32 $0x1, s24  }
0x56: {  	p2 =	sne.s32 s16, s25  }
.Ltmp1:
0x57: {  	_ = 	snop;
	(pc) =	sbr.rel @!p2 .LBB2_9-.Ltmp1, $3  }
0x58: {  	_ =	sdelay $0x1  }
0x59: {  	[sflag:s4] =	ssyncset.done @!p0 $0x0  }
0x5a: {  	[sflag:s4] =	ssyncadd.s32 @!p0 $0xFFFFD8F0  }
.LBB2_1:
0x5b: {  	[dreg:$0x18] =	wrdreg s16  }
0x5c: {  	s4 =	rddreg [dreg:$0x6]  }
0x5d: {  	s16 =	rddreg [dreg:$0x7];
	s10 =	sshrl.u32 s4, $0x3  }
0x5e: {  	[dreg:$0x19] =	wrdreg s10  }
0x5f: {  	[spmem:s10], [sflag:s19] =	dma.local [hbm:s16], $0x2700  }
0x60: {  	_ =	swait.ge [sflag:s26], $0x2700  }
0x61: {  	s4 =	rddreg [dreg:$0x9]  }
0x62: {  	[sflag:s26] =	ssyncset.done $0x0;
	s10 =	sshrl.u32 @!p0 s4, $0x3;
	s4 =	rddreg [dreg:$0xa]  }
0x63: {  	s16 =	simm.s32 @!p0 $0xB;
	[sflag:s26] =	ssyncadd.s32 $0xFFFFD900;
	[dreg:$0x1a] =	wrdreg s10  }
0x64: {  	[spmem:s10], [sflag:s19] =	dma.local @!p0 [hbm:s4], $0x100  }
0x65: {  	_ =	swait.ge @!p0 [sflag:s16], $0x100  }
0x66: {  	s20 =	simm.s32 @!p0 $0x0;
	[sflag:s16] =	ssyncset.done @!p0 $0x0  }
0x67: {  	s22 =	simm.s32 @!p0 $0x1BE78;
	s4 =	rddreg [dreg:$0x5];
	[sflag:s16] =	ssyncadd.s32 @!p0 $0xFFFFFF00  }
0x68: {  	[tilespmem:s22], [sflag:$0xB] =	stream.linear.gather @!p0 [hbm4b:s4+s20], $0x2780, $0x38;
	[tilespmem:$0x1E5F8] =	vst v63  }
0x69: {  	_ =	swait.ge @!p0 [sflag:s16], $0x2780  }
0x6a: {  	[sflag:s16] =	ssyncset.done @!p0 $0x0  }
0x6b: {  	[sflag:s16] =	ssyncadd.s32 @!p0 $0xFFFFD880  }
0x6c: {  	[spmem:s3] =	stream.linear.scatter @!p0 [tilespmem:s22], [sflag:$0xB], $0x2780, $0x38;
	[tilespmem:$0x1E5F8] =	vst v63  }
0x6d: {  	_ =	swait.ge @!p0 [sflag:s16], $0x2780  }
0x6e: {  	[sflag:s16] =	ssyncset.done @!p0 $0x0  }
0x6f: {  	[sflag:s16] =	ssyncadd.s32 @!p0 $0xFFFFD880  }
0x70: {  	[tilespmem:$0x1BDF8] =	vst v0  }
0x71: {  	[tilespmem:$0x1BE08] =	vst v0  }
0x72: {  	[tilespmem:$0x1BE18] =	vst v0  }
0x73: {  	[tilespmem:$0x1BE28] =	vst v0  }
0x74: {  	[tilespmem:$0x1BE38] =	vst v0  }
0x75: {  	[tilespmem:$0x1BE48] =	vst v0  }
0x76: {  	[tilespmem:$0x1BE58] =	vst v0  }
0x77: {  	[tilespmem:$0x1BE68] =	vst v0  }
0x78: {  	[bflag:$0x0] =	sbarrier.arrive $0xFFFF  }
0x79: {  	s20 =	simm.s32 $0x0;
	s21 =	rddreg [dreg:$0xb]  }
0x7a: {  	[tilespmem:s28], [sflag:$0x1] =	stream.linear.gather [hbm4b:s21+s20], $0x80, $0x38;
	[tilespmem:$0x1E5F8] =	vst v63  }
0x7b: {  	s23 =	simm.s32 $0x13BF8;
	s22 =	rddreg [dreg:$0xc]  }
0x7c: {  	[tilespmem:s23], [sflag:$0x3] =	stream.linear.gather [hbm4b:s22+s20], $0x80, $0x38;
	[tilespmem:$0x1E5F8] =	vst v63  }
0x7d: {  	s24 =	rddreg [dreg:$0xd]  }
0x7e: {  	[tilespmem:s30], [sflag:$0x2] =	stream.linear.gather [hbm4b:s24+s20], $0x80, $0x38;
	[tilespmem:$0x1E5F8] =	vst v63  }
0x7f: {  	s25 =	rddreg [dreg:$0xe]  }
0x80: {  	[tilespmem:s31], [sflag:$0x4] =	stream.linear.gather [hbm4b:s25+s20], $0x80, $0x38;
	[tilespmem:$0x1E5F8] =	vst v63  }
.Ltmp2:
0x81: {  	_ =	swait.ge [sflag:s0], $0x80;
	(pc) =	sbr.rel .LBB2_2-.Ltmp2, $4  }
0x82: {  	s25 =	rddreg [dreg:$0x17]  }
0x83: {  	s16 =	simm.s32 $0x0;
	[sflag:s0] =	ssyncset.done $0x0;
	s24 =	rddreg [dreg:$0x16]  }
0x84: {  	s22 =	simm.s32 $0x3;
	s23 =	rddreg [dreg:$0x15];
	[sflag:s0] =	ssyncadd.s32 $0xFFFFFF80  }
0x85: {  	[tilespmem:s7], [sflag:$0x7] =	stream.indirect.gather [hbm4b:s1+s29], $0x80, s28, s29, $0xb8;
	[tilespmem:$0x1E5F8] =	vst v63  }
.LBB2_6:
0x86: {  	_ =	swait.ge [sflag:s17], $0x80  }
0x87: {  	[sflag:s17] =	ssyncset.done $0x0  }
0x88: {  	[sflag:s17] =	ssyncadd.s32 $0xFFFFFF80  }
0x89: {  	[spmem:s2] =	stream.indirect.scatter.add.f32 [tilespmem:s9], [sflag:$0xA], $0x80, s18, s29, $0xb8;
	[tilespmem:$0x1E5F8] =	vst v63  }
0x8a: {  	_ = 	snop  }
0x8b: {  	[spmem:s3] =	stream.indirect.scatter.add.f32 [tilespmem:s14], [sflag:$0xB], $0x1, s18, s29, $0xb8;
	[tilespmem:$0x1E5F8] =	vst v63  }
0x8c: {  	_ =	swait.ge [sflag:s26], $0x80  }
0x8d: {  	[sflag:s26] =	ssyncset.done $0x0  }
0x8e: {  	s4 =	simm.s32 $0x0;
	[sflag:s26] =	ssyncadd.s32 $0xFFFFFF80  }
0x8f: {  	[tilespmem:s30], [sflag:$0x2] =	stream.linear.gather [hbm4b:s24+s4], $0x80, $0x38;
	[tilespmem:$0x1E5F8] =	vst v63  }
0x90: {  	_ = 	snop  }
0x91: {  	[tilespmem:s31], [sflag:$0x4] =	stream.linear.gather [hbm4b:s23+s4], $0x80, $0x38;
	[tilespmem:$0x1E5F8] =	vst v63  }
.LBB2_7:
0x92: {  	s22 =	sadd.s32 $0x2, s22  }
0x93: {  	p2 =	sne.s32 s22, $0x51  }
.Ltmp3:
0x94: {  	_ = 	snop;
	(pc) =	sbr.rel @!p2 .LBB2_8-.Ltmp3, $3  }
0x95: {  	_ =	sdelay $0x1  }
0x96: {  	s16 =	sadd.s32 $0x1, s16  }
0x97: {  	s23 =	sadd.s32 $0x20, s23;
	s24 =	sadd.s32 $0x20, s24;
	s25 =	sadd.s32 $0x100, s25  }
.LBB2_2:
0x98: {  	_ =	swait.ge [sflag:s8], $0x80  }
0x99: {  	p2 =	seq.s32 s22, $0x3;
	[sflag:s8] =	ssyncset.done $0x0  }
0x9a: {  	s20 =	simm.s32 @!p2 $0xA;
	[sflag:s8] =	ssyncadd.s32 $0xFFFFFF80  }
0x9b: {  	_ =	swait.ge @!p2 [sflag:s20], $0x4000  }
0x9c: {  	[sflag:s20] =	ssyncset.done @!p2 $0x0  }
0x9d: {  	[sflag:s20] =	ssyncadd.s32 @!p2 $0xFFFFC000  }
0x9e: {  	[tilespmem:s9], [sflag:$0x8] =	stream.indirect.gather [hbm4b:s1+s29], $0x80, s30, s29, $0xb8;
	[tilespmem:$0x1E5F8] =	vst v63  }
0x9f: {  	s20 =	sand.u32 $0x1, s16;
	_ =	swait.ge [sflag:s11], $0x4000  }
0xa0: {  	p2 =	seq.s32 s20, $0x1;
	[sflag:s11] =	ssyncset.done $0x0  }
0xa1: {  	s10 =	simm.s32 @p2 $0x5;
	[sflag:s11] =	ssyncadd.s32 $0xFFFFC000  }
0xa2: {  	_ =	swait.ge @p2 [sflag:s10], $0x80  }
0xa3: {  	s21 =	simm.s32 @p2 $0x13CF8;
	[sflag:s10] =	ssyncset.done @p2 $0x0  }
0xa4: {  	s19 =	simm.s32 @p2 $0x13DF8;
	[sflag:s10] =	ssyncadd.s32 @p2 $0xFFFFFF80;
	s10 =	simm.s32 @p2 $0x80  }
0xa5: {  	[spmem:s2] =	stream.indirect.scatter.add.f32 @p2 [tilespmem:s19], [sflag:$0x9], $0x80, s21, s10, $0xb8;
	[tilespmem:$0x1E5F8] =	vst v63  }
0xa6: {  	s19 =	simm.s32 @p2 $0x1BDF8  }
0xa7: {  	[spmem:s3] =	stream.indirect.scatter.add.f32 @p2 [tilespmem:s19], [sflag:$0xB], $0x1, s21, s10, $0xb8;
	[tilespmem:$0x1E5F8] =	vst v63  }
0xa8: {  	s10 =	simm.s32 @p2 $0xB  }
0xa9: {  	_ =	swait.ge @p2 [sflag:s10], $0x80  }
0xaa: {  	[sflag:s10] =	ssyncset.done @p2 $0x0  }
0xab: {  	[sflag:s10] =	ssyncadd.s32 @p2 $0xFFFFFF80;
	s10 =	sshrl.u32 @p2 s25, $0x3  }
0xac: {  	s4 =	simm.s32 @p2 $0x13AF8;
	s21 =	simm.s32 @p2 $0x0;
	s19 =	sadd.s32 @p2 s5, s10  }
0xad: {  	[tilespmem:s4], [sflag:$0x1] =	stream.linear.gather @p2 [hbm4b:s19+s21], $0x80, $0x38;
	[tilespmem:$0x1E5F8] =	vst v63  }
0xae: {  	s4 =	sadd.s32 @p2 s6, s10;
	s10 =	simm.s32 @p2 $0x13BF8  }
0xaf: {  	[tilespmem:s10], [sflag:$0x3] =	stream.linear.gather @p2 [hbm4b:s4+s21], $0x80, $0x38;
	[tilespmem:$0x1E5F8] =	vst v63  }
0xb0: {  	s4 =	simm.s32 @!p2 $0x3  }
0xb1: {  	_ =	swait.ge @!p2 [sflag:s4], $0x80  }
0xb2: {  	s19 =	simm.s32 @!p2 $0x13DF8;
	[sflag:s4] =	ssyncset.done @!p2 $0x0  }
0xb3: {  	s10 =	simm.s32 @!p2 $0x13BF8;
	[sflag:s4] =	ssyncadd.s32 @!p2 $0xFFFFFF80;
	s4 =	simm.s32 @!p2 $0x80  }
0xb4: {  	[spmem:s2] =	stream.indirect.scatter.add.f32 @!p2 [tilespmem:s19], [sflag:$0x9], $0x80, s10, s4, $0xb8;
	[tilespmem:$0x1E5F8] =	vst v63  }
0xb5: {  	s19 =	simm.s32 @!p2 $0x1BDF8  }
0xb6: {  	[spmem:s3] =	stream.indirect.scatter.add.f32 @!p2 [tilespmem:s19], [sflag:$0xB], $0x1, s10, s4, $0xb8;
	[tilespmem:$0x1E5F8] =	vst v63  }
0xb7: {  	s4 =	simm.s32 @!p2 $0xB  }
0xb8: {  	s10 =	sadd.s32 @!p2 $0xFFFFFFFF, s22;
	_ =	swait.ge @!p2 [sflag:s4], $0x80  }
0xb9: {  	p3 =	sgt.u32 @!p2 s10, $0x4D;
	[sflag:s4] =	ssyncset.done @!p2 $0x0  }
0xba: {  	p3 =	por p3, p2;
	[sflag:s4] =	ssyncadd.s32 @!p2 $0xFFFFFF80;
	p2 =	sne.s32 s22, $0x4F  }
.Ltmp4:
0xbb: {  	s4 =	sshrl.u32 @!p3 s25, $0x3;
	(pc) =	sbr.rel @p2 .LBB2_4-.Ltmp4, $4  }
0xbc: {  	s19 =	simm.s32 @!p3 $0x0;
	s21 =	simm.s32 @!p3 $0x13AF8;
	s10 =	sadd.s32 @!p3 s5, s4  }
0xbd: {  	[tilespmem:s21], [sflag:$0x1] =	stream.linear.gather @!p3 [hbm4b:s10+s19], $0x80, $0x38;
	[tilespmem:$0x1E5F8] =	vst v63  }
0xbe: {  	s4 =	sadd.s32 @!p3 s6, s4;
	s10 =	simm.s32 @!p3 $0x13CF8  }
0xbf: {  	[tilespmem:s10], [sflag:$0x5] =	stream.linear.gather @!p3 [hbm4b:s4+s19], $0x80, $0x38;
	[tilespmem:$0x1E5F8] =	vst v63  }
.Ltmp5:
0xc0: {  	(pc) =	sbr.rel .LBB2_5-.Ltmp5, $4  }
0xc1: {  	_ = 	snop  }
0xc2: {  	_ =	swait.ge [sflag:s12], $0x4000  }
0xc3: {  	[sflag:s12] =	ssyncset.done $0x0  }
0xc4: {  	[sflag:s12] =	ssyncadd.s32 $0xFFFFC000  }
.LBB2_4:
0xc5: {  	_ =	swait.ge [sflag:s0], $0x80  }
0xc6: {  	[sflag:s0] =	ssyncset.done $0x0  }
0xc7: {  	[sflag:s0] =	ssyncadd.s32 $0xFFFFFF80  }
0xc8: {  	_ =	swait.ge [sflag:s15], $0x4000  }
0xc9: {  	p2 =	sne.s32 s20, $0x0;
	[sflag:s15] =	ssyncset.done $0x0  }
.Ltmp6:
0xca: {  	[sflag:s15] =	ssyncadd.s32 $0xFFFFC000;
	(pc) =	sbr.rel @p2 .LBB2_6-.Ltmp6, $4  }
0xcb: {  	[tilespmem:s7], [sflag:$0x7] =	stream.indirect.gather [hbm4b:s1+s29], $0x80, s28, s29, $0xb8;
	[tilespmem:$0x1E5F8] =	vst v63  }
0xcc: {  	_ =	swait.ge [sflag:s12], $0x4000  }
0xcd: {  	[sflag:s12] =	ssyncset.done $0x0  }
0xce: {  	[sflag:s12] =	ssyncadd.s32 $0xFFFFC000  }
.LBB2_5:
0xcf: {  	_ =	swait.ge [sflag:s13], $0x80  }
0xd0: {  	[sflag:s13] =	ssyncset.done $0x0  }
0xd1: {  	[sflag:s13] =	ssyncadd.s32 $0xFFFFFF80  }
0xd2: {  	[spmem:s2] =	stream.indirect.scatter.add.f32 [tilespmem:s9], [sflag:$0xA], $0x80, s31, s29, $0xb8;
	[tilespmem:$0x1E5F8] =	vst v63  }
0xd3: {  	_ = 	snop  }
0xd4: {  	[spmem:s3] =	stream.indirect.scatter.add.f32 [tilespmem:s14], [sflag:$0xB], $0x1, s31, s29, $0xb8;
	[tilespmem:$0x1E5F8] =	vst v63  }
0xd5: {  	_ =	swait.ge [sflag:s26], $0x80  }
.Ltmp7:
0xd6: {  	p2 =	sgt.u32 s22, $0x4D;
	[sflag:s26] =	ssyncset.done $0x0;
	(pc) =	sbr.rel .LBB2_7-.Ltmp7, $4  }
0xd7: {  	s4 =	simm.s32 @!p2 $0x0;
	s10 =	simm.s32 @!p2 $0x13B78;
	[sflag:s26] =	ssyncadd.s32 $0xFFFFFF80  }
0xd8: {  	[tilespmem:s10], [sflag:$0x2] =	stream.linear.gather @!p2 [hbm4b:s24+s4], $0x80, $0x38;
	[tilespmem:$0x1E5F8] =	vst v63  }
0xd9: {  	s10 =	simm.s32 @!p2 $0x13D78  }
0xda: {  	[tilespmem:s10], [sflag:$0x6] =	stream.linear.gather @!p2 [hbm4b:s23+s4], $0x80, $0x38;
	[tilespmem:$0x1E5F8] =	vst v63  }
.LBB2_9:
0xdb: {  	_ =	sfence.sel $0x180000  }
0xdc: {  	[bflag:$0x0] =	sbarrier.arrive $0xFFFF  }
0xdd: {  	_ =	strace $0x90000047  }
0xde: {  	[bflag:$0x2] =	sbarrier.arrive $0xFFFF  }
0xdf: {  	s0 =	rddreg [dreg:$0x4]  }
0xe0: {  	s0 =	sadd.s32 @!p0 $0x100000, s0  }
0xe1: {  	[sflag:s0] =	ssyncadd.tile.s32 @!p0 $0x1;
	_ =	shalt  }
.Lfunc_end2:
_tile_overlayer_lowered:
.L_overlay_start_2:
0xe2: {  	(tag) =	ssettag $0x2  }
0xe3: {  	s0 =	rddreg [dreg:$0x0];
	s2 =	stileid.u32  }
0xe4: {  	s1 =	rddreg [dreg:$0x1];
	p0 =	sne.s32 s2, $0x0  }
0xe5: {  	s3 =	rddreg [dreg:$0x2];
	[bflag:$0x3] =	sbarrier.arrive $0xFFFF;
	s2 =	simm.s32 @!p0 $0x1C0B  }
0xe6: {  	[timem:s3], [sflag:s2] =	dma.local @!p0 [hbm:s0], s1  }
0xe7: {  	s0 =	simm.s32 @!p0 $0xB  }
0xe8: {  	_ =	swait.ge @!p0 [sflag:s0], s1  }
0xe9: {  	s1 =	ssub.s32 @!p0 $0x0, s1;
	[sflag:s0] =	ssyncset.done @!p0 $0x0  }
0xea: {  	[sflag:s0] =	ssyncadd.s32 @!p0 s1  }
0xeb: {  	[bflag:$0x3] =	sbarrier.arrive $0xFFFF  }
0xec: {  	_ =	shalt  }

// kernel: kernel.14.cloned.1.call-start
scs
__scs_entry_jumppad:
0x0: {  	(pc) =	sbr.rel $0x88, $3  }
0x1: {  	(tag) =	ssettag $0x0;
	lr =	simm.s32 $0x1  }
0x2: {  	[smem:$0x3F94] =	sst lr;
	_ =	strace $0xD0000000  }
0x3: {  	_ = 	snop  }
0x4: {  	_ = 	snop  }
0x5: {  	_ = 	snop  }
0x6: {  	_ = 	snop  }
0x7: {  	_ = 	snop  }
__scs_overlays_trampoline_lowered:
0x8: {  	[smem:$0x3FA3] =	sst s0  }
0x9: {  	[smem:$0x3FA4] =	sst s1  }
0xa: {  	[smem:$0x3FA5] =	sst s2  }
0xb: {  	[smem:$0x3FA6] =	sst s3  }
0xc: {  	[smem:$0x3FA7] =	sst s4  }
0xd: {  	[smem:$0x3FA8] =	sst s5  }
0xe: {  	[smem:$0x3FA9] =	sst s6  }
0xf: {  	[smem:$0x3FAA] =	sst s7  }
0x10: {  	[smem:$0x3FAB] =	sst s8  }
0x11: {  	[smem:$0x3FAC] =	sst s9;
	s0 =	simm.s32 @!p0 $0x0  }
0x12: {  	s1 =	sld [smem:$0x3F92];
	s0 =	simm.s32 @p0 $0x1  }
0x13: {  	[smem:$0x3FAD] =	sst s0;
	s0 =	simm.s32 @!p1 $0x0  }
0x14: {  	s2 =	sld [smem:$0x3F91];
	s0 =	simm.s32 @p1 $0x1  }
0x15: {  	[smem:$0x3FAE] =	sst s0;
	s0 =	simm.s32 @!p2 $0x0  }
0x16: {  	s3 =	sld [smem:$0x3FDB];
	s0 =	simm.s32 @p2 $0x1  }
0x17: {  	s4 =	simm.s32 $0x1BF5;
	[smem:$0x3FB0] =	sst s0  }
0x18: {  	s0 =	sld [smem:$0x3F93];
	_ =	swait.ge [sflag:s4], $0x0  }
0x19: {  	s7 =	sld [smem:$0x3F94]  }
0x1a: {  	s8 =	sadd.s32 $0xFFFFE003, lr  }
0x1b: {  	s9 =	sadd.s32 $0xFFFFFEF7, lr;
	s5 =	simm.s32 $0xFFFFFFFF;
	p2 =	slt.u32 s8, $0xFFFFF086  }
0x1c: {  	p1 =	slt.u32 s9, $0xF7A;
	s5 =	simm.s32 @!p2 $0x0  }
0x1d: {  	s5 =	simm.s32 @p1 $0x1;
	p0 =	seq.s32 s7, s2  }
0x1e: {  	s7 =	smul.u32 @!p0 $0xF7A, s2;
	p2 =	seq.s32 @!p0 s5, $0x0  }
0x1f: {  	s9 =	smul.u32 $0xF7A, s1;
	s8 =	simm.s32 @!p0 $0x1BF5;
	p2 =	por !p2, p0  }
0x20: {  	[sflag:s8] =	ssyncset.s32 @!p0 $0xFFFFF086;
	s6 =	sadd.s32 @!p0 s3, s7;
	s7 =	simm.s32 @!p0 $0x108  }
0x21: {  	s3 =	sadd.s32 s3, s9;
	s6 =	sadd.s32 @!p0 $0x88, s6;
	s7 =	simm.s32 @p2 $0x1082  }
0x22: {  	[simem:s7], [sflag:s8] =	dma.local @!p0 [hbm:s6], $0xF7A  }
0x23: {  	s9 =	sor.u32 $0xD0000000, s2;
	s6 =	simm.s32 $0x108;
	_ =	swait.ge @!p0 [sflag:s8], $0x0  }
0x24: {  	s3 =	sadd.s32 $0x88, s3;
	s6 =	simm.s32 @!p1 $0x1082;
	[sflag:s4] =	ssyncset.s32 $0xFFFFF086  }
0x25: {  	[simem:s6], [sflag:s4] =	dma.local [hbm:s3], $0xF7A  }
0x26: {  	[smem:$0x3F94] =	sst s1;
	(tag) =	ssettag s2;
	_ =	strace s9  }
0x27: {  	s1 =	sld [smem:$0x3FA4]  }
0x28: {  	s2 =	sld [smem:$0x3FA5]  }
0x29: {  	s4 =	sld [smem:$0x3FA7]  }
0x2a: {  	p0 =	seq.s32 s5, $0x0;
	s5 =	sld [smem:$0x3FA8]  }
0x2b: {  	s6 =	sld [smem:$0x3FA9]  }
0x2c: {  	s7 =	sld [smem:$0x3FAA]  }
0x2d: {  	s3 =	simm.s32 $0x108;
	s8 =	sld [smem:$0x3FAB]  }
0x2e: {  	s3 =	simm.s32 @!p0 $0x1082;
	s9 =	sld [smem:$0x3FAC]  }
0x2f: {  	lr =	sadd.s32 s0, s3;
	s0 =	sld [smem:$0x3FA3]  }
0x30: {  	s3 =	sld [smem:$0x3FA6]  }
0x31: {  	[smem:$0x3FAF] =	sst s10  }
0x32: {  	s10 =	sld [smem:$0x3FAD];
	_ =	sdelay $0x3  }
0x33: {  	p0 =	seq.s32 s10, $0x1;
	s10 =	sld [smem:$0x3FAF];
	_ =	sdelay $0x3  }
0x34: {  	[smem:$0x3FAF] =	sst s10  }
0x35: {  	s10 =	sld [smem:$0x3FAE];
	_ =	sdelay $0x3  }
0x36: {  	p1 =	seq.s32 s10, $0x1;
	s10 =	sld [smem:$0x3FAF];
	_ =	sdelay $0x3  }
0x37: {  	[smem:$0x3FAF] =	sst s10  }
0x38: {  	s10 =	sld [smem:$0x3FB0]  }
0x39: {  	_ = 	snop;
	(pc) =	sbr.ind lr, $3  }
0x3a: {  	_ = 	snop  }
0x3b: {  	_ = 	snop  }
0x3c: {  	p2 =	seq.s32 s10, $0x1;
	s10 =	sld [smem:$0x3FAF]  }
0x3d: {  	_ =	shalt  }
0x3e: {  	_ =	shalt  }
0x3f: {  	_ =	shalt  }
0x40: {  	_ =	shalt  }
0x41: {  	_ =	shalt  }
0x42: {  	_ =	shalt  }
0x43: {  	_ =	shalt  }
0x44: {  	_ =	shalt  }
0x45: {  	_ =	shalt  }
0x46: {  	_ =	shalt  }
0x47: {  	_ =	shalt  }
0x48: {  	_ =	shalt  }
0x49: {  	_ =	shalt  }
0x4a: {  	_ =	shalt  }
0x4b: {  	_ =	shalt  }
0x4c: {  	_ =	shalt  }
0x4d: {  	_ =	shalt  }
0x4e: {  	_ =	shalt  }
0x4f: {  	_ =	shalt  }
0x50: {  	_ =	shalt  }
0x51: {  	_ =	shalt  }
0x52: {  	_ =	shalt  }
0x53: {  	_ =	shalt  }
0x54: {  	_ =	shalt  }
0x55: {  	_ =	shalt  }
0x56: {  	_ =	shalt  }
0x57: {  	_ =	shalt  }
0x58: {  	_ =	shalt  }
0x59: {  	_ =	shalt  }
0x5a: {  	_ =	shalt  }
0x5b: {  	_ =	shalt  }
0x5c: {  	_ =	shalt  }
0x5d: {  	_ =	shalt  }
0x5e: {  	_ =	shalt  }
0x5f: {  	_ =	shalt  }
0x60: {  	_ =	shalt  }
0x61: {  	_ =	shalt  }
0x62: {  	_ =	shalt  }
0x63: {  	_ =	shalt  }
0x64: {  	_ =	shalt  }
0x65: {  	_ =	shalt  }
0x66: {  	_ =	shalt  }
0x67: {  	_ =	shalt  }
0x68: {  	_ =	shalt  }
0x69: {  	_ =	shalt  }
0x6a: {  	_ =	shalt  }
0x6b: {  	_ =	shalt  }
0x6c: {  	_ =	shalt  }
0x6d: {  	_ =	shalt  }
0x6e: {  	_ =	shalt  }
0x6f: {  	_ =	shalt  }
0x70: {  	_ =	shalt  }
0x71: {  	_ =	shalt  }
0x72: {  	_ =	shalt  }
0x73: {  	_ =	shalt  }
0x74: {  	_ =	shalt  }
0x75: {  	_ =	shalt  }
0x76: {  	_ =	shalt  }
0x77: {  	_ =	shalt  }
0x78: {  	_ =	shalt  }
0x79: {  	_ =	shalt  }
0x7a: {  	_ =	shalt  }
0x7b: {  	_ =	shalt  }
0x7c: {  	_ =	shalt  }
0x7d: {  	_ =	shalt  }
0x7e: {  	_ =	shalt  }
0x7f: {  	_ =	shalt  }
0x80: {  	_ =	shalt  }
0x81: {  	_ =	shalt  }
0x82: {  	_ =	shalt  }
0x83: {  	_ =	shalt  }
0x84: {  	_ =	shalt  }
0x85: {  	_ =	shalt  }
0x86: {  	_ =	shalt  }
0x87: {  	_ =	shalt  }
.Lfunc_end0:
.L_simem_size_0:
called_computation.1_lowered:
.L_overlay_start_0:
0x88: {  	s2 =	sld [smem:$0x3FD9]  }
0x89: {  	s3 =	sld [smem:$0x3FFE];
	_ =	sdelay $0x1  }
0x8a: {  	s1 =	srdreg.scid  }
0x8b: {  	s0 =	sand.u32 $0x1, s1  }
0x8c: {  	s16 =	sshll.u32 s0, $0xA;
	s2 =	sadd.s32 s3, s2  }
0x8d: {  	s2 =	sadd.s32 s2, s16  }
0x8e: {  	[smem:$0x3FBB] =	sst s2  }
0x8f: {  	_ = 	snop  }
0x90: {  	(tm) =	ssettm $0x1  }
0x91: {  	s17 =	sld [smem:$0x3FFB];
	_ =	sdelay $0x3  }
0x92: {  	_ =	strace s17  }
0x93: {  	s2 =	sld [smem:$0x3FFC];
	_ =	sdelay $0x3  }
0x94: {  	_ =	strace s2  }
0x95: {  	s2 =	sld [smem:$0x3FFD];
	_ =	sdelay $0x3  }
0x96: {  	_ =	strace s2  }
0x97: {  	_ =	strace $0x8FFFFFFF  }
0x98: {  	s18 =	sld [smem:$0x3FDB];
	_ =	sdelay $0x1  }
0x99: {  	s19 =	simm.s32 $_scs_section_size  }
0x9a: {  	s4 =	simm.s32 $_size__tile_overlayer_lowered;
	s5 =	simm.s32 $_tile_overlayer_lowered  }
0x9b: {  	s22 =	simm.s32 $0x1BFF;
	s21 =	sshll.u32 s5, $0x1;
	s2 =	sadd.s32 s19, s18  }
0x9c: {  	s6 =	simm.s32 $0x0;
	s20 =	sshll.u32 s4, $0x1;
	s4 =	sadd.s32 s21, s2  }
0x9d: {  	[timem:s6], [sflag:s22] =	dma.local [hbm:s4], s20  }
0x9e: {  	_ =	swait.ge [sflag:s22], s20  }
0x9f: {  	s3 =	ssub.s32 $0x0, s20;
	[sflag:s22] =	ssyncset.done $0x0  }
0xa0: {  	[sflag:s22] =	ssyncadd.s32 s3;
	_ =	sdelay $0x1  }
0xa1: {  	s23 =	simm.s32 $0x1B8B  }
0xa2: {  	_ =	swait.ge [sflag:s23], $0x1  }
0xa3: {  	[sflag:s23] =	ssyncset.done $0x0  }
0xa4: {  	s25 =	simm.s32 $0x1B8E;
	s24 =	sld [smem:$0x3FFE];
	[sflag:s23] =	ssyncadd.s32 $0xFFFFFFFF  }
0xa5: {  	s26 =	simm.s32 $execute0_lowered;
	[smem:$0x3FD2] =	sst s25  }
0xa6: {  	s4 =	sshll.u32 s26, $0x1;
	_ =	strace $0x80000049;
	[dreg:$0x1] =	wrdreg $0xFFFFFFFF  }
0xa7: {  	s28 =	simm.s32 $_size_execute0_lowered;
	s2 =	sadd.s32 s2, s4;
	[dreg:$0x0] =	wrdreg $0x0  }
0xa8: {  	s4 =	sshll.u32 s28, $0x1;
	[dreg:$0x2] =	wrdreg s2  }
0xa9: {  	[dreg:$0x3] =	wrdreg s4  }
0xaa: {  	[dreg:$0x4] =	wrdreg $0xC0  }
0xab: {  	_ =	task [dreg:s6], $0x5FFFF  }
0xac: {  	[dreg:$0x1] =	wrdreg $0xFFFFFFFF  }
0xad: {  	[dreg:$0x0] =	wrdreg $0x60  }
0xae: {  	[dreg:$0x2] =	wrdreg s24  }
0xaf: {  	[dreg:$0x3] =	wrdreg $0x0  }
0xb0: {  	[dreg:$0x4] =	wrdreg $0x9  }
0xb1: {  	_ =	task.clear_ibuf [dreg:s6], $0x5FFFF;
	_ =	strace $0x90000049  }
0xb2: {  	s29 =	simm.s32 $0x9;
	_ =	strace $0x8000004B  }
0xb3: {  	_ =	swait.ge [sflag:s29], $0x1  }
0xb4: {  	[sflag:s29] =	ssyncadd.s32 $0xFFFFFFFF  }
0xb5: {  	_ =	strace $0x9000004B  }
0xb6: {  	_ =	sfence  }
0xb7: {  	s30 =	sld [smem:$0x0];
	_ =	sdelay $0x2  }
0xb8: {  	s31 =	sshll.u32 s1, $0xD;
	s1 =	sshrl.u32 s1, $0x2  }
0xb9: {  	s3 =	sand.u32 $0x4000, s31;
	s1 =	sadd.s32 s1, s30  }
0xba: {  	s0 =	sor.u32 s3, s0;
	s1 =	sshll.u32 s1, $0x11  }
0xbb: {  	s0 =	sor.u32 s1, s0  }
0xbc: {  	s0 =	sadd.s32 $0x8F2B, s0  }
0xbd: {  	[sflag:s0] =	ssyncadd.remote.s32 $0x1  }
0xbe: {  	_ =	sfence.sel $0xFFFF  }
0xbf: {  	[dreg:$0x0] =	wrdreg $0xFFFFFFFF;
	(pc) =	sbr.abs _section_cstart, $3  }
0xc0: {  	[dreg:$0x1] =	wrdreg $0xFFFFFFFF  }
0xc1: {  	_ =	task.clear_ibuf [dreg:s6], $0x2FFFF;
	_ =	strace $0x9FFFFFFF  }
0xc2: {  	(tm) =	ssettm $0x7FFFFFFF  }
0xc3: {  	_ =	shalt  }
tec
execute0_lowered:
.L_overlay_start_1:
0x0: {  	(tag) =	ssettag $0x1  }
0x1: {  	s0 =	rddreg [dreg:$0x0]  }
0x2: {  	s1 =	rddreg [dreg:$0x1];
	s2 =	simm.s32 $0x0  }
0x3: {  	s6 =	stileid.u32;
	s5 =	srdreg.scid;
	s28 =	simm.s32 $0x13A00  }
0x4: {  	s29 =	simm.s32 $0x1;
	s30 =	simm.s32 $0x80;
	s31 =	simm.s32 $0x13B80  }
0x5: {  	[smem:$0x7FF] =	sst s2;
	s7 =	smul.u32 $0x2700, s6;
	s3 =	sadd.s32 $0x3E800, s0  }
0x6: {  	s4 =	sadd.s32 $0xD800, s0;
	s9 =	sand.u32 $0x1, s5;
	s5 =	sadd.s32 $0x3A00, s0  }
0x7: {  	s12 =	sshll.u32 s6, $0x1;
	s13 =	smul.u32 $0x4E000, s6;
	s14 =	sadd.s32 $0x65A00, s0  }
0x8: {  	s18 =	sshll.u32 s6, $0x6;
	s19 =	sadd.s32 $0x138000, s1;
	s24 =	smul.u32 $0x4E00, s6  }
0x9: {  	p0 =	sne.s32 s6, $0x0;
	p1 =	sgt.u32 s6, $0x1;
	s6 =	simm.s32 $0x7  }
0xa: {  	_ =	strace $0x8000004A;
	s10 =	ssub.s32 $0x2, s9;
	s23 =	smul.u32 $0x138800, s9  }
0xb: {  	s16 =	sor.u32 s9, s12;
	[dreg:$0x6] =	wrdreg s19;
	s26 =	smul.u32 $0x2700, s9  }
0xc: {  	s9 =	smul.u32 $0x27100, s9;
	s8 =	sadd.s32 s7, s0;
	s11 =	sshrl.u32 s10, $0x1  }
0xd: {  	s17 =	sshrl.u32 s13, $0x2;
	s15 =	smul.u32 $0x2700, s16;
	s0 =	sadd.s32 $0x3E600, s0  }
0xe: {  	s13 =	simm.s32 $0x13B00;
	s10 =	ssub.s32 s10, s11;
	s12 =	sadd.s32 s17, s1  }
0xf: {  	s8 =	sadd.s32 $0x17600, s8;
	s17 =	sor.u32 $0x1C0B, s18;
	[dreg:$0x7] =	wrdreg s0  }
0x10: {  	s11 =	sshll.u32 s16, $0x4;
	s18 =	sshrl.u32 s23, $0x3;
	[dreg:$0x3] =	wrdreg s12  }
0x11: {  	s19 =	sadd.s32 s26, s24;
	[dreg:$0x4] =	wrdreg s8;
	s20 =	sshrl.u32 s15, $0x3  }
0x12: {  	s11 =	sor.u32 $0x9C00, s11;
	s24 =	smax.u32 s10, $0x1;
	[dreg:$0x5] =	wrdreg s17  }
0x13: {  	s26 =	sadd.s32 $0x100, s19;
	s15 =	simm.s32 $0xB;
	[dreg:$0x10] =	wrdreg s24  }
0x14: {  	s10 =	simm.s32 $0x9;
	s21 =	sadd.s32 s4, s20;
	[dreg:$0x13] =	wrdreg s26  }
0x15: {  	s12 =	simm.s32 $0x6;
	s22 =	sadd.s32 s5, s20;
	[dreg:$0x8] =	wrdreg s21  }
0x16: {  	s0 =	sor.u32 $0x10, s20;
	s8 =	sadd.s32 s4, s11;
	[dreg:$0x9] =	wrdreg s22  }
0x17: {  	s16 =	sadd.s32 s5, s11;
	s20 =	sadd.s32 s14, s18;
	[dreg:$0xc] =	wrdreg s8  }
0x18: {  	s24 =	simm.s32 $0x13880;
	s25 =	sadd.s32 s4, s0;
	[dreg:$0xd] =	wrdreg s16  }
0x19: {  	s26 =	simm.s32 $0x13900;
	s0 =	sadd.s32 s5, s0;
	[dreg:$0xa] =	wrdreg s25  }
0x1a: {  	s21 =	sadd.s32 $0x180, s19;
	s22 =	sadd.s32 $0x27000, s20;
	[dreg:$0xb] =	wrdreg s0  }
.Ltmp0:
0x1b: {  	s0 =	sadd.s32 s7, s9;
	[dreg:$0xf] =	wrdreg s22;
	(pc) =	sbr.rel .LBB2_1-.Ltmp0, $4  }
0x1c: {  	s23 =	sshrl.u32 s21, $0x3;
	s7 =	simm.s32 $0x8;
	s0 =	sadd.s32 s14, s0  }
0x1d: {  	s9 =	simm.s32 $0x4;
	s25 =	sadd.s32 s23, s5;
	[dreg:$0xe] =	wrdreg s0  }
0x1e: {  	s14 =	simm.s32 $0x0;
	[dreg:$0x11] =	wrdreg s25;
	s0 =	sadd.s32 s23, s4  }
0x1f: {  	s25 =	simm.s32 $0x17B80;
	[dreg:$0x12] =	wrdreg s0;
	s0 =	simm.s32 $0x2  }
.LBB2_8:
0x20: {  	_ =	swait.ge [sflag:s10], $0x4000  }
0x21: {  	[sflag:s10] =	ssyncset.done $0x0  }
0x22: {  	s8 =	simm.s32 $0xA;
	[sflag:s10] =	ssyncadd.s32 $0xFFFFC000  }
0x23: {  	_ =	swait.ge [sflag:s8], $0x4000  }
0x24: {  	s11 =	simm.s32 @!p1 $0x13880;
	[sflag:s8] =	ssyncset.done $0x0  }
0x25: {  	s15 =	rddreg [dreg:$0xc];
	[sflag:s8] =	ssyncadd.s32 $0xFFFFC000;
	s8 =	simm.s32 @!p1 $0x0  }
0x26: {  	[tilespmem:s11], [sflag:$0xB] =	stream.linear.gather @!p1 [hbm4b:s15+s8], $0x80, $0x38;
	[tilespmem:$0x1BB80] =	vst v63  }
0x27: {  	s15 =	simm.s32 @!p1 $0xB  }
0x28: {  	_ =	swait.ge @!p1 [sflag:s15], $0x80  }
0x29: {  	[sflag:s15] =	ssyncset.done @!p1 $0x0  }
0x2a: {  	s17 =	simm.s32 @!p1 $0x80;
	s18 =	simm.s32 @!p1 $0x13B80;
	[sflag:s15] =	ssyncadd.s32 @!p1 $0xFFFFFF80  }
0x2b: {  	[tilespmem:s18], [sflag:$0x7] =	stream.indirect.gather @!p1 [hbm4b:s3+s17], $0x80, s11, s17, $0xb8;
	[tilespmem:$0x1BB80] =	vst v63  }
0x2c: {  	s11 =	simm.s32 @!p1 $0x7  }
0x2d: {  	_ =	swait.ge @!p1 [sflag:s11], $0x4000  }
0x2e: {  	[sflag:s11] =	ssyncset.done @!p1 $0x0  }
0x2f: {  	s19 =	rddreg [dreg:$0xd];
	[sflag:s11] =	ssyncadd.s32 @!p1 $0xFFFFC000;
	s11 =	simm.s32 @!p1 $0x13980  }
0x30: {  	[tilespmem:s11], [sflag:$0xB] =	stream.linear.gather @!p1 [hbm4b:s19+s8], $0x80, $0x38;
	[tilespmem:$0x1BB80] =	vst v63  }
0x31: {  	_ =	swait.ge @!p1 [sflag:s15], $0x80  }
0x32: {  	[sflag:s15] =	ssyncset.done @!p1 $0x0  }
0x33: {  	[sflag:s15] =	ssyncadd.s32 @!p1 $0xFFFFFF80  }
0x34: {  	[spmem:s1] =	stream.indirect.scatter.add.f32 @!p1 [tilespmem:s18], [sflag:$0xB], $0x80, s11, s17, $0xb8;
	[tilespmem:$0x1BB80] =	vst v63  }
0x35: {  	_ =	swait.ge @!p1 [sflag:s15], $0x4000  }
0x36: {  	[sflag:s15] =	ssyncset.done @!p1 $0x0  }
0x37: {  	[sflag:s15] =	ssyncadd.s32 @!p1 $0xFFFFC000  }
0x38: {  	[bflag:$0x0] =	sbarrier.arrive $0xFFFF  }
0x39: {  	s17 =	rddreg [dreg:$0x5]  }
0x3a: {  	s21 =	rddreg [dreg:$0xe]  }
0x3b: {  	s15 =	simm.s32 $0xB;
	s22 =	rddreg [dreg:$0x14]  }
0x3c: {  	[hbm:s21], [sflag:s17] =	dma.local [spmem:s22], $0x2700  }
0x3d: {  	_ =	swait.ge [sflag:s15], $0x2700  }
0x3e: {  	[sflag:s15] =	ssyncset.done $0x0  }
0x3f: {  	s8 =	rddreg [dreg:$0xf];
	[sflag:s15] =	ssyncadd.s32 $0xFFFFD900  }
0x40: {  	[hbm:s8], [sflag:s17] =	dma.local @!p0 [spmem:s16], $0x100  }
0x41: {  	s8 =	simm.s32 @!p0 $0xB  }
0x42: {  	_ =	swait.ge @!p0 [sflag:s8], $0x100  }
0x43: {  	s14 =	sadd.s32 $0x1, s14;
	s23 =	rddreg [dreg:$0x10]  }
0x44: {  	p2 =	sne.s32 s14, s23  }
.Ltmp1:
0x45: {  	_ = 	snop;
	(pc) =	sbr.rel @!p2 .LBB2_9-.Ltmp1, $3  }
0x46: {  	_ =	sdelay $0x1  }
0x47: {  	[sflag:s8] =	ssyncset.done @!p0 $0x0  }
0x48: {  	[sflag:s8] =	ssyncadd.s32 @!p0 $0xFFFFFF00  }
.LBB2_1:
0x49: {  	s8 =	rddreg [dreg:$0x3]  }
0x4a: {  	s18 =	rddreg [dreg:$0x4];
	s11 =	sshrl.u32 s8, $0x3  }
0x4b: {  	[dreg:$0x14] =	wrdreg s11  }
0x4c: {  	[spmem:s11], [sflag:s17] =	dma.local [hbm:s18], $0x2700  }
0x4d: {  	_ =	swait.ge [sflag:s15], $0x2700  }
0x4e: {  	[sflag:s15] =	ssyncset.done $0x0;
	s8 =	rddreg [dreg:$0x6]  }
0x4f: {  	[sflag:s15] =	ssyncadd.s32 $0xFFFFD900;
	s16 =	sshrl.u32 @!p0 s8, $0x3;
	s8 =	rddreg [dreg:$0x7]  }
0x50: {  	[spmem:s16], [sflag:s17] =	dma.local @!p0 [hbm:s8], $0x100  }
0x51: {  	s17 =	simm.s32 @!p0 $0xB  }
0x52: {  	_ =	swait.ge @!p0 [sflag:s17], $0x100  }
0x53: {  	[sflag:s17] =	ssyncset.done @!p0 $0x0  }
0x54: {  	[sflag:s17] =	ssyncadd.s32 @!p0 $0xFFFFFF00  }
0x55: {  	[bflag:$0x0] =	sbarrier.arrive $0xFFFF  }
0x56: {  	s19 =	rddreg [dreg:$0x8]  }
0x57: {  	[tilespmem:s24], [sflag:$0x1] =	stream.linear.gather [hbm4b:s19+s2], $0x80, $0x38;
	[tilespmem:$0x1BB80] =	vst v63  }
0x58: {  	s21 =	simm.s32 $0x13980;
	s20 =	rddreg [dreg:$0x9]  }
0x59: {  	[tilespmem:s21], [sflag:$0x3] =	stream.linear.gather [hbm4b:s20+s2], $0x80, $0x38;
	[tilespmem:$0x1BB80] =	vst v63  }
0x5a: {  	s22 =	rddreg [dreg:$0xa]  }
0x5b: {  	[tilespmem:s26], [sflag:$0x2] =	stream.linear.gather [hbm4b:s22+s2], $0x80, $0x38;
	[tilespmem:$0x1BB80] =	vst v63  }
0x5c: {  	s23 =	rddreg [dreg:$0xb]  }
0x5d: {  	[tilespmem:s28], [sflag:$0x4] =	stream.linear.gather [hbm4b:s23+s2], $0x80, $0x38;
	[tilespmem:$0x1BB80] =	vst v63  }
.Ltmp2:
0x5e: {  	_ =	swait.ge [sflag:s29], $0x80;
	(pc) =	sbr.rel .LBB2_2-.Ltmp2, $4  }
0x5f: {  	s22 =	rddreg [dreg:$0x13]  }
0x60: {  	s17 =	simm.s32 $0x3;
	[sflag:s29] =	ssyncset.done $0x0;
	s21 =	rddreg [dreg:$0x12]  }
0x61: {  	s19 =	simm.s32 $0x0;
	s20 =	rddreg [dreg:$0x11];
	[sflag:s29] =	ssyncadd.s32 $0xFFFFFF80  }
0x62: {  	[tilespmem:s31], [sflag:$0x7] =	stream.indirect.gather [hbm4b:s3+s30], $0x80, s24, s30, $0xb8;
	[tilespmem:$0x1BB80] =	vst v63  }
.LBB2_6:
0x63: {  	_ =	swait.ge [sflag:s12], $0x80  }
0x64: {  	[sflag:s12] =	ssyncset.done $0x0  }
0x65: {  	[sflag:s12] =	ssyncadd.s32 $0xFFFFFF80  }
0x66: {  	[spmem:s1] =	stream.indirect.scatter.add.f32 [tilespmem:s25], [sflag:$0xA], $0x80, s13, s30, $0xb8;
	[tilespmem:$0x1BB80] =	vst v63  }
0x67: {  	_ = 	snop  }
0x68: {  	[tilespmem:s26], [sflag:$0x2] =	stream.linear.gather [hbm4b:s21+s2], $0x80, $0x38;
	[tilespmem:$0x1BB80] =	vst v63  }
0x69: {  	_ = 	snop  }
0x6a: {  	[tilespmem:s28], [sflag:$0x4] =	stream.linear.gather [hbm4b:s20+s2], $0x80, $0x38;
	[tilespmem:$0x1BB80] =	vst v63  }
.LBB2_7:
0x6b: {  	s17 =	sadd.s32 $0x2, s17  }
0x6c: {  	p2 =	sne.s32 s17, $0x51  }
.Ltmp3:
0x6d: {  	_ = 	snop;
	(pc) =	sbr.rel @!p2 .LBB2_8-.Ltmp3, $3  }
0x6e: {  	_ =	sdelay $0x1  }
0x6f: {  	s19 =	sadd.s32 $0x1, s19  }
0x70: {  	s20 =	sadd.s32 $0x20, s20;
	s21 =	sadd.s32 $0x20, s21;
	s22 =	sadd.s32 $0x100, s22  }
.LBB2_2:
0x71: {  	_ =	swait.ge [sflag:s0], $0x80  }
0x72: {  	p2 =	seq.s32 s17, $0x3;
	[sflag:s0] =	ssyncset.done $0x0  }
0x73: {  	s18 =	simm.s32 @!p2 $0xA;
	[sflag:s0] =	ssyncadd.s32 $0xFFFFFF80  }
0x74: {  	_ =	swait.ge @!p2 [sflag:s18], $0x4000  }
0x75: {  	[sflag:s18] =	ssyncset.done @!p2 $0x0  }
0x76: {  	[sflag:s18] =	ssyncadd.s32 @!p2 $0xFFFFC000  }
0x77: {  	[tilespmem:s25], [sflag:$0x8] =	stream.indirect.gather [hbm4b:s3+s30], $0x80, s26, s30, $0xb8;
	[tilespmem:$0x1BB80] =	vst v63  }
0x78: {  	s18 =	sand.u32 $0x1, s19;
	_ =	swait.ge [sflag:s6], $0x4000  }
0x79: {  	p2 =	seq.s32 s18, $0x1;
	[sflag:s6] =	ssyncset.done $0x0  }
0x7a: {  	s11 =	simm.s32 @p2 $0x5;
	[sflag:s6] =	ssyncadd.s32 $0xFFFFC000  }
0x7b: {  	_ =	swait.ge @p2 [sflag:s11], $0x80  }
0x7c: {  	s23 =	simm.s32 @p2 $0x13A80;
	[sflag:s11] =	ssyncset.done @p2 $0x0  }
0x7d: {  	s8 =	simm.s32 @p2 $0x13B80;
	[sflag:s11] =	ssyncadd.s32 @p2 $0xFFFFFF80;
	s11 =	simm.s32 @p2 $0x80  }
0x7e: {  	[spmem:s1] =	stream.indirect.scatter.add.f32 @p2 [tilespmem:s8], [sflag:$0x9], $0x80, s23, s11, $0xb8;
	[tilespmem:$0x1BB80] =	vst v63  }
0x7f: {  	s8 =	sshrl.u32 @p2 s22, $0x3  }
0x80: {  	s15 =	simm.s32 @p2 $0x13880;
	s23 =	simm.s32 @p2 $0x0;
	s11 =	sadd.s32 @p2 s4, s8  }
0x81: {  	[tilespmem:s15], [sflag:$0x1] =	stream.linear.gather @p2 [hbm4b:s11+s23], $0x80, $0x38;
	[tilespmem:$0x1BB80] =	vst v63  }
0x82: {  	s8 =	sadd.s32 @p2 s5, s8;
	s11 =	simm.s32 @p2 $0x13980  }
0x83: {  	[tilespmem:s11], [sflag:$0x3] =	stream.linear.gather @p2 [hbm4b:s8+s23], $0x80, $0x38;
	[tilespmem:$0x1BB80] =	vst v63  }
0x84: {  	s8 =	simm.s32 @!p2 $0x3  }
0x85: {  	_ =	swait.ge @!p2 [sflag:s8], $0x80  }
0x86: {  	s15 =	simm.s32 @!p2 $0x13B80;
	[sflag:s8] =	ssyncset.done @!p2 $0x0  }
0x87: {  	s11 =	simm.s32 @!p2 $0x13980;
	[sflag:s8] =	ssyncadd.s32 @!p2 $0xFFFFFF80;
	s8 =	simm.s32 @!p2 $0x80  }
0x88: {  	[spmem:s1] =	stream.indirect.scatter.add.f32 @!p2 [tilespmem:s15], [sflag:$0x9], $0x80, s11, s8, $0xb8;
	[tilespmem:$0x1BB80] =	vst v63  }
0x89: {  	s8 =	sadd.s32 @!p2 $0xFFFFFFFF, s17  }
0x8a: {  	p3 =	sgt.u32 @!p2 s8, $0x4D  }
0x8b: {  	p2 =	por p3, p2  }
0x8c: {  	s8 =	sshrl.u32 @!p2 s22, $0x3  }
0x8d: {  	s15 =	simm.s32 @!p2 $0x0;
	s23 =	simm.s32 @!p2 $0x13880;
	s11 =	sadd.s32 @!p2 s4, s8  }
0x8e: {  	[tilespmem:s23], [sflag:$0x1] =	stream.linear.gather @!p2 [hbm4b:s11+s15], $0x80, $0x38;
	[tilespmem:$0x1BB80] =	vst v63  }
0x8f: {  	s8 =	sadd.s32 @!p2 s5, s8;
	s11 =	simm.s32 @!p2 $0x13A80  }
0x90: {  	[tilespmem:s11], [sflag:$0x5] =	stream.linear.gather @!p2 [hbm4b:s8+s15], $0x80, $0x38;
	[tilespmem:$0x1BB80] =	vst v63  }
0x91: {  	p2 =	sne.s32 s17, $0x4F  }
.Ltmp4:
0x92: {  	_ = 	snop;
	(pc) =	sbr.rel @p2 .LBB2_4-.Ltmp4, $1  }
0x93: {  	_ =	sdelay $0x3  }
.Ltmp5:
0x94: {  	(pc) =	sbr.rel .LBB2_5-.Ltmp5, $4  }
0x95: {  	_ = 	snop  }
0x96: {  	_ =	swait.ge [sflag:s7], $0x4000  }
0x97: {  	[sflag:s7] =	ssyncset.done $0x0  }
0x98: {  	[sflag:s7] =	ssyncadd.s32 $0xFFFFC000  }
.LBB2_4:
0x99: {  	_ =	swait.ge [sflag:s29], $0x80  }
0x9a: {  	[sflag:s29] =	ssyncset.done $0x0  }
0x9b: {  	[sflag:s29] =	ssyncadd.s32 $0xFFFFFF80  }
0x9c: {  	_ =	swait.ge [sflag:s10], $0x4000  }
0x9d: {  	p2 =	sne.s32 s18, $0x0;
	[sflag:s10] =	ssyncset.done $0x0  }
.Ltmp6:
0x9e: {  	[sflag:s10] =	ssyncadd.s32 $0xFFFFC000;
	(pc) =	sbr.rel @p2 .LBB2_6-.Ltmp6, $4  }
0x9f: {  	[tilespmem:s31], [sflag:$0x7] =	stream.indirect.gather [hbm4b:s3+s30], $0x80, s24, s30, $0xb8;
	[tilespmem:$0x1BB80] =	vst v63  }
0xa0: {  	_ =	swait.ge [sflag:s7], $0x4000  }
0xa1: {  	[sflag:s7] =	ssyncset.done $0x0  }
0xa2: {  	[sflag:s7] =	ssyncadd.s32 $0xFFFFC000  }
.LBB2_5:
0xa3: {  	_ =	swait.ge [sflag:s9], $0x80  }
0xa4: {  	[sflag:s9] =	ssyncset.done $0x0  }
0xa5: {  	[sflag:s9] =	ssyncadd.s32 $0xFFFFFF80  }
0xa6: {  	[spmem:s1] =	stream.indirect.scatter.add.f32 [tilespmem:s25], [sflag:$0xA], $0x80, s28, s30, $0xb8;
	[tilespmem:$0x1BB80] =	vst v63  }
.Ltmp7:
0xa7: {  	p2 =	sgt.u32 s17, $0x4D;
	(pc) =	sbr.rel .LBB2_7-.Ltmp7, $4  }
0xa8: {  	s8 =	simm.s32 @!p2 $0x0;
	s11 =	simm.s32 @!p2 $0x13900  }
0xa9: {  	[tilespmem:s11], [sflag:$0x2] =	stream.linear.gather @!p2 [hbm4b:s21+s8], $0x80, $0x38;
	[tilespmem:$0x1BB80] =	vst v63  }
0xaa: {  	s11 =	simm.s32 @!p2 $0x13B00  }
0xab: {  	[tilespmem:s11], [sflag:$0x6] =	stream.linear.gather @!p2 [hbm4b:s20+s8], $0x80, $0x38;
	[tilespmem:$0x1BB80] =	vst v63  }
.LBB2_9:
0xac: {  	_ =	sfence.sel $0x180000  }
0xad: {  	[bflag:$0x0] =	sbarrier.arrive $0xFFFF  }
0xae: {  	_ =	strace $0x9000004A  }
0xaf: {  	[bflag:$0x2] =	sbarrier.arrive $0xFFFF  }
0xb0: {  	s0 =	rddreg [dreg:$0x2]  }
0xb1: {  	s0 =	sadd.s32 @!p0 $0x100000, s0  }
0xb2: {  	[sflag:s0] =	ssyncadd.tile.s32 @!p0 $0x1;
	_ =	shalt  }
.Lfunc_end2:
_tile_overlayer_lowered:
.L_overlay_start_2:
0xb3: {  	(tag) =	ssettag $0x2  }
0xb4: {  	s0 =	rddreg [dreg:$0x0];
	s2 =	stileid.u32  }
0xb5: {  	s1 =	rddreg [dreg:$0x1];
	p0 =	sne.s32 s2, $0x0  }
0xb6: {  	s3 =	rddreg [dreg:$0x2];
	[bflag:$0x3] =	sbarrier.arrive $0xFFFF;
	s2 =	simm.s32 @!p0 $0x1C0B  }
0xb7: {  	[timem:s3], [sflag:s2] =	dma.local @!p0 [hbm:s0], s1  }
0xb8: {  	s0 =	simm.s32 @!p0 $0xB  }
0xb9: {  	_ =	swait.ge @!p0 [sflag:s0], s1  }
0xba: {  	s1 =	ssub.s32 @!p0 $0x0, s1;
	[sflag:s0] =	ssyncset.done @!p0 $0x0  }
0xbb: {  	[sflag:s0] =	ssyncadd.s32 @!p0 s1  }
0xbc: {  	[bflag:$0x3] =	sbarrier.arrive $0xFFFF  }
0xbd: {  	_ =	shalt  }

// kernel: kernel.17.cloned.1.call-start
scs
__scs_entry_jumppad:
0x0: {  	(pc) =	sbr.rel $0x88, $3  }
0x1: {  	(tag) =	ssettag $0x0;
	lr =	simm.s32 $0x1  }
0x2: {  	[smem:$0x3F94] =	sst lr;
	_ =	strace $0xD0000000  }
0x3: {  	_ = 	snop  }
0x4: {  	_ = 	snop  }
0x5: {  	_ = 	snop  }
0x6: {  	_ = 	snop  }
0x7: {  	_ = 	snop  }
__scs_overlays_trampoline_lowered:
0x8: {  	[smem:$0x3FA3] =	sst s0  }
0x9: {  	[smem:$0x3FA4] =	sst s1  }
0xa: {  	[smem:$0x3FA5] =	sst s2  }
0xb: {  	[smem:$0x3FA6] =	sst s3  }
0xc: {  	[smem:$0x3FA7] =	sst s4  }
0xd: {  	[smem:$0x3FA8] =	sst s5  }
0xe: {  	[smem:$0x3FA9] =	sst s6  }
0xf: {  	[smem:$0x3FAA] =	sst s7  }
0x10: {  	[smem:$0x3FAB] =	sst s8  }
0x11: {  	[smem:$0x3FAC] =	sst s9;
	s0 =	simm.s32 @!p0 $0x0  }
0x12: {  	s1 =	sld [smem:$0x3F92];
	s0 =	simm.s32 @p0 $0x1  }
0x13: {  	[smem:$0x3FAD] =	sst s0;
	s0 =	simm.s32 @!p1 $0x0  }
0x14: {  	s2 =	sld [smem:$0x3F91];
	s0 =	simm.s32 @p1 $0x1  }
0x15: {  	[smem:$0x3FAE] =	sst s0;
	s0 =	simm.s32 @!p2 $0x0  }
0x16: {  	s3 =	sld [smem:$0x3FDB];
	s0 =	simm.s32 @p2 $0x1  }
0x17: {  	s4 =	simm.s32 $0x1BF5;
	[smem:$0x3FB0] =	sst s0  }
0x18: {  	s0 =	sld [smem:$0x3F93];
	_ =	swait.ge [sflag:s4], $0x0  }
0x19: {  	s7 =	sld [smem:$0x3F94]  }
0x1a: {  	s8 =	sadd.s32 $0xFFFFE003, lr  }
0x1b: {  	s9 =	sadd.s32 $0xFFFFFEF7, lr;
	s5 =	simm.s32 $0xFFFFFFFF;
	p2 =	slt.u32 s8, $0xFFFFF086  }
0x1c: {  	p1 =	slt.u32 s9, $0xF7A;
	s5 =	simm.s32 @!p2 $0x0  }
0x1d: {  	s5 =	simm.s32 @p1 $0x1;
	p0 =	seq.s32 s7, s2  }
0x1e: {  	s7 =	smul.u32 @!p0 $0xF7A, s2;
	p2 =	seq.s32 @!p0 s5, $0x0  }
0x1f: {  	s9 =	smul.u32 $0xF7A, s1;
	s8 =	simm.s32 @!p0 $0x1BF5;
	p2 =	por !p2, p0  }
0x20: {  	[sflag:s8] =	ssyncset.s32 @!p0 $0xFFFFF086;
	s6 =	sadd.s32 @!p0 s3, s7;
	s7 =	simm.s32 @!p0 $0x108  }
0x21: {  	s3 =	sadd.s32 s3, s9;
	s6 =	sadd.s32 @!p0 $0x88, s6;
	s7 =	simm.s32 @p2 $0x1082  }
0x22: {  	[simem:s7], [sflag:s8] =	dma.local @!p0 [hbm:s6], $0xF7A  }
0x23: {  	s9 =	sor.u32 $0xD0000000, s2;
	s6 =	simm.s32 $0x108;
	_ =	swait.ge @!p0 [sflag:s8], $0x0  }
0x24: {  	s3 =	sadd.s32 $0x88, s3;
	s6 =	simm.s32 @!p1 $0x1082;
	[sflag:s4] =	ssyncset.s32 $0xFFFFF086  }
0x25: {  	[simem:s6], [sflag:s4] =	dma.local [hbm:s3], $0xF7A  }
0x26: {  	[smem:$0x3F94] =	sst s1;
	(tag) =	ssettag s2;
	_ =	strace s9  }
0x27: {  	s1 =	sld [smem:$0x3FA4]  }
0x28: {  	s2 =	sld [smem:$0x3FA5]  }
0x29: {  	s4 =	sld [smem:$0x3FA7]  }
0x2a: {  	p0 =	seq.s32 s5, $0x0;
	s5 =	sld [smem:$0x3FA8]  }
0x2b: {  	s6 =	sld [smem:$0x3FA9]  }
0x2c: {  	s7 =	sld [smem:$0x3FAA]  }
0x2d: {  	s3 =	simm.s32 $0x108;
	s8 =	sld [smem:$0x3FAB]  }
0x2e: {  	s3 =	simm.s32 @!p0 $0x1082;
	s9 =	sld [smem:$0x3FAC]  }
0x2f: {  	lr =	sadd.s32 s0, s3;
	s0 =	sld [smem:$0x3FA3]  }
0x30: {  	s3 =	sld [smem:$0x3FA6]  }
0x31: {  	[smem:$0x3FAF] =	sst s10  }
0x32: {  	s10 =	sld [smem:$0x3FAD];
	_ =	sdelay $0x3  }
0x33: {  	p0 =	seq.s32 s10, $0x1;
	s10 =	sld [smem:$0x3FAF];
	_ =	sdelay $0x3  }
0x34: {  	[smem:$0x3FAF] =	sst s10  }
0x35: {  	s10 =	sld [smem:$0x3FAE];
	_ =	sdelay $0x3  }
0x36: {  	p1 =	seq.s32 s10, $0x1;
	s10 =	sld [smem:$0x3FAF];
	_ =	sdelay $0x3  }
0x37: {  	[smem:$0x3FAF] =	sst s10  }
0x38: {  	s10 =	sld [smem:$0x3FB0]  }
0x39: {  	_ = 	snop;
	(pc) =	sbr.ind lr, $3  }
0x3a: {  	_ = 	snop  }
0x3b: {  	_ = 	snop  }
0x3c: {  	p2 =	seq.s32 s10, $0x1;
	s10 =	sld [smem:$0x3FAF]  }
0x3d: {  	_ =	shalt  }
0x3e: {  	_ =	shalt  }
0x3f: {  	_ =	shalt  }
0x40: {  	_ =	shalt  }
0x41: {  	_ =	shalt  }
0x42: {  	_ =	shalt  }
0x43: {  	_ =	shalt  }
0x44: {  	_ =	shalt  }
0x45: {  	_ =	shalt  }
0x46: {  	_ =	shalt  }
0x47: {  	_ =	shalt  }
0x48: {  	_ =	shalt  }
0x49: {  	_ =	shalt  }
0x4a: {  	_ =	shalt  }
0x4b: {  	_ =	shalt  }
0x4c: {  	_ =	shalt  }
0x4d: {  	_ =	shalt  }
0x4e: {  	_ =	shalt  }
0x4f: {  	_ =	shalt  }
0x50: {  	_ =	shalt  }
0x51: {  	_ =	shalt  }
0x52: {  	_ =	shalt  }
0x53: {  	_ =	shalt  }
0x54: {  	_ =	shalt  }
0x55: {  	_ =	shalt  }
0x56: {  	_ =	shalt  }
0x57: {  	_ =	shalt  }
0x58: {  	_ =	shalt  }
0x59: {  	_ =	shalt  }
0x5a: {  	_ =	shalt  }
0x5b: {  	_ =	shalt  }
0x5c: {  	_ =	shalt  }
0x5d: {  	_ =	shalt  }
0x5e: {  	_ =	shalt  }
0x5f: {  	_ =	shalt  }
0x60: {  	_ =	shalt  }
0x61: {  	_ =	shalt  }
0x62: {  	_ =	shalt  }
0x63: {  	_ =	shalt  }
0x64: {  	_ =	shalt  }
0x65: {  	_ =	shalt  }
0x66: {  	_ =	shalt  }
0x67: {  	_ =	shalt  }
0x68: {  	_ =	shalt  }
0x69: {  	_ =	shalt  }
0x6a: {  	_ =	shalt  }
0x6b: {  	_ =	shalt  }
0x6c: {  	_ =	shalt  }
0x6d: {  	_ =	shalt  }
0x6e: {  	_ =	shalt  }
0x6f: {  	_ =	shalt  }
0x70: {  	_ =	shalt  }
0x71: {  	_ =	shalt  }
0x72: {  	_ =	shalt  }
0x73: {  	_ =	shalt  }
0x74: {  	_ =	shalt  }
0x75: {  	_ =	shalt  }
0x76: {  	_ =	shalt  }
0x77: {  	_ =	shalt  }
0x78: {  	_ =	shalt  }
0x79: {  	_ =	shalt  }
0x7a: {  	_ =	shalt  }
0x7b: {  	_ =	shalt  }
0x7c: {  	_ =	shalt  }
0x7d: {  	_ =	shalt  }
0x7e: {  	_ =	shalt  }
0x7f: {  	_ =	shalt  }
0x80: {  	_ =	shalt  }
0x81: {  	_ =	shalt  }
0x82: {  	_ =	shalt  }
0x83: {  	_ =	shalt  }
0x84: {  	_ =	shalt  }
0x85: {  	_ =	shalt  }
0x86: {  	_ =	shalt  }
0x87: {  	_ =	shalt  }
.Lfunc_end0:
.L_simem_size_0:
called_computation.2_lowered:
.L_overlay_start_0:
0x88: {  	s2 =	sld [smem:$0x3FD9]  }
0x89: {  	s3 =	sld [smem:$0x3FFE];
	_ =	sdelay $0x1  }
0x8a: {  	s1 =	srdreg.scid  }
0x8b: {  	s0 =	sand.u32 $0x1, s1  }
0x8c: {  	s16 =	sshll.u32 s0, $0xA;
	s2 =	sadd.s32 s3, s2  }
0x8d: {  	s2 =	sadd.s32 s2, s16  }
0x8e: {  	[smem:$0x3FBB] =	sst s2  }
0x8f: {  	_ = 	snop  }
0x90: {  	(tm) =	ssettm $0x1  }
0x91: {  	s17 =	sld [smem:$0x3FFB];
	_ =	sdelay $0x3  }
0x92: {  	_ =	strace s17  }
0x93: {  	s2 =	sld [smem:$0x3FFC];
	_ =	sdelay $0x3  }
0x94: {  	_ =	strace s2  }
0x95: {  	s2 =	sld [smem:$0x3FFD];
	_ =	sdelay $0x3  }
0x96: {  	_ =	strace s2  }
0x97: {  	_ =	strace $0x8FFFFFFF  }
0x98: {  	s18 =	sld [smem:$0x3FDB];
	_ =	sdelay $0x1  }
0x99: {  	s19 =	simm.s32 $_scs_section_size  }
0x9a: {  	s4 =	simm.s32 $_size__tile_overlayer_lowered;
	s5 =	simm.s32 $_tile_overlayer_lowered  }
0x9b: {  	s22 =	simm.s32 $0x1BFF;
	s21 =	sshll.u32 s5, $0x1;
	s2 =	sadd.s32 s19, s18  }
0x9c: {  	s6 =	simm.s32 $0x0;
	s20 =	sshll.u32 s4, $0x1;
	s4 =	sadd.s32 s21, s2  }
0x9d: {  	[timem:s6], [sflag:s22] =	dma.local [hbm:s4], s20  }
0x9e: {  	_ =	swait.ge [sflag:s22], s20  }
0x9f: {  	s3 =	ssub.s32 $0x0, s20;
	[sflag:s22] =	ssyncset.done $0x0  }
0xa0: {  	[sflag:s22] =	ssyncadd.s32 s3;
	_ =	sdelay $0x1  }
0xa1: {  	s23 =	simm.s32 $0x1B8B  }
0xa2: {  	_ =	swait.ge [sflag:s23], $0x1  }
0xa3: {  	[sflag:s23] =	ssyncset.done $0x0  }
0xa4: {  	s25 =	simm.s32 $0x1B8E;
	s24 =	sld [smem:$0x3FFE];
	[sflag:s23] =	ssyncadd.s32 $0xFFFFFFFF  }
0xa5: {  	s26 =	simm.s32 $execute0_lowered;
	[smem:$0x3FD2] =	sst s25  }
0xa6: {  	s4 =	sshll.u32 s26, $0x1;
	_ =	strace $0x8000004C;
	[dreg:$0x1] =	wrdreg $0xFFFFFFFF  }
0xa7: {  	s28 =	simm.s32 $_size_execute0_lowered;
	s2 =	sadd.s32 s2, s4;
	[dreg:$0x0] =	wrdreg $0x0  }
0xa8: {  	s4 =	sshll.u32 s28, $0x1;
	[dreg:$0x2] =	wrdreg s2  }
0xa9: {  	[dreg:$0x3] =	wrdreg s4  }
0xaa: {  	[dreg:$0x4] =	wrdreg $0xC0  }
0xab: {  	_ =	task [dreg:s6], $0x5FFFF  }
0xac: {  	[dreg:$0x1] =	wrdreg $0xFFFFFFFF  }
0xad: {  	[dreg:$0x0] =	wrdreg $0x60  }
0xae: {  	[dreg:$0x2] =	wrdreg s24  }
0xaf: {  	[dreg:$0x3] =	wrdreg $0x0  }
0xb0: {  	[dreg:$0x4] =	wrdreg $0x9  }
0xb1: {  	_ =	task.clear_ibuf [dreg:s6], $0x5FFFF;
	_ =	strace $0x9000004C  }
0xb2: {  	s29 =	simm.s32 $0x9;
	_ =	strace $0x8000004E  }
0xb3: {  	_ =	swait.ge [sflag:s29], $0x1  }
0xb4: {  	[sflag:s29] =	ssyncadd.s32 $0xFFFFFFFF  }
0xb5: {  	_ =	strace $0x9000004E  }
0xb6: {  	_ =	sfence  }
0xb7: {  	s30 =	sld [smem:$0x0];
	_ =	sdelay $0x2  }
0xb8: {  	s31 =	sshll.u32 s1, $0xD;
	s1 =	sshrl.u32 s1, $0x2  }
0xb9: {  	s3 =	sand.u32 $0x4000, s31;
	s1 =	sadd.s32 s1, s30  }
0xba: {  	s0 =	sor.u32 s3, s0;
	s1 =	sshll.u32 s1, $0x11  }
0xbb: {  	s0 =	sor.u32 s1, s0  }
0xbc: {  	s0 =	sadd.s32 $0x8F2B, s0  }
0xbd: {  	[sflag:s0] =	ssyncadd.remote.s32 $0x1  }
0xbe: {  	_ =	sfence.sel $0xFFFF  }
0xbf: {  	[dreg:$0x0] =	wrdreg $0xFFFFFFFF;
	(pc) =	sbr.abs _section_cstart, $3  }
0xc0: {  	[dreg:$0x1] =	wrdreg $0xFFFFFFFF  }
0xc1: {  	_ =	task.clear_ibuf [dreg:s6], $0x2FFFF;
	_ =	strace $0x9FFFFFFF  }
0xc2: {  	(tm) =	ssettm $0x7FFFFFFF  }
0xc3: {  	_ =	shalt  }
tec
execute0_lowered:
.L_overlay_start_1:
0x0: {  	(tag) =	ssettag $0x1  }
0x1: {  	s0 =	rddreg [dreg:$0x0]  }
0x2: {  	s1 =	rddreg [dreg:$0x1];
	s2 =	simm.s32 $0x0  }
0x3: {  	s6 =	stileid.u32;
	s5 =	srdreg.scid;
	s28 =	simm.s32 $0x13A00  }
0x4: {  	s29 =	simm.s32 $0x1;
	s30 =	simm.s32 $0x80;
	s31 =	simm.s32 $0x13B80  }
0x5: {  	[smem:$0x7FF] =	sst s2;
	s7 =	smul.u32 $0x2700, s6;
	s3 =	sadd.s32 $0x3E800, s0  }
0x6: {  	s4 =	sadd.s32 $0xD800, s0;
	s9 =	sand.u32 $0x1, s5;
	s5 =	sadd.s32 $0x3A00, s0  }
0x7: {  	s12 =	sshll.u32 s6, $0x1;
	s13 =	smul.u32 $0x4E000, s6;
	s14 =	sadd.s32 $0x65A00, s0  }
0x8: {  	s18 =	sshll.u32 s6, $0x6;
	s19 =	sadd.s32 $0x138000, s1;
	s24 =	smul.u32 $0x4E00, s6  }
0x9: {  	p0 =	sne.s32 s6, $0x0;
	p1 =	sgt.u32 s6, $0x1;
	s6 =	simm.s32 $0x7  }
0xa: {  	_ =	strace $0x8000004D;
	s10 =	ssub.s32 $0x2, s9;
	s23 =	smul.u32 $0x138800, s9  }
0xb: {  	s16 =	sor.u32 s9, s12;
	[dreg:$0x6] =	wrdreg s19;
	s26 =	smul.u32 $0x2700, s9  }
0xc: {  	s9 =	smul.u32 $0x27100, s9;
	s8 =	sadd.s32 s7, s0;
	s11 =	sshrl.u32 s10, $0x1  }
0xd: {  	s17 =	sshrl.u32 s13, $0x2;
	s15 =	smul.u32 $0x2700, s16;
	s0 =	sadd.s32 $0x3E600, s0  }
0xe: {  	s13 =	simm.s32 $0x13B00;
	s10 =	ssub.s32 s10, s11;
	s12 =	sadd.s32 s17, s1  }
0xf: {  	s8 =	sadd.s32 $0x17600, s8;
	s17 =	sor.u32 $0x1C0B, s18;
	[dreg:$0x7] =	wrdreg s0  }
0x10: {  	s11 =	sshll.u32 s16, $0x4;
	s18 =	sshrl.u32 s23, $0x3;
	[dreg:$0x3] =	wrdreg s12  }
0x11: {  	s19 =	sadd.s32 s26, s24;
	[dreg:$0x4] =	wrdreg s8;
	s20 =	sshrl.u32 s15, $0x3  }
0x12: {  	s11 =	sor.u32 $0x9C00, s11;
	s24 =	smax.u32 s10, $0x1;
	[dreg:$0x5] =	wrdreg s17  }
0x13: {  	s26 =	sadd.s32 $0x100, s19;
	s15 =	simm.s32 $0xB;
	[dreg:$0x10] =	wrdreg s24  }
0x14: {  	s10 =	simm.s32 $0x9;
	s21 =	sadd.s32 s4, s20;
	[dreg:$0x13] =	wrdreg s26  }
0x15: {  	s12 =	simm.s32 $0x6;
	s22 =	sadd.s32 s5, s20;
	[dreg:$0x8] =	wrdreg s21  }
0x16: {  	s0 =	sor.u32 $0x10, s20;
	s8 =	sadd.s32 s4, s11;
	[dreg:$0x9] =	wrdreg s22  }
0x17: {  	s16 =	sadd.s32 s5, s11;
	s20 =	sadd.s32 s14, s18;
	[dreg:$0xc] =	wrdreg s8  }
0x18: {  	s24 =	simm.s32 $0x13880;
	s25 =	sadd.s32 s4, s0;
	[dreg:$0xd] =	wrdreg s16  }
0x19: {  	s26 =	simm.s32 $0x13900;
	s0 =	sadd.s32 s5, s0;
	[dreg:$0xa] =	wrdreg s25  }
0x1a: {  	s21 =	sadd.s32 $0x180, s19;
	s22 =	sadd.s32 $0x27000, s20;
	[dreg:$0xb] =	wrdreg s0  }
.Ltmp0:
0x1b: {  	s0 =	sadd.s32 s7, s9;
	[dreg:$0xf] =	wrdreg s22;
	(pc) =	sbr.rel .LBB2_1-.Ltmp0, $4  }
0x1c: {  	s23 =	sshrl.u32 s21, $0x3;
	s7 =	simm.s32 $0x8;
	s0 =	sadd.s32 s14, s0  }
0x1d: {  	s9 =	simm.s32 $0x4;
	s25 =	sadd.s32 s23, s5;
	[dreg:$0xe] =	wrdreg s0  }
0x1e: {  	s14 =	simm.s32 $0x0;
	[dreg:$0x11] =	wrdreg s25;
	s0 =	sadd.s32 s23, s4  }
0x1f: {  	s25 =	simm.s32 $0x17B80;
	[dreg:$0x12] =	wrdreg s0;
	s0 =	simm.s32 $0x2  }
.LBB2_8:
0x20: {  	_ =	swait.ge [sflag:s10], $0x4000  }
0x21: {  	[sflag:s10] =	ssyncset.done $0x0  }
0x22: {  	s8 =	simm.s32 $0xA;
	[sflag:s10] =	ssyncadd.s32 $0xFFFFC000  }
0x23: {  	_ =	swait.ge [sflag:s8], $0x4000  }
0x24: {  	s11 =	simm.s32 @!p1 $0x13880;
	[sflag:s8] =	ssyncset.done $0x0  }
0x25: {  	s15 =	rddreg [dreg:$0xc];
	[sflag:s8] =	ssyncadd.s32 $0xFFFFC000;
	s8 =	simm.s32 @!p1 $0x0  }
0x26: {  	[tilespmem:s11], [sflag:$0xB] =	stream.linear.gather @!p1 [hbm4b:s15+s8], $0x80, $0x38;
	[tilespmem:$0x1BB80] =	vst v63  }
0x27: {  	s15 =	simm.s32 @!p1 $0xB  }
0x28: {  	_ =	swait.ge @!p1 [sflag:s15], $0x80  }
0x29: {  	[sflag:s15] =	ssyncset.done @!p1 $0x0  }
0x2a: {  	s17 =	simm.s32 @!p1 $0x80;
	s18 =	simm.s32 @!p1 $0x13B80;
	[sflag:s15] =	ssyncadd.s32 @!p1 $0xFFFFFF80  }
0x2b: {  	[tilespmem:s18], [sflag:$0x7] =	stream.indirect.gather @!p1 [hbm4b:s3+s17], $0x80, s11, s17, $0xb8;
	[tilespmem:$0x1BB80] =	vst v63  }
0x2c: {  	s11 =	simm.s32 @!p1 $0x7  }
0x2d: {  	_ =	swait.ge @!p1 [sflag:s11], $0x4000  }
0x2e: {  	[sflag:s11] =	ssyncset.done @!p1 $0x0  }
0x2f: {  	s19 =	rddreg [dreg:$0xd];
	[sflag:s11] =	ssyncadd.s32 @!p1 $0xFFFFC000;
	s11 =	simm.s32 @!p1 $0x13980  }
0x30: {  	[tilespmem:s11], [sflag:$0xB] =	stream.linear.gather @!p1 [hbm4b:s19+s8], $0x80, $0x38;
	[tilespmem:$0x1BB80] =	vst v63  }
0x31: {  	_ =	swait.ge @!p1 [sflag:s15], $0x80  }
0x32: {  	[sflag:s15] =	ssyncset.done @!p1 $0x0  }
0x33: {  	[sflag:s15] =	ssyncadd.s32 @!p1 $0xFFFFFF80  }
0x34: {  	[spmem:s1] =	stream.indirect.scatter.add.f32 @!p1 [tilespmem:s18], [sflag:$0xB], $0x80, s11, s17, $0xb8;
	[tilespmem:$0x1BB80] =	vst v63  }
0x35: {  	_ =	swait.ge @!p1 [sflag:s15], $0x4000  }
0x36: {  	[sflag:s15] =	ssyncset.done @!p1 $0x0  }
0x37: {  	[sflag:s15] =	ssyncadd.s32 @!p1 $0xFFFFC000  }
0x38: {  	[bflag:$0x0] =	sbarrier.arrive $0xFFFF  }
0x39: {  	s17 =	rddreg [dreg:$0x5]  }
0x3a: {  	s21 =	rddreg [dreg:$0xe]  }
0x3b: {  	s15 =	simm.s32 $0xB;
	s22 =	rddreg [dreg:$0x14]  }
0x3c: {  	[hbm:s21], [sflag:s17] =	dma.local [spmem:s22], $0x2700  }
0x3d: {  	_ =	swait.ge [sflag:s15], $0x2700  }
0x3e: {  	[sflag:s15] =	ssyncset.done $0x0  }
0x3f: {  	s8 =	rddreg [dreg:$0xf];
	[sflag:s15] =	ssyncadd.s32 $0xFFFFD900  }
0x40: {  	[hbm:s8], [sflag:s17] =	dma.local @!p0 [spmem:s16], $0x100  }
0x41: {  	s8 =	simm.s32 @!p0 $0xB  }
0x42: {  	_ =	swait.ge @!p0 [sflag:s8], $0x100  }
0x43: {  	s14 =	sadd.s32 $0x1, s14;
	s23 =	rddreg [dreg:$0x10]  }
0x44: {  	p2 =	sne.s32 s14, s23  }
.Ltmp1:
0x45: {  	_ = 	snop;
	(pc) =	sbr.rel @!p2 .LBB2_9-.Ltmp1, $3  }
0x46: {  	_ =	sdelay $0x1  }
0x47: {  	[sflag:s8] =	ssyncset.done @!p0 $0x0  }
0x48: {  	[sflag:s8] =	ssyncadd.s32 @!p0 $0xFFFFFF00  }
.LBB2_1:
0x49: {  	s8 =	rddreg [dreg:$0x3]  }
0x4a: {  	s18 =	rddreg [dreg:$0x4];
	s11 =	sshrl.u32 s8, $0x3  }
0x4b: {  	[dreg:$0x14] =	wrdreg s11  }
0x4c: {  	[spmem:s11], [sflag:s17] =	dma.local [hbm:s18], $0x2700  }
0x4d: {  	_ =	swait.ge [sflag:s15], $0x2700  }
0x4e: {  	[sflag:s15] =	ssyncset.done $0x0;
	s8 =	rddreg [dreg:$0x6]  }
0x4f: {  	[sflag:s15] =	ssyncadd.s32 $0xFFFFD900;
	s16 =	sshrl.u32 @!p0 s8, $0x3;
	s8 =	rddreg [dreg:$0x7]  }
0x50: {  	[spmem:s16], [sflag:s17] =	dma.local @!p0 [hbm:s8], $0x100  }
0x51: {  	s17 =	simm.s32 @!p0 $0xB  }
0x52: {  	_ =	swait.ge @!p0 [sflag:s17], $0x100  }
0x53: {  	[sflag:s17] =	ssyncset.done @!p0 $0x0  }
0x54: {  	[sflag:s17] =	ssyncadd.s32 @!p0 $0xFFFFFF00  }
0x55: {  	[bflag:$0x0] =	sbarrier.arrive $0xFFFF  }
0x56: {  	s19 =	rddreg [dreg:$0x8]  }
0x57: {  	[tilespmem:s24], [sflag:$0x1] =	stream.linear.gather [hbm4b:s19+s2], $0x80, $0x38;
	[tilespmem:$0x1BB80] =	vst v63  }
0x58: {  	s21 =	simm.s32 $0x13980;
	s20 =	rddreg [dreg:$0x9]  }
0x59: {  	[tilespmem:s21], [sflag:$0x3] =	stream.linear.gather [hbm4b:s20+s2], $0x80, $0x38;
	[tilespmem:$0x1BB80] =	vst v63  }
0x5a: {  	s22 =	rddreg [dreg:$0xa]  }
0x5b: {  	[tilespmem:s26], [sflag:$0x2] =	stream.linear.gather [hbm4b:s22+s2], $0x80, $0x38;
	[tilespmem:$0x1BB80] =	vst v63  }
0x5c: {  	s23 =	rddreg [dreg:$0xb]  }
0x5d: {  	[tilespmem:s28], [sflag:$0x4] =	stream.linear.gather [hbm4b:s23+s2], $0x80, $0x38;
	[tilespmem:$0x1BB80] =	vst v63  }
.Ltmp2:
0x5e: {  	_ =	swait.ge [sflag:s29], $0x80;
	(pc) =	sbr.rel .LBB2_2-.Ltmp2, $4  }
0x5f: {  	s22 =	rddreg [dreg:$0x13]  }
0x60: {  	s17 =	simm.s32 $0x3;
	[sflag:s29] =	ssyncset.done $0x0;
	s21 =	rddreg [dreg:$0x12]  }
0x61: {  	s19 =	simm.s32 $0x0;
	s20 =	rddreg [dreg:$0x11];
	[sflag:s29] =	ssyncadd.s32 $0xFFFFFF80  }
0x62: {  	[tilespmem:s31], [sflag:$0x7] =	stream.indirect.gather [hbm4b:s3+s30], $0x80, s24, s30, $0xb8;
	[tilespmem:$0x1BB80] =	vst v63  }
.LBB2_6:
0x63: {  	_ =	swait.ge [sflag:s12], $0x80  }
0x64: {  	[sflag:s12] =	ssyncset.done $0x0  }
0x65: {  	[sflag:s12] =	ssyncadd.s32 $0xFFFFFF80  }
0x66: {  	[spmem:s1] =	stream.indirect.scatter.add.f32 [tilespmem:s25], [sflag:$0xA], $0x80, s13, s30, $0xb8;
	[tilespmem:$0x1BB80] =	vst v63  }
0x67: {  	_ = 	snop  }
0x68: {  	[tilespmem:s26], [sflag:$0x2] =	stream.linear.gather [hbm4b:s21+s2], $0x80, $0x38;
	[tilespmem:$0x1BB80] =	vst v63  }
0x69: {  	_ = 	snop  }
0x6a: {  	[tilespmem:s28], [sflag:$0x4] =	stream.linear.gather [hbm4b:s20+s2], $0x80, $0x38;
	[tilespmem:$0x1BB80] =	vst v63  }
.LBB2_7:
0x6b: {  	s17 =	sadd.s32 $0x2, s17  }
0x6c: {  	p2 =	sne.s32 s17, $0x51  }
.Ltmp3:
0x6d: {  	_ = 	snop;
	(pc) =	sbr.rel @!p2 .LBB2_8-.Ltmp3, $3  }
0x6e: {  	_ =	sdelay $0x1  }
0x6f: {  	s19 =	sadd.s32 $0x1, s19  }
0x70: {  	s20 =	sadd.s32 $0x20, s20;
	s21 =	sadd.s32 $0x20, s21;
	s22 =	sadd.s32 $0x100, s22  }
.LBB2_2:
0x71: {  	_ =	swait.ge [sflag:s0], $0x80  }
0x72: {  	p2 =	seq.s32 s17, $0x3;
	[sflag:s0] =	ssyncset.done $0x0  }
0x73: {  	s18 =	simm.s32 @!p2 $0xA;
	[sflag:s0] =	ssyncadd.s32 $0xFFFFFF80  }
0x74: {  	_ =	swait.ge @!p2 [sflag:s18], $0x4000  }
0x75: {  	[sflag:s18] =	ssyncset.done @!p2 $0x0  }
0x76: {  	[sflag:s18] =	ssyncadd.s32 @!p2 $0xFFFFC000  }
0x77: {  	[tilespmem:s25], [sflag:$0x8] =	stream.indirect.gather [hbm4b:s3+s30], $0x80, s26, s30, $0xb8;
	[tilespmem:$0x1BB80] =	vst v63  }
0x78: {  	s18 =	sand.u32 $0x1, s19;
	_ =	swait.ge [sflag:s6], $0x4000  }
0x79: {  	p2 =	seq.s32 s18, $0x1;
	[sflag:s6] =	ssyncset.done $0x0  }
0x7a: {  	s11 =	simm.s32 @p2 $0x5;
	[sflag:s6] =	ssyncadd.s32 $0xFFFFC000  }
0x7b: {  	_ =	swait.ge @p2 [sflag:s11], $0x80  }
0x7c: {  	s23 =	simm.s32 @p2 $0x13A80;
	[sflag:s11] =	ssyncset.done @p2 $0x0  }
0x7d: {  	s8 =	simm.s32 @p2 $0x13B80;
	[sflag:s11] =	ssyncadd.s32 @p2 $0xFFFFFF80;
	s11 =	simm.s32 @p2 $0x80  }
0x7e: {  	[spmem:s1] =	stream.indirect.scatter.add.f32 @p2 [tilespmem:s8], [sflag:$0x9], $0x80, s23, s11, $0xb8;
	[tilespmem:$0x1BB80] =	vst v63  }
0x7f: {  	s8 =	sshrl.u32 @p2 s22, $0x3  }
0x80: {  	s15 =	simm.s32 @p2 $0x13880;
	s23 =	simm.s32 @p2 $0x0;
	s11 =	sadd.s32 @p2 s4, s8  }
0x81: {  	[tilespmem:s15], [sflag:$0x1] =	stream.linear.gather @p2 [hbm4b:s11+s23], $0x80, $0x38;
	[tilespmem:$0x1BB80] =	vst v63  }
0x82: {  	s8 =	sadd.s32 @p2 s5, s8;
	s11 =	simm.s32 @p2 $0x13980  }
0x83: {  	[tilespmem:s11], [sflag:$0x3] =	stream.linear.gather @p2 [hbm4b:s8+s23], $0x80, $0x38;
	[tilespmem:$0x1BB80] =	vst v63  }
0x84: {  	s8 =	simm.s32 @!p2 $0x3  }
0x85: {  	_ =	swait.ge @!p2 [sflag:s8], $0x80  }
0x86: {  	s15 =	simm.s32 @!p2 $0x13B80;
	[sflag:s8] =	ssyncset.done @!p2 $0x0  }
0x87: {  	s11 =	simm.s32 @!p2 $0x13980;
	[sflag:s8] =	ssyncadd.s32 @!p2 $0xFFFFFF80;
	s8 =	simm.s32 @!p2 $0x80  }
0x88: {  	[spmem:s1] =	stream.indirect.scatter.add.f32 @!p2 [tilespmem:s15], [sflag:$0x9], $0x80, s11, s8, $0xb8;
	[tilespmem:$0x1BB80] =	vst v63  }
0x89: {  	s8 =	sadd.s32 @!p2 $0xFFFFFFFF, s17  }
0x8a: {  	p3 =	sgt.u32 @!p2 s8, $0x4D  }
0x8b: {  	p2 =	por p3, p2  }
0x8c: {  	s8 =	sshrl.u32 @!p2 s22, $0x3  }
0x8d: {  	s15 =	simm.s32 @!p2 $0x0;
	s23 =	simm.s32 @!p2 $0x13880;
	s11 =	sadd.s32 @!p2 s4, s8  }
0x8e: {  	[tilespmem:s23], [sflag:$0x1] =	stream.linear.gather @!p2 [hbm4b:s11+s15], $0x80, $0x38;
	[tilespmem:$0x1BB80] =	vst v63  }
0x8f: {  	s8 =	sadd.s32 @!p2 s5, s8;
	s11 =	simm.s32 @!p2 $0x13A80  }
0x90: {  	[tilespmem:s11], [sflag:$0x5] =	stream.linear.gather @!p2 [hbm4b:s8+s15], $0x80, $0x38;
	[tilespmem:$0x1BB80] =	vst v63  }
0x91: {  	p2 =	sne.s32 s17, $0x4F  }
.Ltmp4:
0x92: {  	_ = 	snop;
	(pc) =	sbr.rel @p2 .LBB2_4-.Ltmp4, $1  }
0x93: {  	_ =	sdelay $0x3  }
.Ltmp5:
0x94: {  	(pc) =	sbr.rel .LBB2_5-.Ltmp5, $4  }
0x95: {  	_ = 	snop  }
0x96: {  	_ =	swait.ge [sflag:s7], $0x4000  }
0x97: {  	[sflag:s7] =	ssyncset.done $0x0  }
0x98: {  	[sflag:s7] =	ssyncadd.s32 $0xFFFFC000  }
.LBB2_4:
0x99: {  	_ =	swait.ge [sflag:s29], $0x80  }
0x9a: {  	[sflag:s29] =	ssyncset.done $0x0  }
0x9b: {  	[sflag:s29] =	ssyncadd.s32 $0xFFFFFF80  }
0x9c: {  	_ =	swait.ge [sflag:s10], $0x4000  }
0x9d: {  	p2 =	sne.s32 s18, $0x0;
	[sflag:s10] =	ssyncset.done $0x0  }
.Ltmp6:
0x9e: {  	[sflag:s10] =	ssyncadd.s32 $0xFFFFC000;
	(pc) =	sbr.rel @p2 .LBB2_6-.Ltmp6, $4  }
0x9f: {  	[tilespmem:s31], [sflag:$0x7] =	stream.indirect.gather [hbm4b:s3+s30], $0x80, s24, s30, $0xb8;
	[tilespmem:$0x1BB80] =	vst v63  }
0xa0: {  	_ =	swait.ge [sflag:s7], $0x4000  }
0xa1: {  	[sflag:s7] =	ssyncset.done $0x0  }
0xa2: {  	[sflag:s7] =	ssyncadd.s32 $0xFFFFC000  }
.LBB2_5:
0xa3: {  	_ =	swait.ge [sflag:s9], $0x80  }
0xa4: {  	[sflag:s9] =	ssyncset.done $0x0  }
0xa5: {  	[sflag:s9] =	ssyncadd.s32 $0xFFFFFF80  }
0xa6: {  	[spmem:s1] =	stream.indirect.scatter.add.f32 [tilespmem:s25], [sflag:$0xA], $0x80, s28, s30, $0xb8;
	[tilespmem:$0x1BB80] =	vst v63  }
.Ltmp7:
0xa7: {  	p2 =	sgt.u32 s17, $0x4D;
	(pc) =	sbr.rel .LBB2_7-.Ltmp7, $4  }
0xa8: {  	s8 =	simm.s32 @!p2 $0x0;
	s11 =	simm.s32 @!p2 $0x13900  }
0xa9: {  	[tilespmem:s11], [sflag:$0x2] =	stream.linear.gather @!p2 [hbm4b:s21+s8], $0x80, $0x38;
	[tilespmem:$0x1BB80] =	vst v63  }
0xaa: {  	s11 =	simm.s32 @!p2 $0x13B00  }
0xab: {  	[tilespmem:s11], [sflag:$0x6] =	stream.linear.gather @!p2 [hbm4b:s20+s8], $0x80, $0x38;
	[tilespmem:$0x1BB80] =	vst v63  }
.LBB2_9:
0xac: {  	_ =	sfence.sel $0x180000  }
0xad: {  	[bflag:$0x0] =	sbarrier.arrive $0xFFFF  }
0xae: {  	_ =	strace $0x9000004D  }
0xaf: {  	[bflag:$0x2] =	sbarrier.arrive $0xFFFF  }
0xb0: {  	s0 =	rddreg [dreg:$0x2]  }
0xb1: {  	s0 =	sadd.s32 @!p0 $0x100000, s0  }
0xb2: {  	[sflag:s0] =	ssyncadd.tile.s32 @!p0 $0x1;
	_ =	shalt  }
.Lfunc_end2:
_tile_overlayer_lowered:
.L_overlay_start_2:
0xb3: {  	(tag) =	ssettag $0x2  }
0xb4: {  	s0 =	rddreg [dreg:$0x0];
	s2 =	stileid.u32  }
0xb5: {  	s1 =	rddreg [dreg:$0x1];
	p0 =	sne.s32 s2, $0x0  }
0xb6: {  	s3 =	rddreg [dreg:$0x2];
	[bflag:$0x3] =	sbarrier.arrive $0xFFFF;
	s2 =	simm.s32 @!p0 $0x1C0B  }
0xb7: {  	[timem:s3], [sflag:s2] =	dma.local @!p0 [hbm:s0], s1  }
0xb8: {  	s0 =	simm.s32 @!p0 $0xB  }
0xb9: {  	_ =	swait.ge @!p0 [sflag:s0], s1  }
0xba: {  	s1 =	ssub.s32 @!p0 $0x0, s1;
	[sflag:s0] =	ssyncset.done @!p0 $0x0  }
0xbb: {  	[sflag:s0] =	ssyncadd.s32 @!p0 s1  }
0xbc: {  	[bflag:$0x3] =	sbarrier.arrive $0xFFFF  }
0xbd: {  	_ =	shalt  }

</sc_bundles>
